<compile_context>
chip_gen: v7x
topology: tpu7x:2x2x1
jax: 0.10.2.dev20260603
libtpu: 0.0.44.dev20260713+nightly
codegen_flags: <defaults>
</compile_context>

<pallas_src>
import functools

import jax
import jax.numpy as jnp
from jax import lax
from jax.experimental import pallas as pl
from jax.experimental.pallas import tpu as pltpu
from jax.experimental.pallas import tpu_sc as plsc

BATCH = 4096
SEQ = 200
EMBED_DIM = 64
NUM_CLASSES = 200
VOCAB = 1000000

NUM_CORES = 2
NUM_SUBCORES = 16
NUM_WORKERS = NUM_CORES * NUM_SUBCORES
ROWS_PER_WORKER = BATCH // NUM_WORKERS
NBUF = 2
SPLIT_A = 104
SPLIT_B = SEQ - SPLIT_A
LANES = 16
DCHUNKS = EMBED_DIM // LANES
CHUNK_OFFS = tuple(range(0, SEQ - LANES, LANES)) + (SEQ - LANES,)

DETILE_CHUNK = 2048
DETILE_GRID = -(-VOCAB // DETILE_CHUNK)
PACKED_ROWS = DETILE_GRID * (DETILE_CHUNK // 2)


def _detile_body(x_ref, o_ref):
    y = x_ref[...].T
    o_ref[...] = jnp.concatenate(
        [y[: DETILE_CHUNK // 2], y[DETILE_CHUNK // 2 :]], axis=1
    )


def _tc_detile(table_t):
    return pl.pallas_call(
        _detile_body,
        grid=(DETILE_GRID,),
        in_specs=[
            pl.BlockSpec((EMBED_DIM, DETILE_CHUNK), lambda i: (0, i)),
        ],
        out_specs=pl.BlockSpec((DETILE_CHUNK // 2, 128), lambda i: (i, 0)),
        out_shape=jax.ShapeDtypeStruct((PACKED_ROWS, 128), jnp.float32),
    )(table_t)


def _sc_body(ids_hbm, table_hbm, out_hbm, idx_v, bufs, qbufs, aggbuf, t01, sems):
    wid = lax.axis_index("s") * NUM_CORES + lax.axis_index("c")
    base = wid * ROWS_PER_WORKER

    pltpu.sync_copy(ids_hbm.at[pl.ds(base, ROWS_PER_WORKER)], idx_v)
    pltpu.sync_copy(table_hbm.at[pl.ds(0, 1)], t01.at[pl.ds(0, 1)])
    pltpu.sync_copy(table_hbm.at[pl.ds(2, 1)], t01.at[pl.ds(1, 1)])

    def prep_qidx(r, qv):
        for off in CHUNK_OFFS:
            t = idx_v[r, pl.ds(off, LANES)]
            q = (
                ((t >> 11) << 11)
                + ((t & 1023) << 1)
                + ((t >> 10) & 1)
            )
            qv[pl.ds(off, LANES)] = q

    def gather_row(buf, qv, sem):
        c0 = pltpu.make_async_copy(
            table_hbm.at[qv.at[pl.ds(0, SPLIT_A)]],
            buf.at[pl.ds(0, SPLIT_A)],
            sem,
        )
        c1 = pltpu.make_async_copy(
            table_hbm.at[qv.at[pl.ds(SPLIT_A, SPLIT_B)]],
            buf.at[pl.ds(SPLIT_A, SPLIT_B)],
            sem,
        )
        return c0, c1

    for p in range(NBUF):
        prep_qidx(p, qbufs[p])
        c0, c1 = gather_row(bufs[p], qbufs[p], sems[p])
        c0.start()
        c1.start()

    lane = lax.iota(jnp.int32, 16)
    tail_mask = lane >= (LANES - SEQ % LANES)

    def process_row(r, buf):
        n0 = jnp.zeros((LANES,), jnp.int32)
        n1 = jnp.zeros((LANES,), jnp.int32)
        for k in range(SEQ // LANES):
            v = idx_v[r, pl.ds(k * LANES, LANES)]
            n0 += plsc.all_reduce_population_count(v == 0)
            n1 += plsc.all_reduce_population_count(v == 1)
        v = idx_v[r, pl.ds(SEQ - LANES, LANES)]
        n0 += plsc.all_reduce_population_count((v == 0) & tail_mask)
        n1 += plsc.all_reduce_population_count((v == 1) & tail_mask)

        def acc_body(j, accs):
            return tuple(
                accs[c] + buf[j, pl.ds(c * LANES, LANES)] for c in range(DCHUNKS)
            )

        zero = jnp.zeros((LANES,), jnp.float32)
        accs = lax.fori_loop(0, SEQ, acc_body, (zero,) * DCHUNKS)

        n0f = n0.astype(jnp.float32)
        n1f = n1.astype(jnp.float32)
        inv = 1.0 / (float(SEQ) - n0f - n1f)
        for c in range(DCHUNKS):
            t0c = t01[0, pl.ds(c * LANES, LANES)]
            t1c = t01[1, pl.ds(c * LANES, LANES)]
            aggbuf[r, pl.ds(c * LANES, LANES)] = (
                accs[c] - n0f * t0c - n1f * t1c
            ) * inv

    def loop_body(i, carry):
        for p in range(NBUF):
            r = i * NBUF + p
            c0, c1 = gather_row(bufs[p], qbufs[p], sems[p])
            c0.wait()
            c1.wait()
            process_row(r, bufs[p])

            @pl.when(r + NBUF < ROWS_PER_WORKER)
            def _():
                prep_qidx(r + NBUF, qbufs[p])
                d0, d1 = gather_row(bufs[p], qbufs[p], sems[p])
                d0.start()
                d1.start()

        return carry

    lax.fori_loop(0, ROWS_PER_WORKER // NBUF, loop_body, 0)

    pltpu.sync_copy(aggbuf, out_hbm.at[pl.ds(base, ROWS_PER_WORKER)])


def _sc_agg(input_ids, table_lin):
    mesh = plsc.VectorSubcoreMesh(
        core_axis_name="c",
        subcore_axis_name="s",
        num_cores=NUM_CORES,
        num_subcores=NUM_SUBCORES,
    )

    def body(
        ids_hbm, table_hbm, out_hbm, idx_v, b0, b1, q0, q1, aggbuf, t01, s0, s1
    ):
        _sc_body(
            ids_hbm,
            table_hbm,
            out_hbm,
            idx_v,
            (b0, b1),
            (q0, q1),
            aggbuf,
            t01,
            (s0, s1),
        )

    return pl.kernel(
        body,
        out_type=jax.ShapeDtypeStruct((BATCH, EMBED_DIM), jnp.float32),
        mesh=mesh,
        compiler_params=pltpu.CompilerParams(
            use_tc_tiling_on_sc=False, needs_layout_passes=False
        ),
        scratch_types=[
            pltpu.VMEM((ROWS_PER_WORKER, SEQ), jnp.int32),
            pltpu.VMEM((SEQ, EMBED_DIM), jnp.float32),
            pltpu.VMEM((SEQ, EMBED_DIM), jnp.float32),
            pltpu.VMEM((SEQ,), jnp.int32),
            pltpu.VMEM((SEQ,), jnp.int32),
            pltpu.VMEM((ROWS_PER_WORKER, EMBED_DIM), jnp.float32),
            pltpu.VMEM((2, EMBED_DIM), jnp.float32),
            pltpu.SemaphoreType.DMA,
            pltpu.SemaphoreType.DMA,
        ],
    )(input_ids, table_lin)


def _mm_body(x_ref, w_ref, b_ref, o_ref):
    o_ref[...] = (
        lax.dot_general(
            x_ref[...],
            w_ref[...],
            (((1,), (1,)), ((), ())),
            preferred_element_type=jnp.float32,
        )
        + b_ref[...]
    )


def _tc_classify(agg, fc_w, fc_b):
    return pl.pallas_call(
        _mm_body,
        out_shape=jax.ShapeDtypeStruct((BATCH, NUM_CLASSES), jnp.float32),
    )(agg, fc_w, fc_b)


def kernel(input_ids, emb_table, fc_w, fc_b):
    tbl_packed = _tc_detile(emb_table.T)
    tbl_lin = tbl_packed.reshape(2 * PACKED_ROWS, EMBED_DIM)
    agg = _sc_agg(input_ids.astype(jnp.int32), tbl_lin)
    return _tc_classify(agg, fc_w, fc_b.reshape(1, NUM_CLASSES))

# --- scband reference (transcript-rebuilt; emitter-appended) ---
"""Pipeline reference for scband-con-lid-75883482186284 (READ-ONLY COPY).

The authoritative reference and input builder live on the scoring server;
editing this copy changes nothing except your own understanding.
"""

import jax, jax.numpy as jnp
import numpy as np

VOCAB_SIZE = 1000000
EMBED_DIM = 64
NUM_CLASSES = 200
BATCH = 4096
SEQ = 200
PAD_ID = 0
UNK_ID = 1


def setup_inputs(seed: int = 0) -> dict:
    key = jax.random.key(seed)
    k1, k2, k3, k4 = jax.random.split(key, 4)
    input_ids = jax.random.randint(k1, (BATCH, SEQ), 0, VOCAB_SIZE, dtype=jnp.int64 if jax.config.jax_enable_x64 else jnp.int32)
    emb_table = jax.random.normal(k2, (VOCAB_SIZE, EMBED_DIM), dtype=jnp.float32)
    fc_w = jax.random.normal(k3, (NUM_CLASSES, EMBED_DIM), dtype=jnp.float32) * (1.0 / np.sqrt(EMBED_DIM))
    fc_b = jax.random.normal(k4, (NUM_CLASSES,), dtype=jnp.float32) * 0.01
    return {"input_ids": input_ids, "emb_table": emb_table, "fc_w": fc_w, "fc_b": fc_b}


def reference(input_ids, emb_table, fc_w, fc_b):
    # mask out pad and unk tokens
    mask = ~((input_ids == UNK_ID) | (input_ids == PAD_ID))
    maskf = mask.astype(jnp.float32)
    # embedding lookup (gather)
    embeddings = jnp.take(emb_table, input_ids, axis=0)  # [B, S, D]
    # mean aggregation over sequence with masking
    agg = jnp.sum(embeddings * maskf[..., None], axis=1) / jnp.sum(maskf, axis=1, keepdims=True)
    # original module detaches the aggregated embeddings
    agg = jax.lax.stop_gradient(agg)
    # final linear classifier
    logits = agg @ fc_w.T + fc_b
    return logits

if __name__ == "__main__":
    import jax
    _d = setup_inputs()
    print(jax.jit(kernel)(*tuple(_d.values())))

</pallas_src>

<mosaic_0001>
#map = affine_map<(d0, d1) -> (0, 0)>
module attributes {stable_mosaic.version = 14 : i64} {
  func.func @body(%arg0: i32, %arg1: i32, %arg2: memref<4096x200xi32, #tpu.memory_space<hbm>>, %arg3: memref<1001472x64xf32, #tpu.memory_space<hbm>>, %arg4: memref<4096x64xf32, #tpu.memory_space<hbm>>, %arg5: memref<128x200xi32, #tpu.memory_space<vmem>>, %arg6: memref<200x64xf32, #tpu.memory_space<vmem>>, %arg7: memref<200x64xf32, #tpu.memory_space<vmem>>, %arg8: memref<200xi32, #tpu.memory_space<vmem>>, %arg9: memref<200xi32, #tpu.memory_space<vmem>>, %arg10: memref<128x64xf32, #tpu.memory_space<vmem>>, %arg11: memref<2x64xf32, #tpu.memory_space<vmem>>, %arg12: memref<!tpu.dma_semaphore, #tpu.memory_space<semaphore_mem>>, %arg13: memref<!tpu.dma_semaphore, #tpu.memory_space<semaphore_mem>>) attributes {dimension_semantics = [#tpu.dimension_semantics<core_parallel>, #tpu.dimension_semantics<subcore_parallel>], iteration_bounds = array<i64: 2, 16>, scalar_prefetch = 0 : i64, scratch_operands = 9 : i64, tpu.core_type = #tpu.core_type<sc_vector_subcore>, window_params = [{transform_indices = #map}, {transform_indices = #map}, {transform_indices = #map}]} {
    %mul3A = arith.constant 2 : i32
    %mul3A_0 = arith.muli %arg1, %mul3A : i32
    %add3A = arith.addi %mul3A_0, %arg0 : i32
    %mul3A_1 = arith.constant 128 : i32
    %mul3A_2 = arith.muli %add3A, %mul3A_1 : i32
    "tpu.region"() ({
      %run_scoped3A = tpu.sem_alloc : memref<!tpu.dma_semaphore, #tpu.memory_space<semaphore_mem>>
      %dma_start3A_712 = arith.constant 0 : i32
      %dma_start3A_713 = tpu.memref_slice %arg2[%mul3A_2, %dma_start3A_712] : memref<4096x200xi32, #tpu.memory_space<hbm>> -> memref<128x200xi32, #tpu.memory_space<hbm>>
      %dma_start3A_714 = arith.constant 0 : i32
      %dma_start3A_715 = tpu.memref_slice %arg2[%mul3A_2, %dma_start3A_714] : memref<4096x200xi32, #tpu.memory_space<hbm>> -> memref<128x200xi32, #tpu.memory_space<hbm>>
      tpu.enqueue_dma source(%dma_start3A_715 : memref<128x200xi32, #tpu.memory_space<hbm>>) target(%arg5 : memref<128x200xi32, #tpu.memory_space<vmem>>) target_semaphore(%run_scoped3A : memref<!tpu.dma_semaphore, #tpu.memory_space<semaphore_mem>>)
      %dma_wait3A = arith.constant 0 : i32
      %dma_wait3A_716 = tpu.memref_slice %arg2[%mul3A_2, %dma_wait3A] : memref<4096x200xi32, #tpu.memory_space<hbm>> -> memref<128x200xi32, #tpu.memory_space<hbm>>
      %dma_wait3A_717 = arith.constant 0 : i32
      %dma_wait3A_718 = tpu.memref_slice %arg2[%mul3A_2, %dma_wait3A_717] : memref<4096x200xi32, #tpu.memory_space<hbm>> -> memref<128x200xi32, #tpu.memory_space<hbm>>
      tpu.wait_dma2 semaphore(%run_scoped3A : memref<!tpu.dma_semaphore, #tpu.memory_space<semaphore_mem>>) src(%dma_wait3A_718 : memref<128x200xi32, #tpu.memory_space<hbm>>) dst(%arg5 : memref<128x200xi32, #tpu.memory_space<vmem>>)
      tpu.yield
    }) : () -> ()
    "tpu.region"() ({
      %run_scoped3A = tpu.sem_alloc : memref<!tpu.dma_semaphore, #tpu.memory_space<semaphore_mem>>
      %dma_start3A_712 = arith.constant 0 : i32
      %dma_start3A_713 = arith.constant 0 : i32
      %dma_start3A_714 = tpu.memref_slice %arg11[%dma_start3A_712, %dma_start3A_713] : memref<2x64xf32, #tpu.memory_space<vmem>> -> memref<1x64xf32, #tpu.memory_space<vmem>>
      %dma_start3A_715 = arith.constant 0 : i32
      %dma_start3A_716 = arith.constant 0 : i32
      %dma_start3A_717 = tpu.memref_slice %arg3[%dma_start3A_715, %dma_start3A_716] : memref<1001472x64xf32, #tpu.memory_space<hbm>> -> memref<1x64xf32, #tpu.memory_space<hbm>>
      %dma_start3A_718 = arith.constant 0 : i32
      %dma_start3A_719 = arith.constant 0 : i32
      %dma_start3A_720 = tpu.memref_slice %arg11[%dma_start3A_718, %dma_start3A_719] : memref<2x64xf32, #tpu.memory_space<vmem>> -> memref<1x64xf32, #tpu.memory_space<vmem>>
      %dma_start3A_721 = arith.constant 0 : i32
      %dma_start3A_722 = arith.constant 0 : i32
      %dma_start3A_723 = tpu.memref_slice %arg3[%dma_start3A_721, %dma_start3A_722] : memref<1001472x64xf32, #tpu.memory_space<hbm>> -> memref<1x64xf32, #tpu.memory_space<hbm>>
      tpu.enqueue_dma source(%dma_start3A_723 : memref<1x64xf32, #tpu.memory_space<hbm>>) target(%dma_start3A_720 : memref<1x64xf32, #tpu.memory_space<vmem>>) target_semaphore(%run_scoped3A : memref<!tpu.dma_semaphore, #tpu.memory_space<semaphore_mem>>)
      %dma_wait3A = arith.constant 0 : i32
      %dma_wait3A_724 = arith.constant 0 : i32
      %dma_wait3A_725 = tpu.memref_slice %arg11[%dma_wait3A, %dma_wait3A_724] : memref<2x64xf32, #tpu.memory_space<vmem>> -> memref<1x64xf32, #tpu.memory_space<vmem>>
      %dma_wait3A_726 = arith.constant 0 : i32
      %dma_wait3A_727 = arith.constant 0 : i32
      %dma_wait3A_728 = tpu.memref_slice %arg3[%dma_wait3A_726, %dma_wait3A_727] : memref<1001472x64xf32, #tpu.memory_space<hbm>> -> memref<1x64xf32, #tpu.memory_space<hbm>>
      %dma_wait3A_729 = arith.constant 0 : i32
      %dma_wait3A_730 = arith.constant 0 : i32
      %dma_wait3A_731 = tpu.memref_slice %arg11[%dma_wait3A_729, %dma_wait3A_730] : memref<2x64xf32, #tpu.memory_space<vmem>> -> memref<1x64xf32, #tpu.memory_space<vmem>>
      %dma_wait3A_732 = arith.constant 0 : i32
      %dma_wait3A_733 = arith.constant 0 : i32
      %dma_wait3A_734 = tpu.memref_slice %arg3[%dma_wait3A_732, %dma_wait3A_733] : memref<1001472x64xf32, #tpu.memory_space<hbm>> -> memref<1x64xf32, #tpu.memory_space<hbm>>
      tpu.wait_dma2 semaphore(%run_scoped3A : memref<!tpu.dma_semaphore, #tpu.memory_space<semaphore_mem>>) src(%dma_wait3A_734 : memref<1x64xf32, #tpu.memory_space<hbm>>) dst(%dma_wait3A_731 : memref<1x64xf32, #tpu.memory_space<vmem>>)
      tpu.yield
    }) : () -> ()
    "tpu.region"() ({
      %run_scoped3A = tpu.sem_alloc : memref<!tpu.dma_semaphore, #tpu.memory_space<semaphore_mem>>
      %dma_start3A_712 = arith.constant 1 : i32
      %dma_start3A_713 = arith.constant 0 : i32
      %dma_start3A_714 = tpu.memref_slice %arg11[%dma_start3A_712, %dma_start3A_713] : memref<2x64xf32, #tpu.memory_space<vmem>> -> memref<1x64xf32, #tpu.memory_space<vmem>>
      %dma_start3A_715 = arith.constant 2 : i32
      %dma_start3A_716 = arith.constant 0 : i32
      %dma_start3A_717 = tpu.memref_slice %arg3[%dma_start3A_715, %dma_start3A_716] : memref<1001472x64xf32, #tpu.memory_space<hbm>> -> memref<1x64xf32, #tpu.memory_space<hbm>>
      %dma_start3A_718 = arith.constant 1 : i32
      %dma_start3A_719 = arith.constant 0 : i32
      %dma_start3A_720 = tpu.memref_slice %arg11[%dma_start3A_718, %dma_start3A_719] : memref<2x64xf32, #tpu.memory_space<vmem>> -> memref<1x64xf32, #tpu.memory_space<vmem>>
      %dma_start3A_721 = arith.constant 2 : i32
      %dma_start3A_722 = arith.constant 0 : i32
      %dma_start3A_723 = tpu.memref_slice %arg3[%dma_start3A_721, %dma_start3A_722] : memref<1001472x64xf32, #tpu.memory_space<hbm>> -> memref<1x64xf32, #tpu.memory_space<hbm>>
      tpu.enqueue_dma source(%dma_start3A_723 : memref<1x64xf32, #tpu.memory_space<hbm>>) target(%dma_start3A_720 : memref<1x64xf32, #tpu.memory_space<vmem>>) target_semaphore(%run_scoped3A : memref<!tpu.dma_semaphore, #tpu.memory_space<semaphore_mem>>)
      %dma_wait3A = arith.constant 1 : i32
      %dma_wait3A_724 = arith.constant 0 : i32
      %dma_wait3A_725 = tpu.memref_slice %arg11[%dma_wait3A, %dma_wait3A_724] : memref<2x64xf32, #tpu.memory_space<vmem>> -> memref<1x64xf32, #tpu.memory_space<vmem>>
      %dma_wait3A_726 = arith.constant 2 : i32
      %dma_wait3A_727 = arith.constant 0 : i32
      %dma_wait3A_728 = tpu.memref_slice %arg3[%dma_wait3A_726, %dma_wait3A_727] : memref<1001472x64xf32, #tpu.memory_space<hbm>> -> memref<1x64xf32, #tpu.memory_space<hbm>>
      %dma_wait3A_729 = arith.constant 1 : i32
      %dma_wait3A_730 = arith.constant 0 : i32
      %dma_wait3A_731 = tpu.memref_slice %arg11[%dma_wait3A_729, %dma_wait3A_730] : memref<2x64xf32, #tpu.memory_space<vmem>> -> memref<1x64xf32, #tpu.memory_space<vmem>>
      %dma_wait3A_732 = arith.constant 2 : i32
      %dma_wait3A_733 = arith.constant 0 : i32
      %dma_wait3A_734 = tpu.memref_slice %arg3[%dma_wait3A_732, %dma_wait3A_733] : memref<1001472x64xf32, #tpu.memory_space<hbm>> -> memref<1x64xf32, #tpu.memory_space<hbm>>
      tpu.wait_dma2 semaphore(%run_scoped3A : memref<!tpu.dma_semaphore, #tpu.memory_space<semaphore_mem>>) src(%dma_wait3A_734 : memref<1x64xf32, #tpu.memory_space<hbm>>) dst(%dma_wait3A_731 : memref<1x64xf32, #tpu.memory_space<vmem>>)
      tpu.yield
    }) : () -> ()
    %get3A = arith.constant 0 : i32
    %get3A_3 = arith.index_cast %get3A : i32 to index
    %get3A_4 = arith.constant 0 : index
    %get3A_5 = tpu.vector_load %arg5[%get3A_3, %get3A_4] {strides = array<i32>} : memref<128x200xi32, #tpu.memory_space<vmem>>, vector<16xi32>,
    %shift_right_arithmetic3A = arith.constant 11 : i32
    %shift_right_arithmetic3A_6 = vector.broadcast %shift_right_arithmetic3A : i32 to vector<16xi32>
    %shift_right_arithmetic3A_7 = arith.shrsi %get3A_5, %shift_right_arithmetic3A_6 : vector<16xi32>
    %shift_left3A = arith.constant 11 : i32
    %shift_left3A_8 = vector.broadcast %shift_left3A : i32 to vector<16xi32>
    %shift_left3A_9 = arith.shli %shift_right_arithmetic3A_7, %shift_left3A_8 : vector<16xi32>
    %and3A = arith.constant 1023 : i32
    %and3A_10 = vector.broadcast %and3A : i32 to vector<16xi32>
    %and3A_11 = arith.andi %get3A_5, %and3A_10 : vector<16xi32>
    %shift_left3A_12 = arith.constant 1 : i32
    %shift_left3A_13 = vector.broadcast %shift_left3A_12 : i32 to vector<16xi32>
    %shift_left3A_14 = arith.shli %and3A_11, %shift_left3A_13 : vector<16xi32>
    %add3A_15 = arith.addi %shift_left3A_9, %shift_left3A_14 : vector<16xi32>
    %shift_right_arithmetic3A_16 = arith.constant 10 : i32
    %shift_right_arithmetic3A_17 = vector.broadcast %shift_right_arithmetic3A_16 : i32 to vector<16xi32>
    %shift_right_arithmetic3A_18 = arith.shrsi %get3A_5, %shift_right_arithmetic3A_17 : vector<16xi32>
    %and3A_19 = arith.constant 1 : i32
    %and3A_20 = vector.broadcast %and3A_19 : i32 to vector<16xi32>
    %and3A_21 = arith.andi %shift_right_arithmetic3A_18, %and3A_20 : vector<16xi32>
    %add3A_22 = arith.addi %add3A_15, %and3A_21 : vector<16xi32>
    %swap3A = arith.constant 0 : index
    %swap3A_23 = tpu.vector_load %arg8[%swap3A] {strides = array<i32>} : memref<200xi32, #tpu.memory_space<vmem>>, vector<16xi32>,
    tpu.vector_store %arg8[%swap3A], %add3A_22 {strides = array<i32>} : memref<200xi32, #tpu.memory_space<vmem>>, vector<16xi32>,
    %get3A_24 = arith.constant 0 : i32
    %get3A_25 = arith.index_cast %get3A_24 : i32 to index
    %get3A_26 = arith.constant 16 : index
    %get3A_27 = tpu.vector_load %arg5[%get3A_25, %get3A_26] {strides = array<i32>} : memref<128x200xi32, #tpu.memory_space<vmem>>, vector<16xi32>,
    %shift_right_arithmetic3A_28 = arith.constant 11 : i32
    %shift_right_arithmetic3A_29 = vector.broadcast %shift_right_arithmetic3A_28 : i32 to vector<16xi32>
    %shift_right_arithmetic3A_30 = arith.shrsi %get3A_27, %shift_right_arithmetic3A_29 : vector<16xi32>
    %shift_left3A_31 = arith.constant 11 : i32
    %shift_left3A_32 = vector.broadcast %shift_left3A_31 : i32 to vector<16xi32>
    %shift_left3A_33 = arith.shli %shift_right_arithmetic3A_30, %shift_left3A_32 : vector<16xi32>
    %and3A_34 = arith.constant 1023 : i32
    %and3A_35 = vector.broadcast %and3A_34 : i32 to vector<16xi32>
    %and3A_36 = arith.andi %get3A_27, %and3A_35 : vector<16xi32>
    %shift_left3A_37 = arith.constant 1 : i32
    %shift_left3A_38 = vector.broadcast %shift_left3A_37 : i32 to vector<16xi32>
    %shift_left3A_39 = arith.shli %and3A_36, %shift_left3A_38 : vector<16xi32>
    %add3A_40 = arith.addi %shift_left3A_33, %shift_left3A_39 : vector<16xi32>
    %shift_right_arithmetic3A_41 = arith.constant 10 : i32
    %shift_right_arithmetic3A_42 = vector.broadcast %shift_right_arithmetic3A_41 : i32 to vector<16xi32>
    %shift_right_arithmetic3A_43 = arith.shrsi %get3A_27, %shift_right_arithmetic3A_42 : vector<16xi32>
    %and3A_44 = arith.constant 1 : i32
    %and3A_45 = vector.broadcast %and3A_44 : i32 to vector<16xi32>
    %and3A_46 = arith.andi %shift_right_arithmetic3A_43, %and3A_45 : vector<16xi32>
    %add3A_47 = arith.addi %add3A_40, %and3A_46 : vector<16xi32>
    %swap3A_48 = arith.constant 16 : index
    %swap3A_49 = tpu.vector_load %arg8[%swap3A_48] {strides = array<i32>} : memref<200xi32, #tpu.memory_space<vmem>>, vector<16xi32>,
    tpu.vector_store %arg8[%swap3A_48], %add3A_47 {strides = array<i32>} : memref<200xi32, #tpu.memory_space<vmem>>, vector<16xi32>,
    %get3A_50 = arith.constant 0 : i32
    %get3A_51 = arith.index_cast %get3A_50 : i32 to index
    %get3A_52 = arith.constant 32 : index
    %get3A_53 = tpu.vector_load %arg5[%get3A_51, %get3A_52] {strides = array<i32>} : memref<128x200xi32, #tpu.memory_space<vmem>>, vector<16xi32>,
    %shift_right_arithmetic3A_54 = arith.constant 11 : i32
    %shift_right_arithmetic3A_55 = vector.broadcast %shift_right_arithmetic3A_54 : i32 to vector<16xi32>
    %shift_right_arithmetic3A_56 = arith.shrsi %get3A_53, %shift_right_arithmetic3A_55 : vector<16xi32>
    %shift_left3A_57 = arith.constant 11 : i32
    %shift_left3A_58 = vector.broadcast %shift_left3A_57 : i32 to vector<16xi32>
    %shift_left3A_59 = arith.shli %shift_right_arithmetic3A_56, %shift_left3A_58 : vector<16xi32>
    %and3A_60 = arith.constant 1023 : i32
    %and3A_61 = vector.broadcast %and3A_60 : i32 to vector<16xi32>
    %and3A_62 = arith.andi %get3A_53, %and3A_61 : vector<16xi32>
    %shift_left3A_63 = arith.constant 1 : i32
    %shift_left3A_64 = vector.broadcast %shift_left3A_63 : i32 to vector<16xi32>
    %shift_left3A_65 = arith.shli %and3A_62, %shift_left3A_64 : vector<16xi32>
    %add3A_66 = arith.addi %shift_left3A_59, %shift_left3A_65 : vector<16xi32>
    %shift_right_arithmetic3A_67 = arith.constant 10 : i32
    %shift_right_arithmetic3A_68 = vector.broadcast %shift_right_arithmetic3A_67 : i32 to vector<16xi32>
    %shift_right_arithmetic3A_69 = arith.shrsi %get3A_53, %shift_right_arithmetic3A_68 : vector<16xi32>
    %and3A_70 = arith.constant 1 : i32
    %and3A_71 = vector.broadcast %and3A_70 : i32 to vector<16xi32>
    %and3A_72 = arith.andi %shift_right_arithmetic3A_69, %and3A_71 : vector<16xi32>
    %add3A_73 = arith.addi %add3A_66, %and3A_72 : vector<16xi32>
    %swap3A_74 = arith.constant 32 : index
    %swap3A_75 = tpu.vector_load %arg8[%swap3A_74] {strides = array<i32>} : memref<200xi32, #tpu.memory_space<vmem>>, vector<16xi32>,
    tpu.vector_store %arg8[%swap3A_74], %add3A_73 {strides = array<i32>} : memref<200xi32, #tpu.memory_space<vmem>>, vector<16xi32>,
    %get3A_76 = arith.constant 0 : i32
    %get3A_77 = arith.index_cast %get3A_76 : i32 to index
    %get3A_78 = arith.constant 48 : index
    %get3A_79 = tpu.vector_load %arg5[%get3A_77, %get3A_78] {strides = array<i32>} : memref<128x200xi32, #tpu.memory_space<vmem>>, vector<16xi32>,
    %shift_right_arithmetic3A_80 = arith.constant 11 : i32
    %shift_right_arithmetic3A_81 = vector.broadcast %shift_right_arithmetic3A_80 : i32 to vector<16xi32>
    %shift_right_arithmetic3A_82 = arith.shrsi %get3A_79, %shift_right_arithmetic3A_81 : vector<16xi32>
    %shift_left3A_83 = arith.constant 11 : i32
    %shift_left3A_84 = vector.broadcast %shift_left3A_83 : i32 to vector<16xi32>
    %shift_left3A_85 = arith.shli %shift_right_arithmetic3A_82, %shift_left3A_84 : vector<16xi32>
    %and3A_86 = arith.constant 1023 : i32
    %and3A_87 = vector.broadcast %and3A_86 : i32 to vector<16xi32>
    %and3A_88 = arith.andi %get3A_79, %and3A_87 : vector<16xi32>
    %shift_left3A_89 = arith.constant 1 : i32
    %shift_left3A_90 = vector.broadcast %shift_left3A_89 : i32 to vector<16xi32>
    %shift_left3A_91 = arith.shli %and3A_88, %shift_left3A_90 : vector<16xi32>
    %add3A_92 = arith.addi %shift_left3A_85, %shift_left3A_91 : vector<16xi32>
    %shift_right_arithmetic3A_93 = arith.constant 10 : i32
    %shift_right_arithmetic3A_94 = vector.broadcast %shift_right_arithmetic3A_93 : i32 to vector<16xi32>
    %shift_right_arithmetic3A_95 = arith.shrsi %get3A_79, %shift_right_arithmetic3A_94 : vector<16xi32>
    %and3A_96 = arith.constant 1 : i32
    %and3A_97 = vector.broadcast %and3A_96 : i32 to vector<16xi32>
    %and3A_98 = arith.andi %shift_right_arithmetic3A_95, %and3A_97 : vector<16xi32>
    %add3A_99 = arith.addi %add3A_92, %and3A_98 : vector<16xi32>
    %swap3A_100 = arith.constant 48 : index
    %swap3A_101 = tpu.vector_load %arg8[%swap3A_100] {strides = array<i32>} : memref<200xi32, #tpu.memory_space<vmem>>, vector<16xi32>,
    tpu.vector_store %arg8[%swap3A_100], %add3A_99 {strides = array<i32>} : memref<200xi32, #tpu.memory_space<vmem>>, vector<16xi32>,
    %get3A_102 = arith.constant 0 : i32
    %get3A_103 = arith.index_cast %get3A_102 : i32 to index
    %get3A_104 = arith.constant 64 : index
    %get3A_105 = tpu.vector_load %arg5[%get3A_103, %get3A_104] {strides = array<i32>} : memref<128x200xi32, #tpu.memory_space<vmem>>, vector<16xi32>,
    %shift_right_arithmetic3A_106 = arith.constant 11 : i32
    %shift_right_arithmetic3A_107 = vector.broadcast %shift_right_arithmetic3A_106 : i32 to vector<16xi32>
    %shift_right_arithmetic3A_108 = arith.shrsi %get3A_105, %shift_right_arithmetic3A_107 : vector<16xi32>
    %shift_left3A_109 = arith.constant 11 : i32
    %shift_left3A_110 = vector.broadcast %shift_left3A_109 : i32 to vector<16xi32>
    %shift_left3A_111 = arith.shli %shift_right_arithmetic3A_108, %shift_left3A_110 : vector<16xi32>
    %and3A_112 = arith.constant 1023 : i32
    %and3A_113 = vector.broadcast %and3A_112 : i32 to vector<16xi32>
    %and3A_114 = arith.andi %get3A_105, %and3A_113 : vector<16xi32>
    %shift_left3A_115 = arith.constant 1 : i32
    %shift_left3A_116 = vector.broadcast %shift_left3A_115 : i32 to vector<16xi32>
    %shift_left3A_117 = arith.shli %and3A_114, %shift_left3A_116 : vector<16xi32>
    %add3A_118 = arith.addi %shift_left3A_111, %shift_left3A_117 : vector<16xi32>
    %shift_right_arithmetic3A_119 = arith.constant 10 : i32
    %shift_right_arithmetic3A_120 = vector.broadcast %shift_right_arithmetic3A_119 : i32 to vector<16xi32>
    %shift_right_arithmetic3A_121 = arith.shrsi %get3A_105, %shift_right_arithmetic3A_120 : vector<16xi32>
    %and3A_122 = arith.constant 1 : i32
    %and3A_123 = vector.broadcast %and3A_122 : i32 to vector<16xi32>
    %and3A_124 = arith.andi %shift_right_arithmetic3A_121, %and3A_123 : vector<16xi32>
    %add3A_125 = arith.addi %add3A_118, %and3A_124 : vector<16xi32>
    %swap3A_126 = arith.constant 64 : index
    %swap3A_127 = tpu.vector_load %arg8[%swap3A_126] {strides = array<i32>} : memref<200xi32, #tpu.memory_space<vmem>>, vector<16xi32>,
    tpu.vector_store %arg8[%swap3A_126], %add3A_125 {strides = array<i32>} : memref<200xi32, #tpu.memory_space<vmem>>, vector<16xi32>,
    %get3A_128 = arith.constant 0 : i32
    %get3A_129 = arith.index_cast %get3A_128 : i32 to index
    %get3A_130 = arith.constant 80 : index
    %get3A_131 = tpu.vector_load %arg5[%get3A_129, %get3A_130] {strides = array<i32>} : memref<128x200xi32, #tpu.memory_space<vmem>>, vector<16xi32>,
    %shift_right_arithmetic3A_132 = arith.constant 11 : i32
    %shift_right_arithmetic3A_133 = vector.broadcast %shift_right_arithmetic3A_132 : i32 to vector<16xi32>
    %shift_right_arithmetic3A_134 = arith.shrsi %get3A_131, %shift_right_arithmetic3A_133 : vector<16xi32>
    %shift_left3A_135 = arith.constant 11 : i32
    %shift_left3A_136 = vector.broadcast %shift_left3A_135 : i32 to vector<16xi32>
    %shift_left3A_137 = arith.shli %shift_right_arithmetic3A_134, %shift_left3A_136 : vector<16xi32>
    %and3A_138 = arith.constant 1023 : i32
    %and3A_139 = vector.broadcast %and3A_138 : i32 to vector<16xi32>
    %and3A_140 = arith.andi %get3A_131, %and3A_139 : vector<16xi32>
    %shift_left3A_141 = arith.constant 1 : i32
    %shift_left3A_142 = vector.broadcast %shift_left3A_141 : i32 to vector<16xi32>
    %shift_left3A_143 = arith.shli %and3A_140, %shift_left3A_142 : vector<16xi32>
    %add3A_144 = arith.addi %shift_left3A_137, %shift_left3A_143 : vector<16xi32>
    %shift_right_arithmetic3A_145 = arith.constant 10 : i32
    %shift_right_arithmetic3A_146 = vector.broadcast %shift_right_arithmetic3A_145 : i32 to vector<16xi32>
    %shift_right_arithmetic3A_147 = arith.shrsi %get3A_131, %shift_right_arithmetic3A_146 : vector<16xi32>
    %and3A_148 = arith.constant 1 : i32
    %and3A_149 = vector.broadcast %and3A_148 : i32 to vector<16xi32>
    %and3A_150 = arith.andi %shift_right_arithmetic3A_147, %and3A_149 : vector<16xi32>
    %add3A_151 = arith.addi %add3A_144, %and3A_150 : vector<16xi32>
    %swap3A_152 = arith.constant 80 : index
    %swap3A_153 = tpu.vector_load %arg8[%swap3A_152] {strides = array<i32>} : memref<200xi32, #tpu.memory_space<vmem>>, vector<16xi32>,
    tpu.vector_store %arg8[%swap3A_152], %add3A_151 {strides = array<i32>} : memref<200xi32, #tpu.memory_space<vmem>>, vector<16xi32>,
    %get3A_154 = arith.constant 0 : i32
    %get3A_155 = arith.index_cast %get3A_154 : i32 to index
    %get3A_156 = arith.constant 96 : index
    %get3A_157 = tpu.vector_load %arg5[%get3A_155, %get3A_156] {strides = array<i32>} : memref<128x200xi32, #tpu.memory_space<vmem>>, vector<16xi32>,
    %shift_right_arithmetic3A_158 = arith.constant 11 : i32
    %shift_right_arithmetic3A_159 = vector.broadcast %shift_right_arithmetic3A_158 : i32 to vector<16xi32>
    %shift_right_arithmetic3A_160 = arith.shrsi %get3A_157, %shift_right_arithmetic3A_159 : vector<16xi32>
    %shift_left3A_161 = arith.constant 11 : i32
    %shift_left3A_162 = vector.broadcast %shift_left3A_161 : i32 to vector<16xi32>
    %shift_left3A_163 = arith.shli %shift_right_arithmetic3A_160, %shift_left3A_162 : vector<16xi32>
    %and3A_164 = arith.constant 1023 : i32
    %and3A_165 = vector.broadcast %and3A_164 : i32 to vector<16xi32>
    %and3A_166 = arith.andi %get3A_157, %and3A_165 : vector<16xi32>
    %shift_left3A_167 = arith.constant 1 : i32
    %shift_left3A_168 = vector.broadcast %shift_left3A_167 : i32 to vector<16xi32>
    %shift_left3A_169 = arith.shli %and3A_166, %shift_left3A_168 : vector<16xi32>
    %add3A_170 = arith.addi %shift_left3A_163, %shift_left3A_169 : vector<16xi32>
    %shift_right_arithmetic3A_171 = arith.constant 10 : i32
    %shift_right_arithmetic3A_172 = vector.broadcast %shift_right_arithmetic3A_171 : i32 to vector<16xi32>
    %shift_right_arithmetic3A_173 = arith.shrsi %get3A_157, %shift_right_arithmetic3A_172 : vector<16xi32>
    %and3A_174 = arith.constant 1 : i32
    %and3A_175 = vector.broadcast %and3A_174 : i32 to vector<16xi32>
    %and3A_176 = arith.andi %shift_right_arithmetic3A_173, %and3A_175 : vector<16xi32>
    %add3A_177 = arith.addi %add3A_170, %and3A_176 : vector<16xi32>
    %swap3A_178 = arith.constant 96 : index
    %swap3A_179 = tpu.vector_load %arg8[%swap3A_178] {strides = array<i32>} : memref<200xi32, #tpu.memory_space<vmem>>, vector<16xi32>,
    tpu.vector_store %arg8[%swap3A_178], %add3A_177 {strides = array<i32>} : memref<200xi32, #tpu.memory_space<vmem>>, vector<16xi32>,
    %get3A_180 = arith.constant 0 : i32
    %get3A_181 = arith.index_cast %get3A_180 : i32 to index
    %get3A_182 = arith.constant 112 : index
    %get3A_183 = tpu.vector_load %arg5[%get3A_181, %get3A_182] {strides = array<i32>} : memref<128x200xi32, #tpu.memory_space<vmem>>, vector<16xi32>,
    %shift_right_arithmetic3A_184 = arith.constant 11 : i32
    %shift_right_arithmetic3A_185 = vector.broadcast %shift_right_arithmetic3A_184 : i32 to vector<16xi32>
    %shift_right_arithmetic3A_186 = arith.shrsi %get3A_183, %shift_right_arithmetic3A_185 : vector<16xi32>
    %shift_left3A_187 = arith.constant 11 : i32
    %shift_left3A_188 = vector.broadcast %shift_left3A_187 : i32 to vector<16xi32>
    %shift_left3A_189 = arith.shli %shift_right_arithmetic3A_186, %shift_left3A_188 : vector<16xi32>
    %and3A_190 = arith.constant 1023 : i32
    %and3A_191 = vector.broadcast %and3A_190 : i32 to vector<16xi32>
    %and3A_192 = arith.andi %get3A_183, %and3A_191 : vector<16xi32>
    %shift_left3A_193 = arith.constant 1 : i32
    %shift_left3A_194 = vector.broadcast %shift_left3A_193 : i32 to vector<16xi32>
    %shift_left3A_195 = arith.shli %and3A_192, %shift_left3A_194 : vector<16xi32>
    %add3A_196 = arith.addi %shift_left3A_189, %shift_left3A_195 : vector<16xi32>
    %shift_right_arithmetic3A_197 = arith.constant 10 : i32
    %shift_right_arithmetic3A_198 = vector.broadcast %shift_right_arithmetic3A_197 : i32 to vector<16xi32>
    %shift_right_arithmetic3A_199 = arith.shrsi %get3A_183, %shift_right_arithmetic3A_198 : vector<16xi32>
    %and3A_200 = arith.constant 1 : i32
    %and3A_201 = vector.broadcast %and3A_200 : i32 to vector<16xi32>
    %and3A_202 = arith.andi %shift_right_arithmetic3A_199, %and3A_201 : vector<16xi32>
    %add3A_203 = arith.addi %add3A_196, %and3A_202 : vector<16xi32>
    %swap3A_204 = arith.constant 112 : index
    %swap3A_205 = tpu.vector_load %arg8[%swap3A_204] {strides = array<i32>} : memref<200xi32, #tpu.memory_space<vmem>>, vector<16xi32>,
    tpu.vector_store %arg8[%swap3A_204], %add3A_203 {strides = array<i32>} : memref<200xi32, #tpu.memory_space<vmem>>, vector<16xi32>,
    %get3A_206 = arith.constant 0 : i32
    %get3A_207 = arith.index_cast %get3A_206 : i32 to index
    %get3A_208 = arith.constant 128 : index
    %get3A_209 = tpu.vector_load %arg5[%get3A_207, %get3A_208] {strides = array<i32>} : memref<128x200xi32, #tpu.memory_space<vmem>>, vector<16xi32>,
    %shift_right_arithmetic3A_210 = arith.constant 11 : i32
    %shift_right_arithmetic3A_211 = vector.broadcast %shift_right_arithmetic3A_210 : i32 to vector<16xi32>
    %shift_right_arithmetic3A_212 = arith.shrsi %get3A_209, %shift_right_arithmetic3A_211 : vector<16xi32>
    %shift_left3A_213 = arith.constant 11 : i32
    %shift_left3A_214 = vector.broadcast %shift_left3A_213 : i32 to vector<16xi32>
    %shift_left3A_215 = arith.shli %shift_right_arithmetic3A_212, %shift_left3A_214 : vector<16xi32>
    %and3A_216 = arith.constant 1023 : i32
    %and3A_217 = vector.broadcast %and3A_216 : i32 to vector<16xi32>
    %and3A_218 = arith.andi %get3A_209, %and3A_217 : vector<16xi32>
    %shift_left3A_219 = arith.constant 1 : i32
    %shift_left3A_220 = vector.broadcast %shift_left3A_219 : i32 to vector<16xi32>
    %shift_left3A_221 = arith.shli %and3A_218, %shift_left3A_220 : vector<16xi32>
    %add3A_222 = arith.addi %shift_left3A_215, %shift_left3A_221 : vector<16xi32>
    %shift_right_arithmetic3A_223 = arith.constant 10 : i32
    %shift_right_arithmetic3A_224 = vector.broadcast %shift_right_arithmetic3A_223 : i32 to vector<16xi32>
    %shift_right_arithmetic3A_225 = arith.shrsi %get3A_209, %shift_right_arithmetic3A_224 : vector<16xi32>
    %and3A_226 = arith.constant 1 : i32
    %and3A_227 = vector.broadcast %and3A_226 : i32 to vector<16xi32>
    %and3A_228 = arith.andi %shift_right_arithmetic3A_225, %and3A_227 : vector<16xi32>
    %add3A_229 = arith.addi %add3A_222, %and3A_228 : vector<16xi32>
    %swap3A_230 = arith.constant 128 : index
    %swap3A_231 = tpu.vector_load %arg8[%swap3A_230] {strides = array<i32>} : memref<200xi32, #tpu.memory_space<vmem>>, vector<16xi32>,
    tpu.vector_store %arg8[%swap3A_230], %add3A_229 {strides = array<i32>} : memref<200xi32, #tpu.memory_space<vmem>>, vector<16xi32>,
    %get3A_232 = arith.constant 0 : i32
    %get3A_233 = arith.index_cast %get3A_232 : i32 to index
    %get3A_234 = arith.constant 144 : index
    %get3A_235 = tpu.vector_load %arg5[%get3A_233, %get3A_234] {strides = array<i32>} : memref<128x200xi32, #tpu.memory_space<vmem>>, vector<16xi32>,
    %shift_right_arithmetic3A_236 = arith.constant 11 : i32
    %shift_right_arithmetic3A_237 = vector.broadcast %shift_right_arithmetic3A_236 : i32 to vector<16xi32>
    %shift_right_arithmetic3A_238 = arith.shrsi %get3A_235, %shift_right_arithmetic3A_237 : vector<16xi32>
    %shift_left3A_239 = arith.constant 11 : i32
    %shift_left3A_240 = vector.broadcast %shift_left3A_239 : i32 to vector<16xi32>
    %shift_left3A_241 = arith.shli %shift_right_arithmetic3A_238, %shift_left3A_240 : vector<16xi32>
    %and3A_242 = arith.constant 1023 : i32
    %and3A_243 = vector.broadcast %and3A_242 : i32 to vector<16xi32>
    %and3A_244 = arith.andi %get3A_235, %and3A_243 : vector<16xi32>
    %shift_left3A_245 = arith.constant 1 : i32
    %shift_left3A_246 = vector.broadcast %shift_left3A_245 : i32 to vector<16xi32>
    %shift_left3A_247 = arith.shli %and3A_244, %shift_left3A_246 : vector<16xi32>
    %add3A_248 = arith.addi %shift_left3A_241, %shift_left3A_247 : vector<16xi32>
    %shift_right_arithmetic3A_249 = arith.constant 10 : i32
    %shift_right_arithmetic3A_250 = vector.broadcast %shift_right_arithmetic3A_249 : i32 to vector<16xi32>
    %shift_right_arithmetic3A_251 = arith.shrsi %get3A_235, %shift_right_arithmetic3A_250 : vector<16xi32>
    %and3A_252 = arith.constant 1 : i32
    %and3A_253 = vector.broadcast %and3A_252 : i32 to vector<16xi32>
    %and3A_254 = arith.andi %shift_right_arithmetic3A_251, %and3A_253 : vector<16xi32>
    %add3A_255 = arith.addi %add3A_248, %and3A_254 : vector<16xi32>
    %swap3A_256 = arith.constant 144 : index
    %swap3A_257 = tpu.vector_load %arg8[%swap3A_256] {strides = array<i32>} : memref<200xi32, #tpu.memory_space<vmem>>, vector<16xi32>,
    tpu.vector_store %arg8[%swap3A_256], %add3A_255 {strides = array<i32>} : memref<200xi32, #tpu.memory_space<vmem>>, vector<16xi32>,
    %get3A_258 = arith.constant 0 : i32
    %get3A_259 = arith.index_cast %get3A_258 : i32 to index
    %get3A_260 = arith.constant 160 : index
    %get3A_261 = tpu.vector_load %arg5[%get3A_259, %get3A_260] {strides = array<i32>} : memref<128x200xi32, #tpu.memory_space<vmem>>, vector<16xi32>,
    %shift_right_arithmetic3A_262 = arith.constant 11 : i32
    %shift_right_arithmetic3A_263 = vector.broadcast %shift_right_arithmetic3A_262 : i32 to vector<16xi32>
    %shift_right_arithmetic3A_264 = arith.shrsi %get3A_261, %shift_right_arithmetic3A_263 : vector<16xi32>
    %shift_left3A_265 = arith.constant 11 : i32
    %shift_left3A_266 = vector.broadcast %shift_left3A_265 : i32 to vector<16xi32>
    %shift_left3A_267 = arith.shli %shift_right_arithmetic3A_264, %shift_left3A_266 : vector<16xi32>
    %and3A_268 = arith.constant 1023 : i32
    %and3A_269 = vector.broadcast %and3A_268 : i32 to vector<16xi32>
    %and3A_270 = arith.andi %get3A_261, %and3A_269 : vector<16xi32>
    %shift_left3A_271 = arith.constant 1 : i32
    %shift_left3A_272 = vector.broadcast %shift_left3A_271 : i32 to vector<16xi32>
    %shift_left3A_273 = arith.shli %and3A_270, %shift_left3A_272 : vector<16xi32>
    %add3A_274 = arith.addi %shift_left3A_267, %shift_left3A_273 : vector<16xi32>
    %shift_right_arithmetic3A_275 = arith.constant 10 : i32
    %shift_right_arithmetic3A_276 = vector.broadcast %shift_right_arithmetic3A_275 : i32 to vector<16xi32>
    %shift_right_arithmetic3A_277 = arith.shrsi %get3A_261, %shift_right_arithmetic3A_276 : vector<16xi32>
    %and3A_278 = arith.constant 1 : i32
    %and3A_279 = vector.broadcast %and3A_278 : i32 to vector<16xi32>
    %and3A_280 = arith.andi %shift_right_arithmetic3A_277, %and3A_279 : vector<16xi32>
    %add3A_281 = arith.addi %add3A_274, %and3A_280 : vector<16xi32>
    %swap3A_282 = arith.constant 160 : index
    %swap3A_283 = tpu.vector_load %arg8[%swap3A_282] {strides = array<i32>} : memref<200xi32, #tpu.memory_space<vmem>>, vector<16xi32>,
    tpu.vector_store %arg8[%swap3A_282], %add3A_281 {strides = array<i32>} : memref<200xi32, #tpu.memory_space<vmem>>, vector<16xi32>,
    %get3A_284 = arith.constant 0 : i32
    %get3A_285 = arith.index_cast %get3A_284 : i32 to index
    %get3A_286 = arith.constant 176 : index
    %get3A_287 = tpu.vector_load %arg5[%get3A_285, %get3A_286] {strides = array<i32>} : memref<128x200xi32, #tpu.memory_space<vmem>>, vector<16xi32>,
    %shift_right_arithmetic3A_288 = arith.constant 11 : i32
    %shift_right_arithmetic3A_289 = vector.broadcast %shift_right_arithmetic3A_288 : i32 to vector<16xi32>
    %shift_right_arithmetic3A_290 = arith.shrsi %get3A_287, %shift_right_arithmetic3A_289 : vector<16xi32>
    %shift_left3A_291 = arith.constant 11 : i32
    %shift_left3A_292 = vector.broadcast %shift_left3A_291 : i32 to vector<16xi32>
    %shift_left3A_293 = arith.shli %shift_right_arithmetic3A_290, %shift_left3A_292 : vector<16xi32>
    %and3A_294 = arith.constant 1023 : i32
    %and3A_295 = vector.broadcast %and3A_294 : i32 to vector<16xi32>
    %and3A_296 = arith.andi %get3A_287, %and3A_295 : vector<16xi32>
    %shift_left3A_297 = arith.constant 1 : i32
    %shift_left3A_298 = vector.broadcast %shift_left3A_297 : i32 to vector<16xi32>
    %shift_left3A_299 = arith.shli %and3A_296, %shift_left3A_298 : vector<16xi32>
    %add3A_300 = arith.addi %shift_left3A_293, %shift_left3A_299 : vector<16xi32>
    %shift_right_arithmetic3A_301 = arith.constant 10 : i32
    %shift_right_arithmetic3A_302 = vector.broadcast %shift_right_arithmetic3A_301 : i32 to vector<16xi32>
    %shift_right_arithmetic3A_303 = arith.shrsi %get3A_287, %shift_right_arithmetic3A_302 : vector<16xi32>
    %and3A_304 = arith.constant 1 : i32
    %and3A_305 = vector.broadcast %and3A_304 : i32 to vector<16xi32>
    %and3A_306 = arith.andi %shift_right_arithmetic3A_303, %and3A_305 : vector<16xi32>
    %add3A_307 = arith.addi %add3A_300, %and3A_306 : vector<16xi32>
    %swap3A_308 = arith.constant 176 : index
    %swap3A_309 = tpu.vector_load %arg8[%swap3A_308] {strides = array<i32>} : memref<200xi32, #tpu.memory_space<vmem>>, vector<16xi32>,
    tpu.vector_store %arg8[%swap3A_308], %add3A_307 {strides = array<i32>} : memref<200xi32, #tpu.memory_space<vmem>>, vector<16xi32>,
    %get3A_310 = arith.constant 0 : i32
    %get3A_311 = arith.index_cast %get3A_310 : i32 to index
    %get3A_312 = arith.constant 184 : index
    %get3A_313 = tpu.vector_load %arg5[%get3A_311, %get3A_312] {strides = array<i32>} : memref<128x200xi32, #tpu.memory_space<vmem>>, vector<16xi32>,
    %shift_right_arithmetic3A_314 = arith.constant 11 : i32
    %shift_right_arithmetic3A_315 = vector.broadcast %shift_right_arithmetic3A_314 : i32 to vector<16xi32>
    %shift_right_arithmetic3A_316 = arith.shrsi %get3A_313, %shift_right_arithmetic3A_315 : vector<16xi32>
    %shift_left3A_317 = arith.constant 11 : i32
    %shift_left3A_318 = vector.broadcast %shift_left3A_317 : i32 to vector<16xi32>
    %shift_left3A_319 = arith.shli %shift_right_arithmetic3A_316, %shift_left3A_318 : vector<16xi32>
    %and3A_320 = arith.constant 1023 : i32
    %and3A_321 = vector.broadcast %and3A_320 : i32 to vector<16xi32>
    %and3A_322 = arith.andi %get3A_313, %and3A_321 : vector<16xi32>
    %shift_left3A_323 = arith.constant 1 : i32
    %shift_left3A_324 = vector.broadcast %shift_left3A_323 : i32 to vector<16xi32>
    %shift_left3A_325 = arith.shli %and3A_322, %shift_left3A_324 : vector<16xi32>
    %add3A_326 = arith.addi %shift_left3A_319, %shift_left3A_325 : vector<16xi32>
    %shift_right_arithmetic3A_327 = arith.constant 10 : i32
    %shift_right_arithmetic3A_328 = vector.broadcast %shift_right_arithmetic3A_327 : i32 to vector<16xi32>
    %shift_right_arithmetic3A_329 = arith.shrsi %get3A_313, %shift_right_arithmetic3A_328 : vector<16xi32>
    %and3A_330 = arith.constant 1 : i32
    %and3A_331 = vector.broadcast %and3A_330 : i32 to vector<16xi32>
    %and3A_332 = arith.andi %shift_right_arithmetic3A_329, %and3A_331 : vector<16xi32>
    %add3A_333 = arith.addi %add3A_326, %and3A_332 : vector<16xi32>
    %swap3A_334 = arith.constant 184 : index
    %swap3A_335 = tpu.vector_load %arg8[%swap3A_334] {strides = array<i32>} : memref<200xi32, #tpu.memory_space<vmem>>, vector<16xi32>,
    tpu.vector_store %arg8[%swap3A_334], %add3A_333 {strides = array<i32>} : memref<200xi32, #tpu.memory_space<vmem>>, vector<16xi32>,
    %dma_start3A = arith.constant 0 : i32
    %dma_start3A_336 = arith.constant 0 : i32
    %dma_start3A_337 = tpu.memref_slice %arg6[%dma_start3A, %dma_start3A_336] : memref<200x64xf32, #tpu.memory_space<vmem>> -> memref<104x64xf32, #tpu.memory_space<vmem>>
    %dma_start3A_338 = arith.constant 0 : i32
    %dma_start3A_339 = tpu.memref_slice %arg8[%dma_start3A_338] : memref<200xi32, #tpu.memory_space<vmem>> -> memref<104xi32, #tpu.memory_space<vmem>>
    %dma_start3A_340 = arith.constant 0 : i32
    %dma_start3A_341 = arith.constant 0 : i32
    %dma_start3A_342 = tpu.memref_slice %arg3[%dma_start3A_340, %dma_start3A_341] : memref<1001472x64xf32, #tpu.memory_space<hbm>> -> memref<1001472x64xf32, #tpu.memory_space<hbm>>
    tpu.enqueue_indirect_dma source(%dma_start3A_342 : memref<1001472x64xf32, #tpu.memory_space<hbm>>) target(%dma_start3A_337 : memref<104x64xf32, #tpu.memory_space<vmem>>) offsets(%dma_start3A_339 : memref<104xi32, #tpu.memory_space<vmem>>) semaphore(%arg12 : memref<!tpu.dma_semaphore, #tpu.memory_space<semaphore_mem>>)
    %dma_start3A_343 = arith.constant 104 : i32
    %dma_start3A_344 = arith.constant 0 : i32
    %dma_start3A_345 = tpu.memref_slice %arg6[%dma_start3A_343, %dma_start3A_344] : memref<200x64xf32, #tpu.memory_space<vmem>> -> memref<96x64xf32, #tpu.memory_space<vmem>>
    %dma_start3A_346 = arith.constant 104 : i32
    %dma_start3A_347 = tpu.memref_slice %arg8[%dma_start3A_346] : memref<200xi32, #tpu.memory_space<vmem>> -> memref<96xi32, #tpu.memory_space<vmem>>
    %dma_start3A_348 = arith.constant 0 : i32
    %dma_start3A_349 = arith.constant 0 : i32
    %dma_start3A_350 = tpu.memref_slice %arg3[%dma_start3A_348, %dma_start3A_349] : memref<1001472x64xf32, #tpu.memory_space<hbm>> -> memref<1001472x64xf32, #tpu.memory_space<hbm>>
    tpu.enqueue_indirect_dma source(%dma_start3A_350 : memref<1001472x64xf32, #tpu.memory_space<hbm>>) target(%dma_start3A_345 : memref<96x64xf32, #tpu.memory_space<vmem>>) offsets(%dma_start3A_347 : memref<96xi32, #tpu.memory_space<vmem>>) semaphore(%arg12 : memref<!tpu.dma_semaphore, #tpu.memory_space<semaphore_mem>>)
    %get3A_351 = arith.constant 1 : i32
    %get3A_352 = arith.index_cast %get3A_351 : i32 to index
    %get3A_353 = arith.constant 0 : index
    %get3A_354 = tpu.vector_load %arg5[%get3A_352, %get3A_353] {strides = array<i32>} : memref<128x200xi32, #tpu.memory_space<vmem>>, vector<16xi32>,
    %shift_right_arithmetic3A_355 = arith.constant 11 : i32
    %shift_right_arithmetic3A_356 = vector.broadcast %shift_right_arithmetic3A_355 : i32 to vector<16xi32>
    %shift_right_arithmetic3A_357 = arith.shrsi %get3A_354, %shift_right_arithmetic3A_356 : vector<16xi32>
    %shift_left3A_358 = arith.constant 11 : i32
    %shift_left3A_359 = vector.broadcast %shift_left3A_358 : i32 to vector<16xi32>
    %shift_left3A_360 = arith.shli %shift_right_arithmetic3A_357, %shift_left3A_359 : vector<16xi32>
    %and3A_361 = arith.constant 1023 : i32
    %and3A_362 = vector.broadcast %and3A_361 : i32 to vector<16xi32>
    %and3A_363 = arith.andi %get3A_354, %and3A_362 : vector<16xi32>
    %shift_left3A_364 = arith.constant 1 : i32
    %shift_left3A_365 = vector.broadcast %shift_left3A_364 : i32 to vector<16xi32>
    %shift_left3A_366 = arith.shli %and3A_363, %shift_left3A_365 : vector<16xi32>
    %add3A_367 = arith.addi %shift_left3A_360, %shift_left3A_366 : vector<16xi32>
    %shift_right_arithmetic3A_368 = arith.constant 10 : i32
    %shift_right_arithmetic3A_369 = vector.broadcast %shift_right_arithmetic3A_368 : i32 to vector<16xi32>
    %shift_right_arithmetic3A_370 = arith.shrsi %get3A_354, %shift_right_arithmetic3A_369 : vector<16xi32>
    %and3A_371 = arith.constant 1 : i32
    %and3A_372 = vector.broadcast %and3A_371 : i32 to vector<16xi32>
    %and3A_373 = arith.andi %shift_right_arithmetic3A_370, %and3A_372 : vector<16xi32>
    %add3A_374 = arith.addi %add3A_367, %and3A_373 : vector<16xi32>
    %swap3A_375 = arith.constant 0 : index
    %swap3A_376 = tpu.vector_load %arg9[%swap3A_375] {strides = array<i32>} : memref<200xi32, #tpu.memory_space<vmem>>, vector<16xi32>,
    tpu.vector_store %arg9[%swap3A_375], %add3A_374 {strides = array<i32>} : memref<200xi32, #tpu.memory_space<vmem>>, vector<16xi32>,
    %get3A_377 = arith.constant 1 : i32
    %get3A_378 = arith.index_cast %get3A_377 : i32 to index
    %get3A_379 = arith.constant 16 : index
    %get3A_380 = tpu.vector_load %arg5[%get3A_378, %get3A_379] {strides = array<i32>} : memref<128x200xi32, #tpu.memory_space<vmem>>, vector<16xi32>,
    %shift_right_arithmetic3A_381 = arith.constant 11 : i32
    %shift_right_arithmetic3A_382 = vector.broadcast %shift_right_arithmetic3A_381 : i32 to vector<16xi32>
    %shift_right_arithmetic3A_383 = arith.shrsi %get3A_380, %shift_right_arithmetic3A_382 : vector<16xi32>
    %shift_left3A_384 = arith.constant 11 : i32
    %shift_left3A_385 = vector.broadcast %shift_left3A_384 : i32 to vector<16xi32>
    %shift_left3A_386 = arith.shli %shift_right_arithmetic3A_383, %shift_left3A_385 : vector<16xi32>
    %and3A_387 = arith.constant 1023 : i32
    %and3A_388 = vector.broadcast %and3A_387 : i32 to vector<16xi32>
    %and3A_389 = arith.andi %get3A_380, %and3A_388 : vector<16xi32>
    %shift_left3A_390 = arith.constant 1 : i32
    %shift_left3A_391 = vector.broadcast %shift_left3A_390 : i32 to vector<16xi32>
    %shift_left3A_392 = arith.shli %and3A_389, %shift_left3A_391 : vector<16xi32>
    %add3A_393 = arith.addi %shift_left3A_386, %shift_left3A_392 : vector<16xi32>
    %shift_right_arithmetic3A_394 = arith.constant 10 : i32
    %shift_right_arithmetic3A_395 = vector.broadcast %shift_right_arithmetic3A_394 : i32 to vector<16xi32>
    %shift_right_arithmetic3A_396 = arith.shrsi %get3A_380, %shift_right_arithmetic3A_395 : vector<16xi32>
    %and3A_397 = arith.constant 1 : i32
    %and3A_398 = vector.broadcast %and3A_397 : i32 to vector<16xi32>
    %and3A_399 = arith.andi %shift_right_arithmetic3A_396, %and3A_398 : vector<16xi32>
    %add3A_400 = arith.addi %add3A_393, %and3A_399 : vector<16xi32>
    %swap3A_401 = arith.constant 16 : index
    %swap3A_402 = tpu.vector_load %arg9[%swap3A_401] {strides = array<i32>} : memref<200xi32, #tpu.memory_space<vmem>>, vector<16xi32>,
    tpu.vector_store %arg9[%swap3A_401], %add3A_400 {strides = array<i32>} : memref<200xi32, #tpu.memory_space<vmem>>, vector<16xi32>,
    %get3A_403 = arith.constant 1 : i32
    %get3A_404 = arith.index_cast %get3A_403 : i32 to index
    %get3A_405 = arith.constant 32 : index
    %get3A_406 = tpu.vector_load %arg5[%get3A_404, %get3A_405] {strides = array<i32>} : memref<128x200xi32, #tpu.memory_space<vmem>>, vector<16xi32>,
    %shift_right_arithmetic3A_407 = arith.constant 11 : i32
    %shift_right_arithmetic3A_408 = vector.broadcast %shift_right_arithmetic3A_407 : i32 to vector<16xi32>
    %shift_right_arithmetic3A_409 = arith.shrsi %get3A_406, %shift_right_arithmetic3A_408 : vector<16xi32>
    %shift_left3A_410 = arith.constant 11 : i32
    %shift_left3A_411 = vector.broadcast %shift_left3A_410 : i32 to vector<16xi32>
    %shift_left3A_412 = arith.shli %shift_right_arithmetic3A_409, %shift_left3A_411 : vector<16xi32>
    %and3A_413 = arith.constant 1023 : i32
    %and3A_414 = vector.broadcast %and3A_413 : i32 to vector<16xi32>
    %and3A_415 = arith.andi %get3A_406, %and3A_414 : vector<16xi32>
    %shift_left3A_416 = arith.constant 1 : i32
    %shift_left3A_417 = vector.broadcast %shift_left3A_416 : i32 to vector<16xi32>
    %shift_left3A_418 = arith.shli %and3A_415, %shift_left3A_417 : vector<16xi32>
    %add3A_419 = arith.addi %shift_left3A_412, %shift_left3A_418 : vector<16xi32>
    %shift_right_arithmetic3A_420 = arith.constant 10 : i32
    %shift_right_arithmetic3A_421 = vector.broadcast %shift_right_arithmetic3A_420 : i32 to vector<16xi32>
    %shift_right_arithmetic3A_422 = arith.shrsi %get3A_406, %shift_right_arithmetic3A_421 : vector<16xi32>
    %and3A_423 = arith.constant 1 : i32
    %and3A_424 = vector.broadcast %and3A_423 : i32 to vector<16xi32>
    %and3A_425 = arith.andi %shift_right_arithmetic3A_422, %and3A_424 : vector<16xi32>
    %add3A_426 = arith.addi %add3A_419, %and3A_425 : vector<16xi32>
    %swap3A_427 = arith.constant 32 : index
    %swap3A_428 = tpu.vector_load %arg9[%swap3A_427] {strides = array<i32>} : memref<200xi32, #tpu.memory_space<vmem>>, vector<16xi32>,
    tpu.vector_store %arg9[%swap3A_427], %add3A_426 {strides = array<i32>} : memref<200xi32, #tpu.memory_space<vmem>>, vector<16xi32>,
    %get3A_429 = arith.constant 1 : i32
    %get3A_430 = arith.index_cast %get3A_429 : i32 to index
    %get3A_431 = arith.constant 48 : index
    %get3A_432 = tpu.vector_load %arg5[%get3A_430, %get3A_431] {strides = array<i32>} : memref<128x200xi32, #tpu.memory_space<vmem>>, vector<16xi32>,
    %shift_right_arithmetic3A_433 = arith.constant 11 : i32
    %shift_right_arithmetic3A_434 = vector.broadcast %shift_right_arithmetic3A_433 : i32 to vector<16xi32>
    %shift_right_arithmetic3A_435 = arith.shrsi %get3A_432, %shift_right_arithmetic3A_434 : vector<16xi32>
    %shift_left3A_436 = arith.constant 11 : i32
    %shift_left3A_437 = vector.broadcast %shift_left3A_436 : i32 to vector<16xi32>
    %shift_left3A_438 = arith.shli %shift_right_arithmetic3A_435, %shift_left3A_437 : vector<16xi32>
    %and3A_439 = arith.constant 1023 : i32
    %and3A_440 = vector.broadcast %and3A_439 : i32 to vector<16xi32>
    %and3A_441 = arith.andi %get3A_432, %and3A_440 : vector<16xi32>
    %shift_left3A_442 = arith.constant 1 : i32
    %shift_left3A_443 = vector.broadcast %shift_left3A_442 : i32 to vector<16xi32>
    %shift_left3A_444 = arith.shli %and3A_441, %shift_left3A_443 : vector<16xi32>
    %add3A_445 = arith.addi %shift_left3A_438, %shift_left3A_444 : vector<16xi32>
    %shift_right_arithmetic3A_446 = arith.constant 10 : i32
    %shift_right_arithmetic3A_447 = vector.broadcast %shift_right_arithmetic3A_446 : i32 to vector<16xi32>
    %shift_right_arithmetic3A_448 = arith.shrsi %get3A_432, %shift_right_arithmetic3A_447 : vector<16xi32>
    %and3A_449 = arith.constant 1 : i32
    %and3A_450 = vector.broadcast %and3A_449 : i32 to vector<16xi32>
    %and3A_451 = arith.andi %shift_right_arithmetic3A_448, %and3A_450 : vector<16xi32>
    %add3A_452 = arith.addi %add3A_445, %and3A_451 : vector<16xi32>
    %swap3A_453 = arith.constant 48 : index
    %swap3A_454 = tpu.vector_load %arg9[%swap3A_453] {strides = array<i32>} : memref<200xi32, #tpu.memory_space<vmem>>, vector<16xi32>,
    tpu.vector_store %arg9[%swap3A_453], %add3A_452 {strides = array<i32>} : memref<200xi32, #tpu.memory_space<vmem>>, vector<16xi32>,
    %get3A_455 = arith.constant 1 : i32
    %get3A_456 = arith.index_cast %get3A_455 : i32 to index
    %get3A_457 = arith.constant 64 : index
    %get3A_458 = tpu.vector_load %arg5[%get3A_456, %get3A_457] {strides = array<i32>} : memref<128x200xi32, #tpu.memory_space<vmem>>, vector<16xi32>,
    %shift_right_arithmetic3A_459 = arith.constant 11 : i32
    %shift_right_arithmetic3A_460 = vector.broadcast %shift_right_arithmetic3A_459 : i32 to vector<16xi32>
    %shift_right_arithmetic3A_461 = arith.shrsi %get3A_458, %shift_right_arithmetic3A_460 : vector<16xi32>
    %shift_left3A_462 = arith.constant 11 : i32
    %shift_left3A_463 = vector.broadcast %shift_left3A_462 : i32 to vector<16xi32>
    %shift_left3A_464 = arith.shli %shift_right_arithmetic3A_461, %shift_left3A_463 : vector<16xi32>
    %and3A_465 = arith.constant 1023 : i32
    %and3A_466 = vector.broadcast %and3A_465 : i32 to vector<16xi32>
    %and3A_467 = arith.andi %get3A_458, %and3A_466 : vector<16xi32>
    %shift_left3A_468 = arith.constant 1 : i32
    %shift_left3A_469 = vector.broadcast %shift_left3A_468 : i32 to vector<16xi32>
    %shift_left3A_470 = arith.shli %and3A_467, %shift_left3A_469 : vector<16xi32>
    %add3A_471 = arith.addi %shift_left3A_464, %shift_left3A_470 : vector<16xi32>
    %shift_right_arithmetic3A_472 = arith.constant 10 : i32
    %shift_right_arithmetic3A_473 = vector.broadcast %shift_right_arithmetic3A_472 : i32 to vector<16xi32>
    %shift_right_arithmetic3A_474 = arith.shrsi %get3A_458, %shift_right_arithmetic3A_473 : vector<16xi32>
    %and3A_475 = arith.constant 1 : i32
    %and3A_476 = vector.broadcast %and3A_475 : i32 to vector<16xi32>
    %and3A_477 = arith.andi %shift_right_arithmetic3A_474, %and3A_476 : vector<16xi32>
    %add3A_478 = arith.addi %add3A_471, %and3A_477 : vector<16xi32>
    %swap3A_479 = arith.constant 64 : index
    %swap3A_480 = tpu.vector_load %arg9[%swap3A_479] {strides = array<i32>} : memref<200xi32, #tpu.memory_space<vmem>>, vector<16xi32>,
    tpu.vector_store %arg9[%swap3A_479], %add3A_478 {strides = array<i32>} : memref<200xi32, #tpu.memory_space<vmem>>, vector<16xi32>,
    %get3A_481 = arith.constant 1 : i32
    %get3A_482 = arith.index_cast %get3A_481 : i32 to index
    %get3A_483 = arith.constant 80 : index
    %get3A_484 = tpu.vector_load %arg5[%get3A_482, %get3A_483] {strides = array<i32>} : memref<128x200xi32, #tpu.memory_space<vmem>>, vector<16xi32>,
    %shift_right_arithmetic3A_485 = arith.constant 11 : i32
    %shift_right_arithmetic3A_486 = vector.broadcast %shift_right_arithmetic3A_485 : i32 to vector<16xi32>
    %shift_right_arithmetic3A_487 = arith.shrsi %get3A_484, %shift_right_arithmetic3A_486 : vector<16xi32>
    %shift_left3A_488 = arith.constant 11 : i32
    %shift_left3A_489 = vector.broadcast %shift_left3A_488 : i32 to vector<16xi32>
    %shift_left3A_490 = arith.shli %shift_right_arithmetic3A_487, %shift_left3A_489 : vector<16xi32>
    %and3A_491 = arith.constant 1023 : i32
    %and3A_492 = vector.broadcast %and3A_491 : i32 to vector<16xi32>
    %and3A_493 = arith.andi %get3A_484, %and3A_492 : vector<16xi32>
    %shift_left3A_494 = arith.constant 1 : i32
    %shift_left3A_495 = vector.broadcast %shift_left3A_494 : i32 to vector<16xi32>
    %shift_left3A_496 = arith.shli %and3A_493, %shift_left3A_495 : vector<16xi32>
    %add3A_497 = arith.addi %shift_left3A_490, %shift_left3A_496 : vector<16xi32>
    %shift_right_arithmetic3A_498 = arith.constant 10 : i32
    %shift_right_arithmetic3A_499 = vector.broadcast %shift_right_arithmetic3A_498 : i32 to vector<16xi32>
    %shift_right_arithmetic3A_500 = arith.shrsi %get3A_484, %shift_right_arithmetic3A_499 : vector<16xi32>
    %and3A_501 = arith.constant 1 : i32
    %and3A_502 = vector.broadcast %and3A_501 : i32 to vector<16xi32>
    %and3A_503 = arith.andi %shift_right_arithmetic3A_500, %and3A_502 : vector<16xi32>
    %add3A_504 = arith.addi %add3A_497, %and3A_503 : vector<16xi32>
    %swap3A_505 = arith.constant 80 : index
    %swap3A_506 = tpu.vector_load %arg9[%swap3A_505] {strides = array<i32>} : memref<200xi32, #tpu.memory_space<vmem>>, vector<16xi32>,
    tpu.vector_store %arg9[%swap3A_505], %add3A_504 {strides = array<i32>} : memref<200xi32, #tpu.memory_space<vmem>>, vector<16xi32>,
    %get3A_507 = arith.constant 1 : i32
    %get3A_508 = arith.index_cast %get3A_507 : i32 to index
    %get3A_509 = arith.constant 96 : index
    %get3A_510 = tpu.vector_load %arg5[%get3A_508, %get3A_509] {strides = array<i32>} : memref<128x200xi32, #tpu.memory_space<vmem>>, vector<16xi32>,
    %shift_right_arithmetic3A_511 = arith.constant 11 : i32
    %shift_right_arithmetic3A_512 = vector.broadcast %shift_right_arithmetic3A_511 : i32 to vector<16xi32>
    %shift_right_arithmetic3A_513 = arith.shrsi %get3A_510, %shift_right_arithmetic3A_512 : vector<16xi32>
    %shift_left3A_514 = arith.constant 11 : i32
    %shift_left3A_515 = vector.broadcast %shift_left3A_514 : i32 to vector<16xi32>
    %shift_left3A_516 = arith.shli %shift_right_arithmetic3A_513, %shift_left3A_515 : vector<16xi32>
    %and3A_517 = arith.constant 1023 : i32
    %and3A_518 = vector.broadcast %and3A_517 : i32 to vector<16xi32>
    %and3A_519 = arith.andi %get3A_510, %and3A_518 : vector<16xi32>
    %shift_left3A_520 = arith.constant 1 : i32
    %shift_left3A_521 = vector.broadcast %shift_left3A_520 : i32 to vector<16xi32>
    %shift_left3A_522 = arith.shli %and3A_519, %shift_left3A_521 : vector<16xi32>
    %add3A_523 = arith.addi %shift_left3A_516, %shift_left3A_522 : vector<16xi32>
    %shift_right_arithmetic3A_524 = arith.constant 10 : i32
    %shift_right_arithmetic3A_525 = vector.broadcast %shift_right_arithmetic3A_524 : i32 to vector<16xi32>
    %shift_right_arithmetic3A_526 = arith.shrsi %get3A_510, %shift_right_arithmetic3A_525 : vector<16xi32>
    %and3A_527 = arith.constant 1 : i32
    %and3A_528 = vector.broadcast %and3A_527 : i32 to vector<16xi32>
    %and3A_529 = arith.andi %shift_right_arithmetic3A_526, %and3A_528 : vector<16xi32>
    %add3A_530 = arith.addi %add3A_523, %and3A_529 : vector<16xi32>
    %swap3A_531 = arith.constant 96 : index
    %swap3A_532 = tpu.vector_load %arg9[%swap3A_531] {strides = array<i32>} : memref<200xi32, #tpu.memory_space<vmem>>, vector<16xi32>,
    tpu.vector_store %arg9[%swap3A_531], %add3A_530 {strides = array<i32>} : memref<200xi32, #tpu.memory_space<vmem>>, vector<16xi32>,
    %get3A_533 = arith.constant 1 : i32
    %get3A_534 = arith.index_cast %get3A_533 : i32 to index
    %get3A_535 = arith.constant 112 : index
    %get3A_536 = tpu.vector_load %arg5[%get3A_534, %get3A_535] {strides = array<i32>} : memref<128x200xi32, #tpu.memory_space<vmem>>, vector<16xi32>,
    %shift_right_arithmetic3A_537 = arith.constant 11 : i32
    %shift_right_arithmetic3A_538 = vector.broadcast %shift_right_arithmetic3A_537 : i32 to vector<16xi32>
    %shift_right_arithmetic3A_539 = arith.shrsi %get3A_536, %shift_right_arithmetic3A_538 : vector<16xi32>
    %shift_left3A_540 = arith.constant 11 : i32
    %shift_left3A_541 = vector.broadcast %shift_left3A_540 : i32 to vector<16xi32>
    %shift_left3A_542 = arith.shli %shift_right_arithmetic3A_539, %shift_left3A_541 : vector<16xi32>
    %and3A_543 = arith.constant 1023 : i32
    %and3A_544 = vector.broadcast %and3A_543 : i32 to vector<16xi32>
    %and3A_545 = arith.andi %get3A_536, %and3A_544 : vector<16xi32>
    %shift_left3A_546 = arith.constant 1 : i32
    %shift_left3A_547 = vector.broadcast %shift_left3A_546 : i32 to vector<16xi32>
    %shift_left3A_548 = arith.shli %and3A_545, %shift_left3A_547 : vector<16xi32>
    %add3A_549 = arith.addi %shift_left3A_542, %shift_left3A_548 : vector<16xi32>
    %shift_right_arithmetic3A_550 = arith.constant 10 : i32
    %shift_right_arithmetic3A_551 = vector.broadcast %shift_right_arithmetic3A_550 : i32 to vector<16xi32>
    %shift_right_arithmetic3A_552 = arith.shrsi %get3A_536, %shift_right_arithmetic3A_551 : vector<16xi32>
    %and3A_553 = arith.constant 1 : i32
    %and3A_554 = vector.broadcast %and3A_553 : i32 to vector<16xi32>
    %and3A_555 = arith.andi %shift_right_arithmetic3A_552, %and3A_554 : vector<16xi32>
    %add3A_556 = arith.addi %add3A_549, %and3A_555 : vector<16xi32>
    %swap3A_557 = arith.constant 112 : index
    %swap3A_558 = tpu.vector_load %arg9[%swap3A_557] {strides = array<i32>} : memref<200xi32, #tpu.memory_space<vmem>>, vector<16xi32>,
    tpu.vector_store %arg9[%swap3A_557], %add3A_556 {strides = array<i32>} : memref<200xi32, #tpu.memory_space<vmem>>, vector<16xi32>,
    %get3A_559 = arith.constant 1 : i32
    %get3A_560 = arith.index_cast %get3A_559 : i32 to index
    %get3A_561 = arith.constant 128 : index
    %get3A_562 = tpu.vector_load %arg5[%get3A_560, %get3A_561] {strides = array<i32>} : memref<128x200xi32, #tpu.memory_space<vmem>>, vector<16xi32>,
    %shift_right_arithmetic3A_563 = arith.constant 11 : i32
    %shift_right_arithmetic3A_564 = vector.broadcast %shift_right_arithmetic3A_563 : i32 to vector<16xi32>
    %shift_right_arithmetic3A_565 = arith.shrsi %get3A_562, %shift_right_arithmetic3A_564 : vector<16xi32>
    %shift_left3A_566 = arith.constant 11 : i32
    %shift_left3A_567 = vector.broadcast %shift_left3A_566 : i32 to vector<16xi32>
    %shift_left3A_568 = arith.shli %shift_right_arithmetic3A_565, %shift_left3A_567 : vector<16xi32>
    %and3A_569 = arith.constant 1023 : i32
    %and3A_570 = vector.broadcast %and3A_569 : i32 to vector<16xi32>
    %and3A_571 = arith.andi %get3A_562, %and3A_570 : vector<16xi32>
    %shift_left3A_572 = arith.constant 1 : i32
    %shift_left3A_573 = vector.broadcast %shift_left3A_572 : i32 to vector<16xi32>
    %shift_left3A_574 = arith.shli %and3A_571, %shift_left3A_573 : vector<16xi32>
    %add3A_575 = arith.addi %shift_left3A_568, %shift_left3A_574 : vector<16xi32>
    %shift_right_arithmetic3A_576 = arith.constant 10 : i32
    %shift_right_arithmetic3A_577 = vector.broadcast %shift_right_arithmetic3A_576 : i32 to vector<16xi32>
    %shift_right_arithmetic3A_578 = arith.shrsi %get3A_562, %shift_right_arithmetic3A_577 : vector<16xi32>
    %and3A_579 = arith.constant 1 : i32
    %and3A_580 = vector.broadcast %and3A_579 : i32 to vector<16xi32>
    %and3A_581 = arith.andi %shift_right_arithmetic3A_578, %and3A_580 : vector<16xi32>
    %add3A_582 = arith.addi %add3A_575, %and3A_581 : vector<16xi32>
    %swap3A_583 = arith.constant 128 : index
    %swap3A_584 = tpu.vector_load %arg9[%swap3A_583] {strides = array<i32>} : memref<200xi32, #tpu.memory_space<vmem>>, vector<16xi32>,
    tpu.vector_store %arg9[%swap3A_583], %add3A_582 {strides = array<i32>} : memref<200xi32, #tpu.memory_space<vmem>>, vector<16xi32>,
    %get3A_585 = arith.constant 1 : i32
    %get3A_586 = arith.index_cast %get3A_585 : i32 to index
    %get3A_587 = arith.constant 144 : index
    %get3A_588 = tpu.vector_load %arg5[%get3A_586, %get3A_587] {strides = array<i32>} : memref<128x200xi32, #tpu.memory_space<vmem>>, vector<16xi32>,
    %shift_right_arithmetic3A_589 = arith.constant 11 : i32
    %shift_right_arithmetic3A_590 = vector.broadcast %shift_right_arithmetic3A_589 : i32 to vector<16xi32>
    %shift_right_arithmetic3A_591 = arith.shrsi %get3A_588, %shift_right_arithmetic3A_590 : vector<16xi32>
    %shift_left3A_592 = arith.constant 11 : i32
    %shift_left3A_593 = vector.broadcast %shift_left3A_592 : i32 to vector<16xi32>
    %shift_left3A_594 = arith.shli %shift_right_arithmetic3A_591, %shift_left3A_593 : vector<16xi32>
    %and3A_595 = arith.constant 1023 : i32
    %and3A_596 = vector.broadcast %and3A_595 : i32 to vector<16xi32>
    %and3A_597 = arith.andi %get3A_588, %and3A_596 : vector<16xi32>
    %shift_left3A_598 = arith.constant 1 : i32
    %shift_left3A_599 = vector.broadcast %shift_left3A_598 : i32 to vector<16xi32>
    %shift_left3A_600 = arith.shli %and3A_597, %shift_left3A_599 : vector<16xi32>
    %add3A_601 = arith.addi %shift_left3A_594, %shift_left3A_600 : vector<16xi32>
    %shift_right_arithmetic3A_602 = arith.constant 10 : i32
    %shift_right_arithmetic3A_603 = vector.broadcast %shift_right_arithmetic3A_602 : i32 to vector<16xi32>
    %shift_right_arithmetic3A_604 = arith.shrsi %get3A_588, %shift_right_arithmetic3A_603 : vector<16xi32>
    %and3A_605 = arith.constant 1 : i32
    %and3A_606 = vector.broadcast %and3A_605 : i32 to vector<16xi32>
    %and3A_607 = arith.andi %shift_right_arithmetic3A_604, %and3A_606 : vector<16xi32>
    %add3A_608 = arith.addi %add3A_601, %and3A_607 : vector<16xi32>
    %swap3A_609 = arith.constant 144 : index
    %swap3A_610 = tpu.vector_load %arg9[%swap3A_609] {strides = array<i32>} : memref<200xi32, #tpu.memory_space<vmem>>, vector<16xi32>,
    tpu.vector_store %arg9[%swap3A_609], %add3A_608 {strides = array<i32>} : memref<200xi32, #tpu.memory_space<vmem>>, vector<16xi32>,
    %get3A_611 = arith.constant 1 : i32
    %get3A_612 = arith.index_cast %get3A_611 : i32 to index
    %get3A_613 = arith.constant 160 : index
    %get3A_614 = tpu.vector_load %arg5[%get3A_612, %get3A_613] {strides = array<i32>} : memref<128x200xi32, #tpu.memory_space<vmem>>, vector<16xi32>,
    %shift_right_arithmetic3A_615 = arith.constant 11 : i32
    %shift_right_arithmetic3A_616 = vector.broadcast %shift_right_arithmetic3A_615 : i32 to vector<16xi32>
    %shift_right_arithmetic3A_617 = arith.shrsi %get3A_614, %shift_right_arithmetic3A_616 : vector<16xi32>
    %shift_left3A_618 = arith.constant 11 : i32
    %shift_left3A_619 = vector.broadcast %shift_left3A_618 : i32 to vector<16xi32>
    %shift_left3A_620 = arith.shli %shift_right_arithmetic3A_617, %shift_left3A_619 : vector<16xi32>
    %and3A_621 = arith.constant 1023 : i32
    %and3A_622 = vector.broadcast %and3A_621 : i32 to vector<16xi32>
    %and3A_623 = arith.andi %get3A_614, %and3A_622 : vector<16xi32>
    %shift_left3A_624 = arith.constant 1 : i32
    %shift_left3A_625 = vector.broadcast %shift_left3A_624 : i32 to vector<16xi32>
    %shift_left3A_626 = arith.shli %and3A_623, %shift_left3A_625 : vector<16xi32>
    %add3A_627 = arith.addi %shift_left3A_620, %shift_left3A_626 : vector<16xi32>
    %shift_right_arithmetic3A_628 = arith.constant 10 : i32
    %shift_right_arithmetic3A_629 = vector.broadcast %shift_right_arithmetic3A_628 : i32 to vector<16xi32>
    %shift_right_arithmetic3A_630 = arith.shrsi %get3A_614, %shift_right_arithmetic3A_629 : vector<16xi32>
    %and3A_631 = arith.constant 1 : i32
    %and3A_632 = vector.broadcast %and3A_631 : i32 to vector<16xi32>
    %and3A_633 = arith.andi %shift_right_arithmetic3A_630, %and3A_632 : vector<16xi32>
    %add3A_634 = arith.addi %add3A_627, %and3A_633 : vector<16xi32>
    %swap3A_635 = arith.constant 160 : index
    %swap3A_636 = tpu.vector_load %arg9[%swap3A_635] {strides = array<i32>} : memref<200xi32, #tpu.memory_space<vmem>>, vector<16xi32>,
    tpu.vector_store %arg9[%swap3A_635], %add3A_634 {strides = array<i32>} : memref<200xi32, #tpu.memory_space<vmem>>, vector<16xi32>,
    %get3A_637 = arith.constant 1 : i32
    %get3A_638 = arith.index_cast %get3A_637 : i32 to index
    %get3A_639 = arith.constant 176 : index
    %get3A_640 = tpu.vector_load %arg5[%get3A_638, %get3A_639] {strides = array<i32>} : memref<128x200xi32, #tpu.memory_space<vmem>>, vector<16xi32>,
    %shift_right_arithmetic3A_641 = arith.constant 11 : i32
    %shift_right_arithmetic3A_642 = vector.broadcast %shift_right_arithmetic3A_641 : i32 to vector<16xi32>
    %shift_right_arithmetic3A_643 = arith.shrsi %get3A_640, %shift_right_arithmetic3A_642 : vector<16xi32>
    %shift_left3A_644 = arith.constant 11 : i32
    %shift_left3A_645 = vector.broadcast %shift_left3A_644 : i32 to vector<16xi32>
    %shift_left3A_646 = arith.shli %shift_right_arithmetic3A_643, %shift_left3A_645 : vector<16xi32>
    %and3A_647 = arith.constant 1023 : i32
    %and3A_648 = vector.broadcast %and3A_647 : i32 to vector<16xi32>
    %and3A_649 = arith.andi %get3A_640, %and3A_648 : vector<16xi32>
    %shift_left3A_650 = arith.constant 1 : i32
    %shift_left3A_651 = vector.broadcast %shift_left3A_650 : i32 to vector<16xi32>
    %shift_left3A_652 = arith.shli %and3A_649, %shift_left3A_651 : vector<16xi32>
    %add3A_653 = arith.addi %shift_left3A_646, %shift_left3A_652 : vector<16xi32>
    %shift_right_arithmetic3A_654 = arith.constant 10 : i32
    %shift_right_arithmetic3A_655 = vector.broadcast %shift_right_arithmetic3A_654 : i32 to vector<16xi32>
    %shift_right_arithmetic3A_656 = arith.shrsi %get3A_640, %shift_right_arithmetic3A_655 : vector<16xi32>
    %and3A_657 = arith.constant 1 : i32
    %and3A_658 = vector.broadcast %and3A_657 : i32 to vector<16xi32>
    %and3A_659 = arith.andi %shift_right_arithmetic3A_656, %and3A_658 : vector<16xi32>
    %add3A_660 = arith.addi %add3A_653, %and3A_659 : vector<16xi32>
    %swap3A_661 = arith.constant 176 : index
    %swap3A_662 = tpu.vector_load %arg9[%swap3A_661] {strides = array<i32>} : memref<200xi32, #tpu.memory_space<vmem>>, vector<16xi32>,
    tpu.vector_store %arg9[%swap3A_661], %add3A_660 {strides = array<i32>} : memref<200xi32, #tpu.memory_space<vmem>>, vector<16xi32>,
    %get3A_663 = arith.constant 1 : i32
    %get3A_664 = arith.index_cast %get3A_663 : i32 to index
    %get3A_665 = arith.constant 184 : index
    %get3A_666 = tpu.vector_load %arg5[%get3A_664, %get3A_665] {strides = array<i32>} : memref<128x200xi32, #tpu.memory_space<vmem>>, vector<16xi32>,
    %shift_right_arithmetic3A_667 = arith.constant 11 : i32
    %shift_right_arithmetic3A_668 = vector.broadcast %shift_right_arithmetic3A_667 : i32 to vector<16xi32>
    %shift_right_arithmetic3A_669 = arith.shrsi %get3A_666, %shift_right_arithmetic3A_668 : vector<16xi32>
    %shift_left3A_670 = arith.constant 11 : i32
    %shift_left3A_671 = vector.broadcast %shift_left3A_670 : i32 to vector<16xi32>
    %shift_left3A_672 = arith.shli %shift_right_arithmetic3A_669, %shift_left3A_671 : vector<16xi32>
    %and3A_673 = arith.constant 1023 : i32
    %and3A_674 = vector.broadcast %and3A_673 : i32 to vector<16xi32>
    %and3A_675 = arith.andi %get3A_666, %and3A_674 : vector<16xi32>
    %shift_left3A_676 = arith.constant 1 : i32
    %shift_left3A_677 = vector.broadcast %shift_left3A_676 : i32 to vector<16xi32>
    %shift_left3A_678 = arith.shli %and3A_675, %shift_left3A_677 : vector<16xi32>
    %add3A_679 = arith.addi %shift_left3A_672, %shift_left3A_678 : vector<16xi32>
    %shift_right_arithmetic3A_680 = arith.constant 10 : i32
    %shift_right_arithmetic3A_681 = vector.broadcast %shift_right_arithmetic3A_680 : i32 to vector<16xi32>
    %shift_right_arithmetic3A_682 = arith.shrsi %get3A_666, %shift_right_arithmetic3A_681 : vector<16xi32>
    %and3A_683 = arith.constant 1 : i32
    %and3A_684 = vector.broadcast %and3A_683 : i32 to vector<16xi32>
    %and3A_685 = arith.andi %shift_right_arithmetic3A_682, %and3A_684 : vector<16xi32>
    %add3A_686 = arith.addi %add3A_679, %and3A_685 : vector<16xi32>
    %swap3A_687 = arith.constant 184 : index
    %swap3A_688 = tpu.vector_load %arg9[%swap3A_687] {strides = array<i32>} : memref<200xi32, #tpu.memory_space<vmem>>, vector<16xi32>,
    tpu.vector_store %arg9[%swap3A_687], %add3A_686 {strides = array<i32>} : memref<200xi32, #tpu.memory_space<vmem>>, vector<16xi32>,
    %dma_start3A_689 = arith.constant 0 : i32
    %dma_start3A_690 = arith.constant 0 : i32
    %dma_start3A_691 = tpu.memref_slice %arg7[%dma_start3A_689, %dma_start3A_690] : memref<200x64xf32, #tpu.memory_space<vmem>> -> memref<104x64xf32, #tpu.memory_space<vmem>>
    %dma_start3A_692 = arith.constant 0 : i32
    %dma_start3A_693 = tpu.memref_slice %arg9[%dma_start3A_692] : memref<200xi32, #tpu.memory_space<vmem>> -> memref<104xi32, #tpu.memory_space<vmem>>
    %dma_start3A_694 = arith.constant 0 : i32
    %dma_start3A_695 = arith.constant 0 : i32
    %dma_start3A_696 = tpu.memref_slice %arg3[%dma_start3A_694, %dma_start3A_695] : memref<1001472x64xf32, #tpu.memory_space<hbm>> -> memref<1001472x64xf32, #tpu.memory_space<hbm>>
    tpu.enqueue_indirect_dma source(%dma_start3A_696 : memref<1001472x64xf32, #tpu.memory_space<hbm>>) target(%dma_start3A_691 : memref<104x64xf32, #tpu.memory_space<vmem>>) offsets(%dma_start3A_693 : memref<104xi32, #tpu.memory_space<vmem>>) semaphore(%arg13 : memref<!tpu.dma_semaphore, #tpu.memory_space<semaphore_mem>>)
    %dma_start3A_697 = arith.constant 104 : i32
    %dma_start3A_698 = arith.constant 0 : i32
    %dma_start3A_699 = tpu.memref_slice %arg7[%dma_start3A_697, %dma_start3A_698] : memref<200x64xf32, #tpu.memory_space<vmem>> -> memref<96x64xf32, #tpu.memory_space<vmem>>
    %dma_start3A_700 = arith.constant 104 : i32
    %dma_start3A_701 = tpu.memref_slice %arg9[%dma_start3A_700] : memref<200xi32, #tpu.memory_space<vmem>> -> memref<96xi32, #tpu.memory_space<vmem>>
    %dma_start3A_702 = arith.constant 0 : i32
    %dma_start3A_703 = arith.constant 0 : i32
    %dma_start3A_704 = tpu.memref_slice %arg3[%dma_start3A_702, %dma_start3A_703] : memref<1001472x64xf32, #tpu.memory_space<hbm>> -> memref<1001472x64xf32, #tpu.memory_space<hbm>>
    tpu.enqueue_indirect_dma source(%dma_start3A_704 : memref<1001472x64xf32, #tpu.memory_space<hbm>>) target(%dma_start3A_699 : memref<96x64xf32, #tpu.memory_space<vmem>>) offsets(%dma_start3A_701 : memref<96xi32, #tpu.memory_space<vmem>>) semaphore(%arg13 : memref<!tpu.dma_semaphore, #tpu.memory_space<semaphore_mem>>)
    %iota3A = tpu.iota {dimensions = array<i32: 0>} : vector<16xi32>
    %ge3A = arith.constant 8 : i32
    %ge3A_705 = vector.broadcast %ge3A : i32 to vector<16xi32>
    %ge3A_706 = arith.cmpi sge, %iota3A, %ge3A_705 : vector<16xi32>
    %scan3A = arith.constant 0 : i32
    %scan3A_707 = arith.constant 0 : i32
    %scan3A_708 = arith.constant 64 : i32
    %scan3A_709 = arith.addi %scan3A_707, %scan3A_708 : i32
    %scan3A_710 = arith.constant 1 : i32
    scf.for %scan3A_712 = %scan3A_707 to %scan3A_709 step %scan3A_710  : i32 {
      %mul3A_713 = arith.constant 2 : i32
      %mul3A_714 = arith.muli %scan3A_712, %mul3A_713 : i32
      %add3A_715 = arith.constant 0 : i32
      %add3A_716 = arith.addi %mul3A_714, %add3A_715 : i32
      %dma_wait3A = arith.constant 0 : i32
      %dma_wait3A_717 = arith.constant 0 : i32
      %dma_wait3A_718 = tpu.memref_slice %arg6[%dma_wait3A, %dma_wait3A_717] : memref<200x64xf32, #tpu.memory_space<vmem>> -> memref<104x64xf32, #tpu.memory_space<vmem>>
      %dma_wait3A_719 = arith.constant 0 : i32
      %dma_wait3A_720 = tpu.memref_slice %arg8[%dma_wait3A_719] : memref<200xi32, #tpu.memory_space<vmem>> -> memref<104xi32, #tpu.memory_space<vmem>>
      %dma_wait3A_721 = arith.constant 0 : i32
      %dma_wait3A_722 = arith.constant 0 : i32
      %dma_wait3A_723 = tpu.memref_slice %arg3[%dma_wait3A_721, %dma_wait3A_722] : memref<1001472x64xf32, #tpu.memory_space<hbm>> -> memref<1001472x64xf32, #tpu.memory_space<hbm>>
      tpu.wait_indirect_dma semaphore(%arg12 : memref<!tpu.dma_semaphore, #tpu.memory_space<semaphore_mem>>) src(%dma_wait3A_723 : memref<1001472x64xf32, #tpu.memory_space<hbm>>) dst(%dma_wait3A_718 : memref<104x64xf32, #tpu.memory_space<vmem>>)
      %dma_wait3A_724 = arith.constant 104 : i32
      %dma_wait3A_725 = arith.constant 0 : i32
      %dma_wait3A_726 = tpu.memref_slice %arg6[%dma_wait3A_724, %dma_wait3A_725] : memref<200x64xf32, #tpu.memory_space<vmem>> -> memref<96x64xf32, #tpu.memory_space<vmem>>
      %dma_wait3A_727 = arith.constant 104 : i32
      %dma_wait3A_728 = tpu.memref_slice %arg8[%dma_wait3A_727] : memref<200xi32, #tpu.memory_space<vmem>> -> memref<96xi32, #tpu.memory_space<vmem>>
      %dma_wait3A_729 = arith.constant 0 : i32
      %dma_wait3A_730 = arith.constant 0 : i32
      %dma_wait3A_731 = tpu.memref_slice %arg3[%dma_wait3A_729, %dma_wait3A_730] : memref<1001472x64xf32, #tpu.memory_space<hbm>> -> memref<1001472x64xf32, #tpu.memory_space<hbm>>
      tpu.wait_indirect_dma semaphore(%arg12 : memref<!tpu.dma_semaphore, #tpu.memory_space<semaphore_mem>>) src(%dma_wait3A_731 : memref<1001472x64xf32, #tpu.memory_space<hbm>>) dst(%dma_wait3A_726 : memref<96x64xf32, #tpu.memory_space<vmem>>)
      %broadcast_in_dim3A = arith.constant 0 : i32
      %broadcast_in_dim3A_732 = vector.broadcast %broadcast_in_dim3A : i32 to vector<16xi32>
      %broadcast_in_dim3A_733 = arith.constant 0 : i32
      %broadcast_in_dim3A_734 = vector.broadcast %broadcast_in_dim3A_733 : i32 to vector<16xi32>
      %get3A_735 = arith.index_cast %add3A_716 : i32 to index
      %get3A_736 = arith.constant 0 : index
      %get3A_737 = tpu.vector_load %arg5[%get3A_735, %get3A_736] {strides = array<i32>} : memref<128x200xi32, #tpu.memory_space<vmem>>, vector<16xi32>,
      %eq3A = arith.constant 0 : i32
      %eq3A_738 = vector.broadcast %eq3A : i32 to vector<16xi32>
      %eq3A_739 = arith.cmpi eq, %get3A_737, %eq3A_738 : vector<16xi32>
      %all_reduce_population_count3A = tpu.all_reduce %eq3A_739 {dim = 0 : i64, kind = #tpu.reduction_kind<sum>} : vector<16xi1> -> vector<16xi32>
      %add3A_740 = arith.addi %broadcast_in_dim3A_732, %all_reduce_population_count3A : vector<16xi32>
      %eq3A_741 = arith.constant 1 : i32
      %eq3A_742 = vector.broadcast %eq3A_741 : i32 to vector<16xi32>
      %eq3A_743 = arith.cmpi eq, %get3A_737, %eq3A_742 : vector<16xi32>
      %all_reduce_population_count3A_744 = tpu.all_reduce %eq3A_743 {dim = 0 : i64, kind = #tpu.reduction_kind<sum>} : vector<16xi1> -> vector<16xi32>
      %add3A_745 = arith.addi %broadcast_in_dim3A_734, %all_reduce_population_count3A_744 : vector<16xi32>
      %get3A_746 = arith.index_cast %add3A_716 : i32 to index
      %get3A_747 = arith.constant 16 : index
      %get3A_748 = tpu.vector_load %arg5[%get3A_746, %get3A_747] {strides = array<i32>} : memref<128x200xi32, #tpu.memory_space<vmem>>, vector<16xi32>,
      %eq3A_749 = arith.constant 0 : i32
      %eq3A_750 = vector.broadcast %eq3A_749 : i32 to vector<16xi32>
      %eq3A_751 = arith.cmpi eq, %get3A_748, %eq3A_750 : vector<16xi32>
      %all_reduce_population_count3A_752 = tpu.all_reduce %eq3A_751 {dim = 0 : i64, kind = #tpu.reduction_kind<sum>} : vector<16xi1> -> vector<16xi32>
      %add3A_753 = arith.addi %add3A_740, %all_reduce_population_count3A_752 : vector<16xi32>
      %eq3A_754 = arith.constant 1 : i32
      %eq3A_755 = vector.broadcast %eq3A_754 : i32 to vector<16xi32>
      %eq3A_756 = arith.cmpi eq, %get3A_748, %eq3A_755 : vector<16xi32>
      %all_reduce_population_count3A_757 = tpu.all_reduce %eq3A_756 {dim = 0 : i64, kind = #tpu.reduction_kind<sum>} : vector<16xi1> -> vector<16xi32>
      %add3A_758 = arith.addi %add3A_745, %all_reduce_population_count3A_757 : vector<16xi32>
      %get3A_759 = arith.index_cast %add3A_716 : i32 to index
      %get3A_760 = arith.constant 32 : index
      %get3A_761 = tpu.vector_load %arg5[%get3A_759, %get3A_760] {strides = array<i32>} : memref<128x200xi32, #tpu.memory_space<vmem>>, vector<16xi32>,
      %eq3A_762 = arith.constant 0 : i32
      %eq3A_763 = vector.broadcast %eq3A_762 : i32 to vector<16xi32>
      %eq3A_764 = arith.cmpi eq, %get3A_761, %eq3A_763 : vector<16xi32>
      %all_reduce_population_count3A_765 = tpu.all_reduce %eq3A_764 {dim = 0 : i64, kind = #tpu.reduction_kind<sum>} : vector<16xi1> -> vector<16xi32>
      %add3A_766 = arith.addi %add3A_753, %all_reduce_population_count3A_765 : vector<16xi32>
      %eq3A_767 = arith.constant 1 : i32
      %eq3A_768 = vector.broadcast %eq3A_767 : i32 to vector<16xi32>
      %eq3A_769 = arith.cmpi eq, %get3A_761, %eq3A_768 : vector<16xi32>
      %all_reduce_population_count3A_770 = tpu.all_reduce %eq3A_769 {dim = 0 : i64, kind = #tpu.reduction_kind<sum>} : vector<16xi1> -> vector<16xi32>
      %add3A_771 = arith.addi %add3A_758, %all_reduce_population_count3A_770 : vector<16xi32>
      %get3A_772 = arith.index_cast %add3A_716 : i32 to index
      %get3A_773 = arith.constant 48 : index
      %get3A_774 = tpu.vector_load %arg5[%get3A_772, %get3A_773] {strides = array<i32>} : memref<128x200xi32, #tpu.memory_space<vmem>>, vector<16xi32>,
      %eq3A_775 = arith.constant 0 : i32
      %eq3A_776 = vector.broadcast %eq3A_775 : i32 to vector<16xi32>
      %eq3A_777 = arith.cmpi eq, %get3A_774, %eq3A_776 : vector<16xi32>
      %all_reduce_population_count3A_778 = tpu.all_reduce %eq3A_777 {dim = 0 : i64, kind = #tpu.reduction_kind<sum>} : vector<16xi1> -> vector<16xi32>
      %add3A_779 = arith.addi %add3A_766, %all_reduce_population_count3A_778 : vector<16xi32>
      %eq3A_780 = arith.constant 1 : i32
      %eq3A_781 = vector.broadcast %eq3A_780 : i32 to vector<16xi32>
      %eq3A_782 = arith.cmpi eq, %get3A_774, %eq3A_781 : vector<16xi32>
      %all_reduce_population_count3A_783 = tpu.all_reduce %eq3A_782 {dim = 0 : i64, kind = #tpu.reduction_kind<sum>} : vector<16xi1> -> vector<16xi32>
      %add3A_784 = arith.addi %add3A_771, %all_reduce_population_count3A_783 : vector<16xi32>
      %get3A_785 = arith.index_cast %add3A_716 : i32 to index
      %get3A_786 = arith.constant 64 : index
      %get3A_787 = tpu.vector_load %arg5[%get3A_785, %get3A_786] {strides = array<i32>} : memref<128x200xi32, #tpu.memory_space<vmem>>, vector<16xi32>,
      %eq3A_788 = arith.constant 0 : i32
      %eq3A_789 = vector.broadcast %eq3A_788 : i32 to vector<16xi32>
      %eq3A_790 = arith.cmpi eq, %get3A_787, %eq3A_789 : vector<16xi32>
      %all_reduce_population_count3A_791 = tpu.all_reduce %eq3A_790 {dim = 0 : i64, kind = #tpu.reduction_kind<sum>} : vector<16xi1> -> vector<16xi32>
      %add3A_792 = arith.addi %add3A_779, %all_reduce_population_count3A_791 : vector<16xi32>
      %eq3A_793 = arith.constant 1 : i32
      %eq3A_794 = vector.broadcast %eq3A_793 : i32 to vector<16xi32>
      %eq3A_795 = arith.cmpi eq, %get3A_787, %eq3A_794 : vector<16xi32>
      %all_reduce_population_count3A_796 = tpu.all_reduce %eq3A_795 {dim = 0 : i64, kind = #tpu.reduction_kind<sum>} : vector<16xi1> -> vector<16xi32>
      %add3A_797 = arith.addi %add3A_784, %all_reduce_population_count3A_796 : vector<16xi32>
      %get3A_798 = arith.index_cast %add3A_716 : i32 to index
      %get3A_799 = arith.constant 80 : index
      %get3A_800 = tpu.vector_load %arg5[%get3A_798, %get3A_799] {strides = array<i32>} : memref<128x200xi32, #tpu.memory_space<vmem>>, vector<16xi32>,
      %eq3A_801 = arith.constant 0 : i32
      %eq3A_802 = vector.broadcast %eq3A_801 : i32 to vector<16xi32>
      %eq3A_803 = arith.cmpi eq, %get3A_800, %eq3A_802 : vector<16xi32>
      %all_reduce_population_count3A_804 = tpu.all_reduce %eq3A_803 {dim = 0 : i64, kind = #tpu.reduction_kind<sum>} : vector<16xi1> -> vector<16xi32>
      %add3A_805 = arith.addi %add3A_792, %all_reduce_population_count3A_804 : vector<16xi32>
      %eq3A_806 = arith.constant 1 : i32
      %eq3A_807 = vector.broadcast %eq3A_806 : i32 to vector<16xi32>
      %eq3A_808 = arith.cmpi eq, %get3A_800, %eq3A_807 : vector<16xi32>
      %all_reduce_population_count3A_809 = tpu.all_reduce %eq3A_808 {dim = 0 : i64, kind = #tpu.reduction_kind<sum>} : vector<16xi1> -> vector<16xi32>
      %add3A_810 = arith.addi %add3A_797, %all_reduce_population_count3A_809 : vector<16xi32>
      %get3A_811 = arith.index_cast %add3A_716 : i32 to index
      %get3A_812 = arith.constant 96 : index
      %get3A_813 = tpu.vector_load %arg5[%get3A_811, %get3A_812] {strides = array<i32>} : memref<128x200xi32, #tpu.memory_space<vmem>>, vector<16xi32>,
      %eq3A_814 = arith.constant 0 : i32
      %eq3A_815 = vector.broadcast %eq3A_814 : i32 to vector<16xi32>
      %eq3A_816 = arith.cmpi eq, %get3A_813, %eq3A_815 : vector<16xi32>
      %all_reduce_population_count3A_817 = tpu.all_reduce %eq3A_816 {dim = 0 : i64, kind = #tpu.reduction_kind<sum>} : vector<16xi1> -> vector<16xi32>
      %add3A_818 = arith.addi %add3A_805, %all_reduce_population_count3A_817 : vector<16xi32>
      %eq3A_819 = arith.constant 1 : i32
      %eq3A_820 = vector.broadcast %eq3A_819 : i32 to vector<16xi32>
      %eq3A_821 = arith.cmpi eq, %get3A_813, %eq3A_820 : vector<16xi32>
      %all_reduce_population_count3A_822 = tpu.all_reduce %eq3A_821 {dim = 0 : i64, kind = #tpu.reduction_kind<sum>} : vector<16xi1> -> vector<16xi32>
      %add3A_823 = arith.addi %add3A_810, %all_reduce_population_count3A_822 : vector<16xi32>
      %get3A_824 = arith.index_cast %add3A_716 : i32 to index
      %get3A_825 = arith.constant 112 : index
      %get3A_826 = tpu.vector_load %arg5[%get3A_824, %get3A_825] {strides = array<i32>} : memref<128x200xi32, #tpu.memory_space<vmem>>, vector<16xi32>,
      %eq3A_827 = arith.constant 0 : i32
      %eq3A_828 = vector.broadcast %eq3A_827 : i32 to vector<16xi32>
      %eq3A_829 = arith.cmpi eq, %get3A_826, %eq3A_828 : vector<16xi32>
      %all_reduce_population_count3A_830 = tpu.all_reduce %eq3A_829 {dim = 0 : i64, kind = #tpu.reduction_kind<sum>} : vector<16xi1> -> vector<16xi32>
      %add3A_831 = arith.addi %add3A_818, %all_reduce_population_count3A_830 : vector<16xi32>
      %eq3A_832 = arith.constant 1 : i32
      %eq3A_833 = vector.broadcast %eq3A_832 : i32 to vector<16xi32>
      %eq3A_834 = arith.cmpi eq, %get3A_826, %eq3A_833 : vector<16xi32>
      %all_reduce_population_count3A_835 = tpu.all_reduce %eq3A_834 {dim = 0 : i64, kind = #tpu.reduction_kind<sum>} : vector<16xi1> -> vector<16xi32>
      %add3A_836 = arith.addi %add3A_823, %all_reduce_population_count3A_835 : vector<16xi32>
      %get3A_837 = arith.index_cast %add3A_716 : i32 to index
      %get3A_838 = arith.constant 128 : index
      %get3A_839 = tpu.vector_load %arg5[%get3A_837, %get3A_838] {strides = array<i32>} : memref<128x200xi32, #tpu.memory_space<vmem>>, vector<16xi32>,
      %eq3A_840 = arith.constant 0 : i32
      %eq3A_841 = vector.broadcast %eq3A_840 : i32 to vector<16xi32>
      %eq3A_842 = arith.cmpi eq, %get3A_839, %eq3A_841 : vector<16xi32>
      %all_reduce_population_count3A_843 = tpu.all_reduce %eq3A_842 {dim = 0 : i64, kind = #tpu.reduction_kind<sum>} : vector<16xi1> -> vector<16xi32>
      %add3A_844 = arith.addi %add3A_831, %all_reduce_population_count3A_843 : vector<16xi32>
      %eq3A_845 = arith.constant 1 : i32
      %eq3A_846 = vector.broadcast %eq3A_845 : i32 to vector<16xi32>
      %eq3A_847 = arith.cmpi eq, %get3A_839, %eq3A_846 : vector<16xi32>
      %all_reduce_population_count3A_848 = tpu.all_reduce %eq3A_847 {dim = 0 : i64, kind = #tpu.reduction_kind<sum>} : vector<16xi1> -> vector<16xi32>
      %add3A_849 = arith.addi %add3A_836, %all_reduce_population_count3A_848 : vector<16xi32>
      %get3A_850 = arith.index_cast %add3A_716 : i32 to index
      %get3A_851 = arith.constant 144 : index
      %get3A_852 = tpu.vector_load %arg5[%get3A_850, %get3A_851] {strides = array<i32>} : memref<128x200xi32, #tpu.memory_space<vmem>>, vector<16xi32>,
      %eq3A_853 = arith.constant 0 : i32
      %eq3A_854 = vector.broadcast %eq3A_853 : i32 to vector<16xi32>
      %eq3A_855 = arith.cmpi eq, %get3A_852, %eq3A_854 : vector<16xi32>
      %all_reduce_population_count3A_856 = tpu.all_reduce %eq3A_855 {dim = 0 : i64, kind = #tpu.reduction_kind<sum>} : vector<16xi1> -> vector<16xi32>
      %add3A_857 = arith.addi %add3A_844, %all_reduce_population_count3A_856 : vector<16xi32>
      %eq3A_858 = arith.constant 1 : i32
      %eq3A_859 = vector.broadcast %eq3A_858 : i32 to vector<16xi32>
      %eq3A_860 = arith.cmpi eq, %get3A_852, %eq3A_859 : vector<16xi32>
      %all_reduce_population_count3A_861 = tpu.all_reduce %eq3A_860 {dim = 0 : i64, kind = #tpu.reduction_kind<sum>} : vector<16xi1> -> vector<16xi32>
      %add3A_862 = arith.addi %add3A_849, %all_reduce_population_count3A_861 : vector<16xi32>
      %get3A_863 = arith.index_cast %add3A_716 : i32 to index
      %get3A_864 = arith.constant 160 : index
      %get3A_865 = tpu.vector_load %arg5[%get3A_863, %get3A_864] {strides = array<i32>} : memref<128x200xi32, #tpu.memory_space<vmem>>, vector<16xi32>,
      %eq3A_866 = arith.constant 0 : i32
      %eq3A_867 = vector.broadcast %eq3A_866 : i32 to vector<16xi32>
      %eq3A_868 = arith.cmpi eq, %get3A_865, %eq3A_867 : vector<16xi32>
      %all_reduce_population_count3A_869 = tpu.all_reduce %eq3A_868 {dim = 0 : i64, kind = #tpu.reduction_kind<sum>} : vector<16xi1> -> vector<16xi32>
      %add3A_870 = arith.addi %add3A_857, %all_reduce_population_count3A_869 : vector<16xi32>
      %eq3A_871 = arith.constant 1 : i32
      %eq3A_872 = vector.broadcast %eq3A_871 : i32 to vector<16xi32>
      %eq3A_873 = arith.cmpi eq, %get3A_865, %eq3A_872 : vector<16xi32>
      %all_reduce_population_count3A_874 = tpu.all_reduce %eq3A_873 {dim = 0 : i64, kind = #tpu.reduction_kind<sum>} : vector<16xi1> -> vector<16xi32>
      %add3A_875 = arith.addi %add3A_862, %all_reduce_population_count3A_874 : vector<16xi32>
      %get3A_876 = arith.index_cast %add3A_716 : i32 to index
      %get3A_877 = arith.constant 176 : index
      %get3A_878 = tpu.vector_load %arg5[%get3A_876, %get3A_877] {strides = array<i32>} : memref<128x200xi32, #tpu.memory_space<vmem>>, vector<16xi32>,
      %eq3A_879 = arith.constant 0 : i32
      %eq3A_880 = vector.broadcast %eq3A_879 : i32 to vector<16xi32>
      %eq3A_881 = arith.cmpi eq, %get3A_878, %eq3A_880 : vector<16xi32>
      %all_reduce_population_count3A_882 = tpu.all_reduce %eq3A_881 {dim = 0 : i64, kind = #tpu.reduction_kind<sum>} : vector<16xi1> -> vector<16xi32>
      %add3A_883 = arith.addi %add3A_870, %all_reduce_population_count3A_882 : vector<16xi32>
      %eq3A_884 = arith.constant 1 : i32
      %eq3A_885 = vector.broadcast %eq3A_884 : i32 to vector<16xi32>
      %eq3A_886 = arith.cmpi eq, %get3A_878, %eq3A_885 : vector<16xi32>
      %all_reduce_population_count3A_887 = tpu.all_reduce %eq3A_886 {dim = 0 : i64, kind = #tpu.reduction_kind<sum>} : vector<16xi1> -> vector<16xi32>
      %add3A_888 = arith.addi %add3A_875, %all_reduce_population_count3A_887 : vector<16xi32>
      %get3A_889 = arith.index_cast %add3A_716 : i32 to index
      %get3A_890 = arith.constant 184 : index
      %get3A_891 = tpu.vector_load %arg5[%get3A_889, %get3A_890] {strides = array<i32>} : memref<128x200xi32, #tpu.memory_space<vmem>>, vector<16xi32>,
      %eq3A_892 = arith.constant 0 : i32
      %eq3A_893 = vector.broadcast %eq3A_892 : i32 to vector<16xi32>
      %eq3A_894 = arith.cmpi eq, %get3A_891, %eq3A_893 : vector<16xi32>
      %and3A_895 = arith.andi %eq3A_894, %ge3A_706 : vector<16xi1>
      %all_reduce_population_count3A_896 = tpu.all_reduce %and3A_895 {dim = 0 : i64, kind = #tpu.reduction_kind<sum>} : vector<16xi1> -> vector<16xi32>
      %add3A_897 = arith.addi %add3A_883, %all_reduce_population_count3A_896 : vector<16xi32>
      %eq3A_898 = arith.constant 1 : i32
      %eq3A_899 = vector.broadcast %eq3A_898 : i32 to vector<16xi32>
      %eq3A_900 = arith.cmpi eq, %get3A_891, %eq3A_899 : vector<16xi32>
      %and3A_901 = arith.andi %eq3A_900, %ge3A_706 : vector<16xi1>
      %all_reduce_population_count3A_902 = tpu.all_reduce %and3A_901 {dim = 0 : i64, kind = #tpu.reduction_kind<sum>} : vector<16xi1> -> vector<16xi32>
      %add3A_903 = arith.addi %add3A_888, %all_reduce_population_count3A_902 : vector<16xi32>
      %broadcast_in_dim3A_904 = arith.constant 0.000000e+00 : f32
      %broadcast_in_dim3A_905 = vector.broadcast %broadcast_in_dim3A_904 : f32 to vector<16xf32>
      %scan3A_906 = arith.constant 0 : i32
      %scan3A_907 = arith.constant 200 : i32
      %scan3A_908 = arith.addi %scan3A_906, %scan3A_907 : i32
      %scan3A_909 = arith.constant 1 : i32
      %scan3A_910:4 = scf.for %scan3A_1270 = %scan3A_906 to %scan3A_908 step %scan3A_909 iter_args(%scan3A_1271 = %broadcast_in_dim3A_905, %scan3A_1272 = %broadcast_in_dim3A_905, %scan3A_1273 = %broadcast_in_dim3A_905, %scan3A_1274 = %broadcast_in_dim3A_905) -> (vector<16xf32>, vector<16xf32>, vector<16xf32>, vector<16xf32>)  : i32 {
        %get3A_1275 = arith.index_cast %scan3A_1270 : i32 to index
        %get3A_1276 = arith.constant 0 : index
        %get3A_1277 = tpu.vector_load %arg6[%get3A_1275, %get3A_1276] {strides = array<i32>} : memref<200x64xf32, #tpu.memory_space<vmem>>, vector<16xf32>,
        %add3A_1278 = arith.addf %scan3A_1271, %get3A_1277 : vector<16xf32>
        %get3A_1279 = arith.index_cast %scan3A_1270 : i32 to index
        %get3A_1280 = arith.constant 16 : index
        %get3A_1281 = tpu.vector_load %arg6[%get3A_1279, %get3A_1280] {strides = array<i32>} : memref<200x64xf32, #tpu.memory_space<vmem>>, vector<16xf32>,
        %add3A_1282 = arith.addf %scan3A_1272, %get3A_1281 : vector<16xf32>
        %get3A_1283 = arith.index_cast %scan3A_1270 : i32 to index
        %get3A_1284 = arith.constant 32 : index
        %get3A_1285 = tpu.vector_load %arg6[%get3A_1283, %get3A_1284] {strides = array<i32>} : memref<200x64xf32, #tpu.memory_space<vmem>>, vector<16xf32>,
        %add3A_1286 = arith.addf %scan3A_1273, %get3A_1285 : vector<16xf32>
        %get3A_1287 = arith.index_cast %scan3A_1270 : i32 to index
        %get3A_1288 = arith.constant 48 : index
        %get3A_1289 = tpu.vector_load %arg6[%get3A_1287, %get3A_1288] {strides = array<i32>} : memref<200x64xf32, #tpu.memory_space<vmem>>, vector<16xf32>,
        %add3A_1290 = arith.addf %scan3A_1274, %get3A_1289 : vector<16xf32>
        scf.yield %add3A_1278, %add3A_1282, %add3A_1286, %add3A_1290 : vector<16xf32>, vector<16xf32>, vector<16xf32>, vector<16xf32>
      }
      %scan3A_911 = arith.constant 200 : i32
      %convert_element_type3A = arith.sitofp %add3A_897 : vector<16xi32> to vector<16xf32>
      %convert_element_type3A_912 = arith.sitofp %add3A_903 : vector<16xi32> to vector<16xf32>
      %sub3A = arith.constant 2.000000e+02 : f32
      %sub3A_913 = vector.broadcast %sub3A : f32 to vector<16xf32>
      %sub3A_914 = arith.subf %sub3A_913, %convert_element_type3A : vector<16xf32>
      %sub3A_915 = arith.subf %sub3A_914, %convert_element_type3A_912 : vector<16xf32>
      %div3A = arith.constant 1.000000e+00 : f32
      %div3A_916 = vector.broadcast %div3A : f32 to vector<16xf32>
      %div3A_917 = arith.divf %div3A_916, %sub3A_915 : vector<16xf32>
      %get3A_918 = arith.constant 0 : i32
      %get3A_919 = arith.index_cast %get3A_918 : i32 to index
      %get3A_920 = arith.constant 0 : index
      %get3A_921 = tpu.vector_load %arg11[%get3A_919, %get3A_920] {strides = array<i32>} : memref<2x64xf32, #tpu.memory_space<vmem>>, vector<16xf32>,
      %get3A_922 = arith.constant 1 : i32
      %get3A_923 = arith.index_cast %get3A_922 : i32 to index
      %get3A_924 = arith.constant 0 : index
      %get3A_925 = tpu.vector_load %arg11[%get3A_923, %get3A_924] {strides = array<i32>} : memref<2x64xf32, #tpu.memory_space<vmem>>, vector<16xf32>,
      %mul3A_926 = arith.mulf %convert_element_type3A, %get3A_921 : vector<16xf32>
      %sub3A_927 = arith.subf %scan3A_910#0, %mul3A_926 : vector<16xf32>
      %mul3A_928 = arith.mulf %convert_element_type3A_912, %get3A_925 : vector<16xf32>
      %sub3A_929 = arith.subf %sub3A_927, %mul3A_928 : vector<16xf32>
      %mul3A_930 = arith.mulf %sub3A_929, %div3A_917 : vector<16xf32>
      %swap3A_931 = arith.index_cast %add3A_716 : i32 to index
      %swap3A_932 = arith.constant 0 : index
      %swap3A_933 = tpu.vector_load %arg10[%swap3A_931, %swap3A_932] {strides = array<i32>} : memref<128x64xf32, #tpu.memory_space<vmem>>, vector<16xf32>,
      tpu.vector_store %arg10[%swap3A_931, %swap3A_932], %mul3A_930 {strides = array<i32>} : memref<128x64xf32, #tpu.memory_space<vmem>>, vector<16xf32>,
      %get3A_934 = arith.constant 0 : i32
      %get3A_935 = arith.index_cast %get3A_934 : i32 to index
      %get3A_936 = arith.constant 16 : index
      %get3A_937 = tpu.vector_load %arg11[%get3A_935, %get3A_936] {strides = array<i32>} : memref<2x64xf32, #tpu.memory_space<vmem>>, vector<16xf32>,
      %get3A_938 = arith.constant 1 : i32
      %get3A_939 = arith.index_cast %get3A_938 : i32 to index
      %get3A_940 = arith.constant 16 : index
      %get3A_941 = tpu.vector_load %arg11[%get3A_939, %get3A_940] {strides = array<i32>} : memref<2x64xf32, #tpu.memory_space<vmem>>, vector<16xf32>,
      %mul3A_942 = arith.mulf %convert_element_type3A, %get3A_937 : vector<16xf32>
      %sub3A_943 = arith.subf %scan3A_910#1, %mul3A_942 : vector<16xf32>
      %mul3A_944 = arith.mulf %convert_element_type3A_912, %get3A_941 : vector<16xf32>
      %sub3A_945 = arith.subf %sub3A_943, %mul3A_944 : vector<16xf32>
      %mul3A_946 = arith.mulf %sub3A_945, %div3A_917 : vector<16xf32>
      %swap3A_947 = arith.index_cast %add3A_716 : i32 to index
      %swap3A_948 = arith.constant 16 : index
      %swap3A_949 = tpu.vector_load %arg10[%swap3A_947, %swap3A_948] {strides = array<i32>} : memref<128x64xf32, #tpu.memory_space<vmem>>, vector<16xf32>,
      tpu.vector_store %arg10[%swap3A_947, %swap3A_948], %mul3A_946 {strides = array<i32>} : memref<128x64xf32, #tpu.memory_space<vmem>>, vector<16xf32>,
      %get3A_950 = arith.constant 0 : i32
      %get3A_951 = arith.index_cast %get3A_950 : i32 to index
      %get3A_952 = arith.constant 32 : index
      %get3A_953 = tpu.vector_load %arg11[%get3A_951, %get3A_952] {strides = array<i32>} : memref<2x64xf32, #tpu.memory_space<vmem>>, vector<16xf32>,
      %get3A_954 = arith.constant 1 : i32
      %get3A_955 = arith.index_cast %get3A_954 : i32 to index
      %get3A_956 = arith.constant 32 : index
      %get3A_957 = tpu.vector_load %arg11[%get3A_955, %get3A_956] {strides = array<i32>} : memref<2x64xf32, #tpu.memory_space<vmem>>, vector<16xf32>,
      %mul3A_958 = arith.mulf %convert_element_type3A, %get3A_953 : vector<16xf32>
      %sub3A_959 = arith.subf %scan3A_910#2, %mul3A_958 : vector<16xf32>
      %mul3A_960 = arith.mulf %convert_element_type3A_912, %get3A_957 : vector<16xf32>
      %sub3A_961 = arith.subf %sub3A_959, %mul3A_960 : vector<16xf32>
      %mul3A_962 = arith.mulf %sub3A_961, %div3A_917 : vector<16xf32>
      %swap3A_963 = arith.index_cast %add3A_716 : i32 to index
      %swap3A_964 = arith.constant 32 : index
      %swap3A_965 = tpu.vector_load %arg10[%swap3A_963, %swap3A_964] {strides = array<i32>} : memref<128x64xf32, #tpu.memory_space<vmem>>, vector<16xf32>,
      tpu.vector_store %arg10[%swap3A_963, %swap3A_964], %mul3A_962 {strides = array<i32>} : memref<128x64xf32, #tpu.memory_space<vmem>>, vector<16xf32>,
      %get3A_966 = arith.constant 0 : i32
      %get3A_967 = arith.index_cast %get3A_966 : i32 to index
      %get3A_968 = arith.constant 48 : index
      %get3A_969 = tpu.vector_load %arg11[%get3A_967, %get3A_968] {strides = array<i32>} : memref<2x64xf32, #tpu.memory_space<vmem>>, vector<16xf32>,
      %get3A_970 = arith.constant 1 : i32
      %get3A_971 = arith.index_cast %get3A_970 : i32 to index
      %get3A_972 = arith.constant 48 : index
      %get3A_973 = tpu.vector_load %arg11[%get3A_971, %get3A_972] {strides = array<i32>} : memref<2x64xf32, #tpu.memory_space<vmem>>, vector<16xf32>,
      %mul3A_974 = arith.mulf %convert_element_type3A, %get3A_969 : vector<16xf32>
      %sub3A_975 = arith.subf %scan3A_910#3, %mul3A_974 : vector<16xf32>
      %mul3A_976 = arith.mulf %convert_element_type3A_912, %get3A_973 : vector<16xf32>
      %sub3A_977 = arith.subf %sub3A_975, %mul3A_976 : vector<16xf32>
      %mul3A_978 = arith.mulf %sub3A_977, %div3A_917 : vector<16xf32>
      %swap3A_979 = arith.index_cast %add3A_716 : i32 to index
      %swap3A_980 = arith.constant 48 : index
      %swap3A_981 = tpu.vector_load %arg10[%swap3A_979, %swap3A_980] {strides = array<i32>} : memref<128x64xf32, #tpu.memory_space<vmem>>, vector<16xf32>,
      tpu.vector_store %arg10[%swap3A_979, %swap3A_980], %mul3A_978 {strides = array<i32>} : memref<128x64xf32, #tpu.memory_space<vmem>>, vector<16xf32>,
      %add3A_982 = arith.constant 2 : i32
      %add3A_983 = arith.addi %add3A_716, %add3A_982 : i32
      %lt3A = arith.constant 128 : i32
      %lt3A_984 = arith.cmpi slt, %add3A_983, %lt3A : i32
      %convert_element_type3A_985 = arith.extui %lt3A_984 : i1 to i32
      %cond3A = arith.constant 0 : i32
      %cond3A_986 = arith.cmpi ne, %convert_element_type3A_985, %cond3A : i32
      scf.if %cond3A_986 {
        %add3A_1270 = arith.constant 2 : i32
        %add3A_1271 = arith.addi %add3A_716, %add3A_1270 : i32
        %get3A_1272 = arith.index_cast %add3A_1271 : i32 to index
        %get3A_1273 = arith.constant 0 : index
        %get3A_1274 = tpu.vector_load %arg5[%get3A_1272, %get3A_1273] {strides = array<i32>} : memref<128x200xi32, #tpu.memory_space<vmem>>, vector<16xi32>,
        %shift_right_arithmetic3A_1275 = arith.constant 11 : i32
        %shift_right_arithmetic3A_1276 = vector.broadcast %shift_right_arithmetic3A_1275 : i32 to vector<16xi32>
        %shift_right_arithmetic3A_1277 = arith.shrsi %get3A_1274, %shift_right_arithmetic3A_1276 : vector<16xi32>
        %shift_left3A_1278 = arith.constant 11 : i32
        %shift_left3A_1279 = vector.broadcast %shift_left3A_1278 : i32 to vector<16xi32>
        %shift_left3A_1280 = arith.shli %shift_right_arithmetic3A_1277, %shift_left3A_1279 : vector<16xi32>
        %and3A_1281 = arith.constant 1023 : i32
        %and3A_1282 = vector.broadcast %and3A_1281 : i32 to vector<16xi32>
        %and3A_1283 = arith.andi %get3A_1274, %and3A_1282 : vector<16xi32>
        %shift_left3A_1284 = arith.constant 1 : i32
        %shift_left3A_1285 = vector.broadcast %shift_left3A_1284 : i32 to vector<16xi32>
        %shift_left3A_1286 = arith.shli %and3A_1283, %shift_left3A_1285 : vector<16xi32>
        %add3A_1287 = arith.addi %shift_left3A_1280, %shift_left3A_1286 : vector<16xi32>
        %shift_right_arithmetic3A_1288 = arith.constant 10 : i32
        %shift_right_arithmetic3A_1289 = vector.broadcast %shift_right_arithmetic3A_1288 : i32 to vector<16xi32>
        %shift_right_arithmetic3A_1290 = arith.shrsi %get3A_1274, %shift_right_arithmetic3A_1289 : vector<16xi32>
        %and3A_1291 = arith.constant 1 : i32
        %and3A_1292 = vector.broadcast %and3A_1291 : i32 to vector<16xi32>
        %and3A_1293 = arith.andi %shift_right_arithmetic3A_1290, %and3A_1292 : vector<16xi32>
        %add3A_1294 = arith.addi %add3A_1287, %and3A_1293 : vector<16xi32>
        %swap3A_1295 = arith.constant 0 : index
        %swap3A_1296 = tpu.vector_load %arg8[%swap3A_1295] {strides = array<i32>} : memref<200xi32, #tpu.memory_space<vmem>>, vector<16xi32>,
        tpu.vector_store %arg8[%swap3A_1295], %add3A_1294 {strides = array<i32>} : memref<200xi32, #tpu.memory_space<vmem>>, vector<16xi32>,
        %get3A_1297 = arith.index_cast %add3A_1271 : i32 to index
        %get3A_1298 = arith.constant 16 : index
        %get3A_1299 = tpu.vector_load %arg5[%get3A_1297, %get3A_1298] {strides = array<i32>} : memref<128x200xi32, #tpu.memory_space<vmem>>, vector<16xi32>,
        %shift_right_arithmetic3A_1300 = arith.constant 11 : i32
        %shift_right_arithmetic3A_1301 = vector.broadcast %shift_right_arithmetic3A_1300 : i32 to vector<16xi32>
        %shift_right_arithmetic3A_1302 = arith.shrsi %get3A_1299, %shift_right_arithmetic3A_1301 : vector<16xi32>
        %shift_left3A_1303 = arith.constant 11 : i32
        %shift_left3A_1304 = vector.broadcast %shift_left3A_1303 : i32 to vector<16xi32>
        %shift_left3A_1305 = arith.shli %shift_right_arithmetic3A_1302, %shift_left3A_1304 : vector<16xi32>
        %and3A_1306 = arith.constant 1023 : i32
        %and3A_1307 = vector.broadcast %and3A_1306 : i32 to vector<16xi32>
        %and3A_1308 = arith.andi %get3A_1299, %and3A_1307 : vector<16xi32>
        %shift_left3A_1309 = arith.constant 1 : i32
        %shift_left3A_1310 = vector.broadcast %shift_left3A_1309 : i32 to vector<16xi32>
        %shift_left3A_1311 = arith.shli %and3A_1308, %shift_left3A_1310 : vector<16xi32>
        %add3A_1312 = arith.addi %shift_left3A_1305, %shift_left3A_1311 : vector<16xi32>
        %shift_right_arithmetic3A_1313 = arith.constant 10 : i32
        %shift_right_arithmetic3A_1314 = vector.broadcast %shift_right_arithmetic3A_1313 : i32 to vector<16xi32>
        %shift_right_arithmetic3A_1315 = arith.shrsi %get3A_1299, %shift_right_arithmetic3A_1314 : vector<16xi32>
        %and3A_1316 = arith.constant 1 : i32
        %and3A_1317 = vector.broadcast %and3A_1316 : i32 to vector<16xi32>
        %and3A_1318 = arith.andi %shift_right_arithmetic3A_1315, %and3A_1317 : vector<16xi32>
        %add3A_1319 = arith.addi %add3A_1312, %and3A_1318 : vector<16xi32>
        %swap3A_1320 = arith.constant 16 : index
        %swap3A_1321 = tpu.vector_load %arg8[%swap3A_1320] {strides = array<i32>} : memref<200xi32, #tpu.memory_space<vmem>>, vector<16xi32>,
        tpu.vector_store %arg8[%swap3A_1320], %add3A_1319 {strides = array<i32>} : memref<200xi32, #tpu.memory_space<vmem>>, vector<16xi32>,
        %get3A_1322 = arith.index_cast %add3A_1271 : i32 to index
        %get3A_1323 = arith.constant 32 : index
        %get3A_1324 = tpu.vector_load %arg5[%get3A_1322, %get3A_1323] {strides = array<i32>} : memref<128x200xi32, #tpu.memory_space<vmem>>, vector<16xi32>,
        %shift_right_arithmetic3A_1325 = arith.constant 11 : i32
        %shift_right_arithmetic3A_1326 = vector.broadcast %shift_right_arithmetic3A_1325 : i32 to vector<16xi32>
        %shift_right_arithmetic3A_1327 = arith.shrsi %get3A_1324, %shift_right_arithmetic3A_1326 : vector<16xi32>
        %shift_left3A_1328 = arith.constant 11 : i32
        %shift_left3A_1329 = vector.broadcast %shift_left3A_1328 : i32 to vector<16xi32>
        %shift_left3A_1330 = arith.shli %shift_right_arithmetic3A_1327, %shift_left3A_1329 : vector<16xi32>
        %and3A_1331 = arith.constant 1023 : i32
        %and3A_1332 = vector.broadcast %and3A_1331 : i32 to vector<16xi32>
        %and3A_1333 = arith.andi %get3A_1324, %and3A_1332 : vector<16xi32>
        %shift_left3A_1334 = arith.constant 1 : i32
        %shift_left3A_1335 = vector.broadcast %shift_left3A_1334 : i32 to vector<16xi32>
        %shift_left3A_1336 = arith.shli %and3A_1333, %shift_left3A_1335 : vector<16xi32>
        %add3A_1337 = arith.addi %shift_left3A_1330, %shift_left3A_1336 : vector<16xi32>
        %shift_right_arithmetic3A_1338 = arith.constant 10 : i32
        %shift_right_arithmetic3A_1339 = vector.broadcast %shift_right_arithmetic3A_1338 : i32 to vector<16xi32>
        %shift_right_arithmetic3A_1340 = arith.shrsi %get3A_1324, %shift_right_arithmetic3A_1339 : vector<16xi32>
        %and3A_1341 = arith.constant 1 : i32
        %and3A_1342 = vector.broadcast %and3A_1341 : i32 to vector<16xi32>
        %and3A_1343 = arith.andi %shift_right_arithmetic3A_1340, %and3A_1342 : vector<16xi32>
        %add3A_1344 = arith.addi %add3A_1337, %and3A_1343 : vector<16xi32>
        %swap3A_1345 = arith.constant 32 : index
        %swap3A_1346 = tpu.vector_load %arg8[%swap3A_1345] {strides = array<i32>} : memref<200xi32, #tpu.memory_space<vmem>>, vector<16xi32>,
        tpu.vector_store %arg8[%swap3A_1345], %add3A_1344 {strides = array<i32>} : memref<200xi32, #tpu.memory_space<vmem>>, vector<16xi32>,
        %get3A_1347 = arith.index_cast %add3A_1271 : i32 to index
        %get3A_1348 = arith.constant 48 : index
        %get3A_1349 = tpu.vector_load %arg5[%get3A_1347, %get3A_1348] {strides = array<i32>} : memref<128x200xi32, #tpu.memory_space<vmem>>, vector<16xi32>,
        %shift_right_arithmetic3A_1350 = arith.constant 11 : i32
        %shift_right_arithmetic3A_1351 = vector.broadcast %shift_right_arithmetic3A_1350 : i32 to vector<16xi32>
        %shift_right_arithmetic3A_1352 = arith.shrsi %get3A_1349, %shift_right_arithmetic3A_1351 : vector<16xi32>
        %shift_left3A_1353 = arith.constant 11 : i32
        %shift_left3A_1354 = vector.broadcast %shift_left3A_1353 : i32 to vector<16xi32>
        %shift_left3A_1355 = arith.shli %shift_right_arithmetic3A_1352, %shift_left3A_1354 : vector<16xi32>
        %and3A_1356 = arith.constant 1023 : i32
        %and3A_1357 = vector.broadcast %and3A_1356 : i32 to vector<16xi32>
        %and3A_1358 = arith.andi %get3A_1349, %and3A_1357 : vector<16xi32>
        %shift_left3A_1359 = arith.constant 1 : i32
        %shift_left3A_1360 = vector.broadcast %shift_left3A_1359 : i32 to vector<16xi32>
        %shift_left3A_1361 = arith.shli %and3A_1358, %shift_left3A_1360 : vector<16xi32>
        %add3A_1362 = arith.addi %shift_left3A_1355, %shift_left3A_1361 : vector<16xi32>
        %shift_right_arithmetic3A_1363 = arith.constant 10 : i32
        %shift_right_arithmetic3A_1364 = vector.broadcast %shift_right_arithmetic3A_1363 : i32 to vector<16xi32>
        %shift_right_arithmetic3A_1365 = arith.shrsi %get3A_1349, %shift_right_arithmetic3A_1364 : vector<16xi32>
        %and3A_1366 = arith.constant 1 : i32
        %and3A_1367 = vector.broadcast %and3A_1366 : i32 to vector<16xi32>
        %and3A_1368 = arith.andi %shift_right_arithmetic3A_1365, %and3A_1367 : vector<16xi32>
        %add3A_1369 = arith.addi %add3A_1362, %and3A_1368 : vector<16xi32>
        %swap3A_1370 = arith.constant 48 : index
        %swap3A_1371 = tpu.vector_load %arg8[%swap3A_1370] {strides = array<i32>} : memref<200xi32, #tpu.memory_space<vmem>>, vector<16xi32>,
        tpu.vector_store %arg8[%swap3A_1370], %add3A_1369 {strides = array<i32>} : memref<200xi32, #tpu.memory_space<vmem>>, vector<16xi32>,
        %get3A_1372 = arith.index_cast %add3A_1271 : i32 to index
        %get3A_1373 = arith.constant 64 : index
        %get3A_1374 = tpu.vector_load %arg5[%get3A_1372, %get3A_1373] {strides = array<i32>} : memref<128x200xi32, #tpu.memory_space<vmem>>, vector<16xi32>,
        %shift_right_arithmetic3A_1375 = arith.constant 11 : i32
        %shift_right_arithmetic3A_1376 = vector.broadcast %shift_right_arithmetic3A_1375 : i32 to vector<16xi32>
        %shift_right_arithmetic3A_1377 = arith.shrsi %get3A_1374, %shift_right_arithmetic3A_1376 : vector<16xi32>
        %shift_left3A_1378 = arith.constant 11 : i32
        %shift_left3A_1379 = vector.broadcast %shift_left3A_1378 : i32 to vector<16xi32>
        %shift_left3A_1380 = arith.shli %shift_right_arithmetic3A_1377, %shift_left3A_1379 : vector<16xi32>
        %and3A_1381 = arith.constant 1023 : i32
        %and3A_1382 = vector.broadcast %and3A_1381 : i32 to vector<16xi32>
        %and3A_1383 = arith.andi %get3A_1374, %and3A_1382 : vector<16xi32>
        %shift_left3A_1384 = arith.constant 1 : i32
        %shift_left3A_1385 = vector.broadcast %shift_left3A_1384 : i32 to vector<16xi32>
        %shift_left3A_1386 = arith.shli %and3A_1383, %shift_left3A_1385 : vector<16xi32>
        %add3A_1387 = arith.addi %shift_left3A_1380, %shift_left3A_1386 : vector<16xi32>
        %shift_right_arithmetic3A_1388 = arith.constant 10 : i32
        %shift_right_arithmetic3A_1389 = vector.broadcast %shift_right_arithmetic3A_1388 : i32 to vector<16xi32>
        %shift_right_arithmetic3A_1390 = arith.shrsi %get3A_1374, %shift_right_arithmetic3A_1389 : vector<16xi32>
        %and3A_1391 = arith.constant 1 : i32
        %and3A_1392 = vector.broadcast %and3A_1391 : i32 to vector<16xi32>
        %and3A_1393 = arith.andi %shift_right_arithmetic3A_1390, %and3A_1392 : vector<16xi32>
        %add3A_1394 = arith.addi %add3A_1387, %and3A_1393 : vector<16xi32>
        %swap3A_1395 = arith.constant 64 : index
        %swap3A_1396 = tpu.vector_load %arg8[%swap3A_1395] {strides = array<i32>} : memref<200xi32, #tpu.memory_space<vmem>>, vector<16xi32>,
        tpu.vector_store %arg8[%swap3A_1395], %add3A_1394 {strides = array<i32>} : memref<200xi32, #tpu.memory_space<vmem>>, vector<16xi32>,
        %get3A_1397 = arith.index_cast %add3A_1271 : i32 to index
        %get3A_1398 = arith.constant 80 : index
        %get3A_1399 = tpu.vector_load %arg5[%get3A_1397, %get3A_1398] {strides = array<i32>} : memref<128x200xi32, #tpu.memory_space<vmem>>, vector<16xi32>,
        %shift_right_arithmetic3A_1400 = arith.constant 11 : i32
        %shift_right_arithmetic3A_1401 = vector.broadcast %shift_right_arithmetic3A_1400 : i32 to vector<16xi32>
        %shift_right_arithmetic3A_1402 = arith.shrsi %get3A_1399, %shift_right_arithmetic3A_1401 : vector<16xi32>
        %shift_left3A_1403 = arith.constant 11 : i32
        %shift_left3A_1404 = vector.broadcast %shift_left3A_1403 : i32 to vector<16xi32>
        %shift_left3A_1405 = arith.shli %shift_right_arithmetic3A_1402, %shift_left3A_1404 : vector<16xi32>
        %and3A_1406 = arith.constant 1023 : i32
        %and3A_1407 = vector.broadcast %and3A_1406 : i32 to vector<16xi32>
        %and3A_1408 = arith.andi %get3A_1399, %and3A_1407 : vector<16xi32>
        %shift_left3A_1409 = arith.constant 1 : i32
        %shift_left3A_1410 = vector.broadcast %shift_left3A_1409 : i32 to vector<16xi32>
        %shift_left3A_1411 = arith.shli %and3A_1408, %shift_left3A_1410 : vector<16xi32>
        %add3A_1412 = arith.addi %shift_left3A_1405, %shift_left3A_1411 : vector<16xi32>
        %shift_right_arithmetic3A_1413 = arith.constant 10 : i32
        %shift_right_arithmetic3A_1414 = vector.broadcast %shift_right_arithmetic3A_1413 : i32 to vector<16xi32>
        %shift_right_arithmetic3A_1415 = arith.shrsi %get3A_1399, %shift_right_arithmetic3A_1414 : vector<16xi32>
        %and3A_1416 = arith.constant 1 : i32
        %and3A_1417 = vector.broadcast %and3A_1416 : i32 to vector<16xi32>
        %and3A_1418 = arith.andi %shift_right_arithmetic3A_1415, %and3A_1417 : vector<16xi32>
        %add3A_1419 = arith.addi %add3A_1412, %and3A_1418 : vector<16xi32>
        %swap3A_1420 = arith.constant 80 : index
        %swap3A_1421 = tpu.vector_load %arg8[%swap3A_1420] {strides = array<i32>} : memref<200xi32, #tpu.memory_space<vmem>>, vector<16xi32>,
        tpu.vector_store %arg8[%swap3A_1420], %add3A_1419 {strides = array<i32>} : memref<200xi32, #tpu.memory_space<vmem>>, vector<16xi32>,
        %get3A_1422 = arith.index_cast %add3A_1271 : i32 to index
        %get3A_1423 = arith.constant 96 : index
        %get3A_1424 = tpu.vector_load %arg5[%get3A_1422, %get3A_1423] {strides = array<i32>} : memref<128x200xi32, #tpu.memory_space<vmem>>, vector<16xi32>,
        %shift_right_arithmetic3A_1425 = arith.constant 11 : i32
        %shift_right_arithmetic3A_1426 = vector.broadcast %shift_right_arithmetic3A_1425 : i32 to vector<16xi32>
        %shift_right_arithmetic3A_1427 = arith.shrsi %get3A_1424, %shift_right_arithmetic3A_1426 : vector<16xi32>
        %shift_left3A_1428 = arith.constant 11 : i32
        %shift_left3A_1429 = vector.broadcast %shift_left3A_1428 : i32 to vector<16xi32>
        %shift_left3A_1430 = arith.shli %shift_right_arithmetic3A_1427, %shift_left3A_1429 : vector<16xi32>
        %and3A_1431 = arith.constant 1023 : i32
        %and3A_1432 = vector.broadcast %and3A_1431 : i32 to vector<16xi32>
        %and3A_1433 = arith.andi %get3A_1424, %and3A_1432 : vector<16xi32>
        %shift_left3A_1434 = arith.constant 1 : i32
        %shift_left3A_1435 = vector.broadcast %shift_left3A_1434 : i32 to vector<16xi32>
        %shift_left3A_1436 = arith.shli %and3A_1433, %shift_left3A_1435 : vector<16xi32>
        %add3A_1437 = arith.addi %shift_left3A_1430, %shift_left3A_1436 : vector<16xi32>
        %shift_right_arithmetic3A_1438 = arith.constant 10 : i32
        %shift_right_arithmetic3A_1439 = vector.broadcast %shift_right_arithmetic3A_1438 : i32 to vector<16xi32>
        %shift_right_arithmetic3A_1440 = arith.shrsi %get3A_1424, %shift_right_arithmetic3A_1439 : vector<16xi32>
        %and3A_1441 = arith.constant 1 : i32
        %and3A_1442 = vector.broadcast %and3A_1441 : i32 to vector<16xi32>
        %and3A_1443 = arith.andi %shift_right_arithmetic3A_1440, %and3A_1442 : vector<16xi32>
        %add3A_1444 = arith.addi %add3A_1437, %and3A_1443 : vector<16xi32>
        %swap3A_1445 = arith.constant 96 : index
        %swap3A_1446 = tpu.vector_load %arg8[%swap3A_1445] {strides = array<i32>} : memref<200xi32, #tpu.memory_space<vmem>>, vector<16xi32>,
        tpu.vector_store %arg8[%swap3A_1445], %add3A_1444 {strides = array<i32>} : memref<200xi32, #tpu.memory_space<vmem>>, vector<16xi32>,
        %get3A_1447 = arith.index_cast %add3A_1271 : i32 to index
        %get3A_1448 = arith.constant 112 : index
        %get3A_1449 = tpu.vector_load %arg5[%get3A_1447, %get3A_1448] {strides = array<i32>} : memref<128x200xi32, #tpu.memory_space<vmem>>, vector<16xi32>,
        %shift_right_arithmetic3A_1450 = arith.constant 11 : i32
        %shift_right_arithmetic3A_1451 = vector.broadcast %shift_right_arithmetic3A_1450 : i32 to vector<16xi32>
        %shift_right_arithmetic3A_1452 = arith.shrsi %get3A_1449, %shift_right_arithmetic3A_1451 : vector<16xi32>
        %shift_left3A_1453 = arith.constant 11 : i32
        %shift_left3A_1454 = vector.broadcast %shift_left3A_1453 : i32 to vector<16xi32>
        %shift_left3A_1455 = arith.shli %shift_right_arithmetic3A_1452, %shift_left3A_1454 : vector<16xi32>
        %and3A_1456 = arith.constant 1023 : i32
        %and3A_1457 = vector.broadcast %and3A_1456 : i32 to vector<16xi32>
        %and3A_1458 = arith.andi %get3A_1449, %and3A_1457 : vector<16xi32>
        %shift_left3A_1459 = arith.constant 1 : i32
        %shift_left3A_1460 = vector.broadcast %shift_left3A_1459 : i32 to vector<16xi32>
        %shift_left3A_1461 = arith.shli %and3A_1458, %shift_left3A_1460 : vector<16xi32>
        %add3A_1462 = arith.addi %shift_left3A_1455, %shift_left3A_1461 : vector<16xi32>
        %shift_right_arithmetic3A_1463 = arith.constant 10 : i32
        %shift_right_arithmetic3A_1464 = vector.broadcast %shift_right_arithmetic3A_1463 : i32 to vector<16xi32>
        %shift_right_arithmetic3A_1465 = arith.shrsi %get3A_1449, %shift_right_arithmetic3A_1464 : vector<16xi32>
        %and3A_1466 = arith.constant 1 : i32
        %and3A_1467 = vector.broadcast %and3A_1466 : i32 to vector<16xi32>
        %and3A_1468 = arith.andi %shift_right_arithmetic3A_1465, %and3A_1467 : vector<16xi32>
        %add3A_1469 = arith.addi %add3A_1462, %and3A_1468 : vector<16xi32>
        %swap3A_1470 = arith.constant 112 : index
        %swap3A_1471 = tpu.vector_load %arg8[%swap3A_1470] {strides = array<i32>} : memref<200xi32, #tpu.memory_space<vmem>>, vector<16xi32>,
        tpu.vector_store %arg8[%swap3A_1470], %add3A_1469 {strides = array<i32>} : memref<200xi32, #tpu.memory_space<vmem>>, vector<16xi32>,
        %get3A_1472 = arith.index_cast %add3A_1271 : i32 to index
        %get3A_1473 = arith.constant 128 : index
        %get3A_1474 = tpu.vector_load %arg5[%get3A_1472, %get3A_1473] {strides = array<i32>} : memref<128x200xi32, #tpu.memory_space<vmem>>, vector<16xi32>,
        %shift_right_arithmetic3A_1475 = arith.constant 11 : i32
        %shift_right_arithmetic3A_1476 = vector.broadcast %shift_right_arithmetic3A_1475 : i32 to vector<16xi32>
        %shift_right_arithmetic3A_1477 = arith.shrsi %get3A_1474, %shift_right_arithmetic3A_1476 : vector<16xi32>
        %shift_left3A_1478 = arith.constant 11 : i32
        %shift_left3A_1479 = vector.broadcast %shift_left3A_1478 : i32 to vector<16xi32>
        %shift_left3A_1480 = arith.shli %shift_right_arithmetic3A_1477, %shift_left3A_1479 : vector<16xi32>
        %and3A_1481 = arith.constant 1023 : i32
        %and3A_1482 = vector.broadcast %and3A_1481 : i32 to vector<16xi32>
        %and3A_1483 = arith.andi %get3A_1474, %and3A_1482 : vector<16xi32>
        %shift_left3A_1484 = arith.constant 1 : i32
        %shift_left3A_1485 = vector.broadcast %shift_left3A_1484 : i32 to vector<16xi32>
        %shift_left3A_1486 = arith.shli %and3A_1483, %shift_left3A_1485 : vector<16xi32>
        %add3A_1487 = arith.addi %shift_left3A_1480, %shift_left3A_1486 : vector<16xi32>
        %shift_right_arithmetic3A_1488 = arith.constant 10 : i32
        %shift_right_arithmetic3A_1489 = vector.broadcast %shift_right_arithmetic3A_1488 : i32 to vector<16xi32>
        %shift_right_arithmetic3A_1490 = arith.shrsi %get3A_1474, %shift_right_arithmetic3A_1489 : vector<16xi32>
        %and3A_1491 = arith.constant 1 : i32
        %and3A_1492 = vector.broadcast %and3A_1491 : i32 to vector<16xi32>
        %and3A_1493 = arith.andi %shift_right_arithmetic3A_1490, %and3A_1492 : vector<16xi32>
        %add3A_1494 = arith.addi %add3A_1487, %and3A_1493 : vector<16xi32>
        %swap3A_1495 = arith.constant 128 : index
        %swap3A_1496 = tpu.vector_load %arg8[%swap3A_1495] {strides = array<i32>} : memref<200xi32, #tpu.memory_space<vmem>>, vector<16xi32>,
        tpu.vector_store %arg8[%swap3A_1495], %add3A_1494 {strides = array<i32>} : memref<200xi32, #tpu.memory_space<vmem>>, vector<16xi32>,
        %get3A_1497 = arith.index_cast %add3A_1271 : i32 to index
        %get3A_1498 = arith.constant 144 : index
        %get3A_1499 = tpu.vector_load %arg5[%get3A_1497, %get3A_1498] {strides = array<i32>} : memref<128x200xi32, #tpu.memory_space<vmem>>, vector<16xi32>,
        %shift_right_arithmetic3A_1500 = arith.constant 11 : i32
        %shift_right_arithmetic3A_1501 = vector.broadcast %shift_right_arithmetic3A_1500 : i32 to vector<16xi32>
        %shift_right_arithmetic3A_1502 = arith.shrsi %get3A_1499, %shift_right_arithmetic3A_1501 : vector<16xi32>
        %shift_left3A_1503 = arith.constant 11 : i32
        %shift_left3A_1504 = vector.broadcast %shift_left3A_1503 : i32 to vector<16xi32>
        %shift_left3A_1505 = arith.shli %shift_right_arithmetic3A_1502, %shift_left3A_1504 : vector<16xi32>
        %and3A_1506 = arith.constant 1023 : i32
        %and3A_1507 = vector.broadcast %and3A_1506 : i32 to vector<16xi32>
        %and3A_1508 = arith.andi %get3A_1499, %and3A_1507 : vector<16xi32>
        %shift_left3A_1509 = arith.constant 1 : i32
        %shift_left3A_1510 = vector.broadcast %shift_left3A_1509 : i32 to vector<16xi32>
        %shift_left3A_1511 = arith.shli %and3A_1508, %shift_left3A_1510 : vector<16xi32>
        %add3A_1512 = arith.addi %shift_left3A_1505, %shift_left3A_1511 : vector<16xi32>
        %shift_right_arithmetic3A_1513 = arith.constant 10 : i32
        %shift_right_arithmetic3A_1514 = vector.broadcast %shift_right_arithmetic3A_1513 : i32 to vector<16xi32>
        %shift_right_arithmetic3A_1515 = arith.shrsi %get3A_1499, %shift_right_arithmetic3A_1514 : vector<16xi32>
        %and3A_1516 = arith.constant 1 : i32
        %and3A_1517 = vector.broadcast %and3A_1516 : i32 to vector<16xi32>
        %and3A_1518 = arith.andi %shift_right_arithmetic3A_1515, %and3A_1517 : vector<16xi32>
        %add3A_1519 = arith.addi %add3A_1512, %and3A_1518 : vector<16xi32>
        %swap3A_1520 = arith.constant 144 : index
        %swap3A_1521 = tpu.vector_load %arg8[%swap3A_1520] {strides = array<i32>} : memref<200xi32, #tpu.memory_space<vmem>>, vector<16xi32>,
        tpu.vector_store %arg8[%swap3A_1520], %add3A_1519 {strides = array<i32>} : memref<200xi32, #tpu.memory_space<vmem>>, vector<16xi32>,
        %get3A_1522 = arith.index_cast %add3A_1271 : i32 to index
        %get3A_1523 = arith.constant 160 : index
        %get3A_1524 = tpu.vector_load %arg5[%get3A_1522, %get3A_1523] {strides = array<i32>} : memref<128x200xi32, #tpu.memory_space<vmem>>, vector<16xi32>,
        %shift_right_arithmetic3A_1525 = arith.constant 11 : i32
        %shift_right_arithmetic3A_1526 = vector.broadcast %shift_right_arithmetic3A_1525 : i32 to vector<16xi32>
        %shift_right_arithmetic3A_1527 = arith.shrsi %get3A_1524, %shift_right_arithmetic3A_1526 : vector<16xi32>
        %shift_left3A_1528 = arith.constant 11 : i32
        %shift_left3A_1529 = vector.broadcast %shift_left3A_1528 : i32 to vector<16xi32>
        %shift_left3A_1530 = arith.shli %shift_right_arithmetic3A_1527, %shift_left3A_1529 : vector<16xi32>
        %and3A_1531 = arith.constant 1023 : i32
        %and3A_1532 = vector.broadcast %and3A_1531 : i32 to vector<16xi32>
        %and3A_1533 = arith.andi %get3A_1524, %and3A_1532 : vector<16xi32>
        %shift_left3A_1534 = arith.constant 1 : i32
        %shift_left3A_1535 = vector.broadcast %shift_left3A_1534 : i32 to vector<16xi32>
        %shift_left3A_1536 = arith.shli %and3A_1533, %shift_left3A_1535 : vector<16xi32>
        %add3A_1537 = arith.addi %shift_left3A_1530, %shift_left3A_1536 : vector<16xi32>
        %shift_right_arithmetic3A_1538 = arith.constant 10 : i32
        %shift_right_arithmetic3A_1539 = vector.broadcast %shift_right_arithmetic3A_1538 : i32 to vector<16xi32>
        %shift_right_arithmetic3A_1540 = arith.shrsi %get3A_1524, %shift_right_arithmetic3A_1539 : vector<16xi32>
        %and3A_1541 = arith.constant 1 : i32
        %and3A_1542 = vector.broadcast %and3A_1541 : i32 to vector<16xi32>
        %and3A_1543 = arith.andi %shift_right_arithmetic3A_1540, %and3A_1542 : vector<16xi32>
        %add3A_1544 = arith.addi %add3A_1537, %and3A_1543 : vector<16xi32>
        %swap3A_1545 = arith.constant 160 : index
        %swap3A_1546 = tpu.vector_load %arg8[%swap3A_1545] {strides = array<i32>} : memref<200xi32, #tpu.memory_space<vmem>>, vector<16xi32>,
        tpu.vector_store %arg8[%swap3A_1545], %add3A_1544 {strides = array<i32>} : memref<200xi32, #tpu.memory_space<vmem>>, vector<16xi32>,
        %get3A_1547 = arith.index_cast %add3A_1271 : i32 to index
        %get3A_1548 = arith.constant 176 : index
        %get3A_1549 = tpu.vector_load %arg5[%get3A_1547, %get3A_1548] {strides = array<i32>} : memref<128x200xi32, #tpu.memory_space<vmem>>, vector<16xi32>,
        %shift_right_arithmetic3A_1550 = arith.constant 11 : i32
        %shift_right_arithmetic3A_1551 = vector.broadcast %shift_right_arithmetic3A_1550 : i32 to vector<16xi32>
        %shift_right_arithmetic3A_1552 = arith.shrsi %get3A_1549, %shift_right_arithmetic3A_1551 : vector<16xi32>
        %shift_left3A_1553 = arith.constant 11 : i32
        %shift_left3A_1554 = vector.broadcast %shift_left3A_1553 : i32 to vector<16xi32>
        %shift_left3A_1555 = arith.shli %shift_right_arithmetic3A_1552, %shift_left3A_1554 : vector<16xi32>
        %and3A_1556 = arith.constant 1023 : i32
        %and3A_1557 = vector.broadcast %and3A_1556 : i32 to vector<16xi32>
        %and3A_1558 = arith.andi %get3A_1549, %and3A_1557 : vector<16xi32>
        %shift_left3A_1559 = arith.constant 1 : i32
        %shift_left3A_1560 = vector.broadcast %shift_left3A_1559 : i32 to vector<16xi32>
        %shift_left3A_1561 = arith.shli %and3A_1558, %shift_left3A_1560 : vector<16xi32>
        %add3A_1562 = arith.addi %shift_left3A_1555, %shift_left3A_1561 : vector<16xi32>
        %shift_right_arithmetic3A_1563 = arith.constant 10 : i32
        %shift_right_arithmetic3A_1564 = vector.broadcast %shift_right_arithmetic3A_1563 : i32 to vector<16xi32>
        %shift_right_arithmetic3A_1565 = arith.shrsi %get3A_1549, %shift_right_arithmetic3A_1564 : vector<16xi32>
        %and3A_1566 = arith.constant 1 : i32
        %and3A_1567 = vector.broadcast %and3A_1566 : i32 to vector<16xi32>
        %and3A_1568 = arith.andi %shift_right_arithmetic3A_1565, %and3A_1567 : vector<16xi32>
        %add3A_1569 = arith.addi %add3A_1562, %and3A_1568 : vector<16xi32>
        %swap3A_1570 = arith.constant 176 : index
        %swap3A_1571 = tpu.vector_load %arg8[%swap3A_1570] {strides = array<i32>} : memref<200xi32, #tpu.memory_space<vmem>>, vector<16xi32>,
        tpu.vector_store %arg8[%swap3A_1570], %add3A_1569 {strides = array<i32>} : memref<200xi32, #tpu.memory_space<vmem>>, vector<16xi32>,
        %get3A_1572 = arith.index_cast %add3A_1271 : i32 to index
        %get3A_1573 = arith.constant 184 : index
        %get3A_1574 = tpu.vector_load %arg5[%get3A_1572, %get3A_1573] {strides = array<i32>} : memref<128x200xi32, #tpu.memory_space<vmem>>, vector<16xi32>,
        %shift_right_arithmetic3A_1575 = arith.constant 11 : i32
        %shift_right_arithmetic3A_1576 = vector.broadcast %shift_right_arithmetic3A_1575 : i32 to vector<16xi32>
        %shift_right_arithmetic3A_1577 = arith.shrsi %get3A_1574, %shift_right_arithmetic3A_1576 : vector<16xi32>
        %shift_left3A_1578 = arith.constant 11 : i32
        %shift_left3A_1579 = vector.broadcast %shift_left3A_1578 : i32 to vector<16xi32>
        %shift_left3A_1580 = arith.shli %shift_right_arithmetic3A_1577, %shift_left3A_1579 : vector<16xi32>
        %and3A_1581 = arith.constant 1023 : i32
        %and3A_1582 = vector.broadcast %and3A_1581 : i32 to vector<16xi32>
        %and3A_1583 = arith.andi %get3A_1574, %and3A_1582 : vector<16xi32>
        %shift_left3A_1584 = arith.constant 1 : i32
        %shift_left3A_1585 = vector.broadcast %shift_left3A_1584 : i32 to vector<16xi32>
        %shift_left3A_1586 = arith.shli %and3A_1583, %shift_left3A_1585 : vector<16xi32>
        %add3A_1587 = arith.addi %shift_left3A_1580, %shift_left3A_1586 : vector<16xi32>
        %shift_right_arithmetic3A_1588 = arith.constant 10 : i32
        %shift_right_arithmetic3A_1589 = vector.broadcast %shift_right_arithmetic3A_1588 : i32 to vector<16xi32>
        %shift_right_arithmetic3A_1590 = arith.shrsi %get3A_1574, %shift_right_arithmetic3A_1589 : vector<16xi32>
        %and3A_1591 = arith.constant 1 : i32
        %and3A_1592 = vector.broadcast %and3A_1591 : i32 to vector<16xi32>
        %and3A_1593 = arith.andi %shift_right_arithmetic3A_1590, %and3A_1592 : vector<16xi32>
        %add3A_1594 = arith.addi %add3A_1587, %and3A_1593 : vector<16xi32>
        %swap3A_1595 = arith.constant 184 : index
        %swap3A_1596 = tpu.vector_load %arg8[%swap3A_1595] {strides = array<i32>} : memref<200xi32, #tpu.memory_space<vmem>>, vector<16xi32>,
        tpu.vector_store %arg8[%swap3A_1595], %add3A_1594 {strides = array<i32>} : memref<200xi32, #tpu.memory_space<vmem>>, vector<16xi32>,
        %dma_start3A_1597 = arith.constant 0 : i32
        %dma_start3A_1598 = arith.constant 0 : i32
        %dma_start3A_1599 = tpu.memref_slice %arg6[%dma_start3A_1597, %dma_start3A_1598] : memref<200x64xf32, #tpu.memory_space<vmem>> -> memref<104x64xf32, #tpu.memory_space<vmem>>
        %dma_start3A_1600 = arith.constant 0 : i32
        %dma_start3A_1601 = tpu.memref_slice %arg8[%dma_start3A_1600] : memref<200xi32, #tpu.memory_space<vmem>> -> memref<104xi32, #tpu.memory_space<vmem>>
        %dma_start3A_1602 = arith.constant 0 : i32
        %dma_start3A_1603 = arith.constant 0 : i32
        %dma_start3A_1604 = tpu.memref_slice %arg3[%dma_start3A_1602, %dma_start3A_1603] : memref<1001472x64xf32, #tpu.memory_space<hbm>> -> memref<1001472x64xf32, #tpu.memory_space<hbm>>
        tpu.enqueue_indirect_dma source(%dma_start3A_1604 : memref<1001472x64xf32, #tpu.memory_space<hbm>>) target(%dma_start3A_1599 : memref<104x64xf32, #tpu.memory_space<vmem>>) offsets(%dma_start3A_1601 : memref<104xi32, #tpu.memory_space<vmem>>) semaphore(%arg12 : memref<!tpu.dma_semaphore, #tpu.memory_space<semaphore_mem>>)
        %dma_start3A_1605 = arith.constant 104 : i32
        %dma_start3A_1606 = arith.constant 0 : i32
        %dma_start3A_1607 = tpu.memref_slice %arg6[%dma_start3A_1605, %dma_start3A_1606] : memref<200x64xf32, #tpu.memory_space<vmem>> -> memref<96x64xf32, #tpu.memory_space<vmem>>
        %dma_start3A_1608 = arith.constant 104 : i32
        %dma_start3A_1609 = tpu.memref_slice %arg8[%dma_start3A_1608] : memref<200xi32, #tpu.memory_space<vmem>> -> memref<96xi32, #tpu.memory_space<vmem>>
        %dma_start3A_1610 = arith.constant 0 : i32
        %dma_start3A_1611 = arith.constant 0 : i32
        %dma_start3A_1612 = tpu.memref_slice %arg3[%dma_start3A_1610, %dma_start3A_1611] : memref<1001472x64xf32, #tpu.memory_space<hbm>> -> memref<1001472x64xf32, #tpu.memory_space<hbm>>
        tpu.enqueue_indirect_dma source(%dma_start3A_1612 : memref<1001472x64xf32, #tpu.memory_space<hbm>>) target(%dma_start3A_1607 : memref<96x64xf32, #tpu.memory_space<vmem>>) offsets(%dma_start3A_1609 : memref<96xi32, #tpu.memory_space<vmem>>) semaphore(%arg12 : memref<!tpu.dma_semaphore, #tpu.memory_space<semaphore_mem>>)
      } else {
      }
      %mul3A_987 = arith.constant 2 : i32
      %mul3A_988 = arith.muli %scan3A_712, %mul3A_987 : i32
      %add3A_989 = arith.constant 1 : i32
      %add3A_990 = arith.addi %mul3A_988, %add3A_989 : i32
      %dma_wait3A_991 = arith.constant 0 : i32
      %dma_wait3A_992 = arith.constant 0 : i32
      %dma_wait3A_993 = tpu.memref_slice %arg7[%dma_wait3A_991, %dma_wait3A_992] : memref<200x64xf32, #tpu.memory_space<vmem>> -> memref<104x64xf32, #tpu.memory_space<vmem>>
      %dma_wait3A_994 = arith.constant 0 : i32
      %dma_wait3A_995 = tpu.memref_slice %arg9[%dma_wait3A_994] : memref<200xi32, #tpu.memory_space<vmem>> -> memref<104xi32, #tpu.memory_space<vmem>>
      %dma_wait3A_996 = arith.constant 0 : i32
      %dma_wait3A_997 = arith.constant 0 : i32
      %dma_wait3A_998 = tpu.memref_slice %arg3[%dma_wait3A_996, %dma_wait3A_997] : memref<1001472x64xf32, #tpu.memory_space<hbm>> -> memref<1001472x64xf32, #tpu.memory_space<hbm>>
      tpu.wait_indirect_dma semaphore(%arg13 : memref<!tpu.dma_semaphore, #tpu.memory_space<semaphore_mem>>) src(%dma_wait3A_998 : memref<1001472x64xf32, #tpu.memory_space<hbm>>) dst(%dma_wait3A_993 : memref<104x64xf32, #tpu.memory_space<vmem>>)
      %dma_wait3A_999 = arith.constant 104 : i32
      %dma_wait3A_1000 = arith.constant 0 : i32
      %dma_wait3A_1001 = tpu.memref_slice %arg7[%dma_wait3A_999, %dma_wait3A_1000] : memref<200x64xf32, #tpu.memory_space<vmem>> -> memref<96x64xf32, #tpu.memory_space<vmem>>
      %dma_wait3A_1002 = arith.constant 104 : i32
      %dma_wait3A_1003 = tpu.memref_slice %arg9[%dma_wait3A_1002] : memref<200xi32, #tpu.memory_space<vmem>> -> memref<96xi32, #tpu.memory_space<vmem>>
      %dma_wait3A_1004 = arith.constant 0 : i32
      %dma_wait3A_1005 = arith.constant 0 : i32
      %dma_wait3A_1006 = tpu.memref_slice %arg3[%dma_wait3A_1004, %dma_wait3A_1005] : memref<1001472x64xf32, #tpu.memory_space<hbm>> -> memref<1001472x64xf32, #tpu.memory_space<hbm>>
      tpu.wait_indirect_dma semaphore(%arg13 : memref<!tpu.dma_semaphore, #tpu.memory_space<semaphore_mem>>) src(%dma_wait3A_1006 : memref<1001472x64xf32, #tpu.memory_space<hbm>>) dst(%dma_wait3A_1001 : memref<96x64xf32, #tpu.memory_space<vmem>>)
      %broadcast_in_dim3A_1007 = arith.constant 0 : i32
      %broadcast_in_dim3A_1008 = vector.broadcast %broadcast_in_dim3A_1007 : i32 to vector<16xi32>
      %broadcast_in_dim3A_1009 = arith.constant 0 : i32
      %broadcast_in_dim3A_1010 = vector.broadcast %broadcast_in_dim3A_1009 : i32 to vector<16xi32>
      %get3A_1011 = arith.index_cast %add3A_990 : i32 to index
      %get3A_1012 = arith.constant 0 : index
      %get3A_1013 = tpu.vector_load %arg5[%get3A_1011, %get3A_1012] {strides = array<i32>} : memref<128x200xi32, #tpu.memory_space<vmem>>, vector<16xi32>,
      %eq3A_1014 = arith.constant 0 : i32
      %eq3A_1015 = vector.broadcast %eq3A_1014 : i32 to vector<16xi32>
      %eq3A_1016 = arith.cmpi eq, %get3A_1013, %eq3A_1015 : vector<16xi32>
      %all_reduce_population_count3A_1017 = tpu.all_reduce %eq3A_1016 {dim = 0 : i64, kind = #tpu.reduction_kind<sum>} : vector<16xi1> -> vector<16xi32>
      %add3A_1018 = arith.addi %broadcast_in_dim3A_1008, %all_reduce_population_count3A_1017 : vector<16xi32>
      %eq3A_1019 = arith.constant 1 : i32
      %eq3A_1020 = vector.broadcast %eq3A_1019 : i32 to vector<16xi32>
      %eq3A_1021 = arith.cmpi eq, %get3A_1013, %eq3A_1020 : vector<16xi32>
      %all_reduce_population_count3A_1022 = tpu.all_reduce %eq3A_1021 {dim = 0 : i64, kind = #tpu.reduction_kind<sum>} : vector<16xi1> -> vector<16xi32>
      %add3A_1023 = arith.addi %broadcast_in_dim3A_1010, %all_reduce_population_count3A_1022 : vector<16xi32>
      %get3A_1024 = arith.index_cast %add3A_990 : i32 to index
      %get3A_1025 = arith.constant 16 : index
      %get3A_1026 = tpu.vector_load %arg5[%get3A_1024, %get3A_1025] {strides = array<i32>} : memref<128x200xi32, #tpu.memory_space<vmem>>, vector<16xi32>,
      %eq3A_1027 = arith.constant 0 : i32
      %eq3A_1028 = vector.broadcast %eq3A_1027 : i32 to vector<16xi32>
      %eq3A_1029 = arith.cmpi eq, %get3A_1026, %eq3A_1028 : vector<16xi32>
      %all_reduce_population_count3A_1030 = tpu.all_reduce %eq3A_1029 {dim = 0 : i64, kind = #tpu.reduction_kind<sum>} : vector<16xi1> -> vector<16xi32>
      %add3A_1031 = arith.addi %add3A_1018, %all_reduce_population_count3A_1030 : vector<16xi32>
      %eq3A_1032 = arith.constant 1 : i32
      %eq3A_1033 = vector.broadcast %eq3A_1032 : i32 to vector<16xi32>
      %eq3A_1034 = arith.cmpi eq, %get3A_1026, %eq3A_1033 : vector<16xi32>
      %all_reduce_population_count3A_1035 = tpu.all_reduce %eq3A_1034 {dim = 0 : i64, kind = #tpu.reduction_kind<sum>} : vector<16xi1> -> vector<16xi32>
      %add3A_1036 = arith.addi %add3A_1023, %all_reduce_population_count3A_1035 : vector<16xi32>
      %get3A_1037 = arith.index_cast %add3A_990 : i32 to index
      %get3A_1038 = arith.constant 32 : index
      %get3A_1039 = tpu.vector_load %arg5[%get3A_1037, %get3A_1038] {strides = array<i32>} : memref<128x200xi32, #tpu.memory_space<vmem>>, vector<16xi32>,
      %eq3A_1040 = arith.constant 0 : i32
      %eq3A_1041 = vector.broadcast %eq3A_1040 : i32 to vector<16xi32>
      %eq3A_1042 = arith.cmpi eq, %get3A_1039, %eq3A_1041 : vector<16xi32>
      %all_reduce_population_count3A_1043 = tpu.all_reduce %eq3A_1042 {dim = 0 : i64, kind = #tpu.reduction_kind<sum>} : vector<16xi1> -> vector<16xi32>
      %add3A_1044 = arith.addi %add3A_1031, %all_reduce_population_count3A_1043 : vector<16xi32>
      %eq3A_1045 = arith.constant 1 : i32
      %eq3A_1046 = vector.broadcast %eq3A_1045 : i32 to vector<16xi32>
      %eq3A_1047 = arith.cmpi eq, %get3A_1039, %eq3A_1046 : vector<16xi32>
      %all_reduce_population_count3A_1048 = tpu.all_reduce %eq3A_1047 {dim = 0 : i64, kind = #tpu.reduction_kind<sum>} : vector<16xi1> -> vector<16xi32>
      %add3A_1049 = arith.addi %add3A_1036, %all_reduce_population_count3A_1048 : vector<16xi32>
      %get3A_1050 = arith.index_cast %add3A_990 : i32 to index
      %get3A_1051 = arith.constant 48 : index
      %get3A_1052 = tpu.vector_load %arg5[%get3A_1050, %get3A_1051] {strides = array<i32>} : memref<128x200xi32, #tpu.memory_space<vmem>>, vector<16xi32>,
      %eq3A_1053 = arith.constant 0 : i32
      %eq3A_1054 = vector.broadcast %eq3A_1053 : i32 to vector<16xi32>
      %eq3A_1055 = arith.cmpi eq, %get3A_1052, %eq3A_1054 : vector<16xi32>
      %all_reduce_population_count3A_1056 = tpu.all_reduce %eq3A_1055 {dim = 0 : i64, kind = #tpu.reduction_kind<sum>} : vector<16xi1> -> vector<16xi32>
      %add3A_1057 = arith.addi %add3A_1044, %all_reduce_population_count3A_1056 : vector<16xi32>
      %eq3A_1058 = arith.constant 1 : i32
      %eq3A_1059 = vector.broadcast %eq3A_1058 : i32 to vector<16xi32>
      %eq3A_1060 = arith.cmpi eq, %get3A_1052, %eq3A_1059 : vector<16xi32>
      %all_reduce_population_count3A_1061 = tpu.all_reduce %eq3A_1060 {dim = 0 : i64, kind = #tpu.reduction_kind<sum>} : vector<16xi1> -> vector<16xi32>
      %add3A_1062 = arith.addi %add3A_1049, %all_reduce_population_count3A_1061 : vector<16xi32>
      %get3A_1063 = arith.index_cast %add3A_990 : i32 to index
      %get3A_1064 = arith.constant 64 : index
      %get3A_1065 = tpu.vector_load %arg5[%get3A_1063, %get3A_1064] {strides = array<i32>} : memref<128x200xi32, #tpu.memory_space<vmem>>, vector<16xi32>,
      %eq3A_1066 = arith.constant 0 : i32
      %eq3A_1067 = vector.broadcast %eq3A_1066 : i32 to vector<16xi32>
      %eq3A_1068 = arith.cmpi eq, %get3A_1065, %eq3A_1067 : vector<16xi32>
      %all_reduce_population_count3A_1069 = tpu.all_reduce %eq3A_1068 {dim = 0 : i64, kind = #tpu.reduction_kind<sum>} : vector<16xi1> -> vector<16xi32>
      %add3A_1070 = arith.addi %add3A_1057, %all_reduce_population_count3A_1069 : vector<16xi32>
      %eq3A_1071 = arith.constant 1 : i32
      %eq3A_1072 = vector.broadcast %eq3A_1071 : i32 to vector<16xi32>
      %eq3A_1073 = arith.cmpi eq, %get3A_1065, %eq3A_1072 : vector<16xi32>
      %all_reduce_population_count3A_1074 = tpu.all_reduce %eq3A_1073 {dim = 0 : i64, kind = #tpu.reduction_kind<sum>} : vector<16xi1> -> vector<16xi32>
      %add3A_1075 = arith.addi %add3A_1062, %all_reduce_population_count3A_1074 : vector<16xi32>
      %get3A_1076 = arith.index_cast %add3A_990 : i32 to index
      %get3A_1077 = arith.constant 80 : index
      %get3A_1078 = tpu.vector_load %arg5[%get3A_1076, %get3A_1077] {strides = array<i32>} : memref<128x200xi32, #tpu.memory_space<vmem>>, vector<16xi32>,
      %eq3A_1079 = arith.constant 0 : i32
      %eq3A_1080 = vector.broadcast %eq3A_1079 : i32 to vector<16xi32>
      %eq3A_1081 = arith.cmpi eq, %get3A_1078, %eq3A_1080 : vector<16xi32>
      %all_reduce_population_count3A_1082 = tpu.all_reduce %eq3A_1081 {dim = 0 : i64, kind = #tpu.reduction_kind<sum>} : vector<16xi1> -> vector<16xi32>
      %add3A_1083 = arith.addi %add3A_1070, %all_reduce_population_count3A_1082 : vector<16xi32>
      %eq3A_1084 = arith.constant 1 : i32
      %eq3A_1085 = vector.broadcast %eq3A_1084 : i32 to vector<16xi32>
      %eq3A_1086 = arith.cmpi eq, %get3A_1078, %eq3A_1085 : vector<16xi32>
      %all_reduce_population_count3A_1087 = tpu.all_reduce %eq3A_1086 {dim = 0 : i64, kind = #tpu.reduction_kind<sum>} : vector<16xi1> -> vector<16xi32>
      %add3A_1088 = arith.addi %add3A_1075, %all_reduce_population_count3A_1087 : vector<16xi32>
      %get3A_1089 = arith.index_cast %add3A_990 : i32 to index
      %get3A_1090 = arith.constant 96 : index
      %get3A_1091 = tpu.vector_load %arg5[%get3A_1089, %get3A_1090] {strides = array<i32>} : memref<128x200xi32, #tpu.memory_space<vmem>>, vector<16xi32>,
      %eq3A_1092 = arith.constant 0 : i32
      %eq3A_1093 = vector.broadcast %eq3A_1092 : i32 to vector<16xi32>
      %eq3A_1094 = arith.cmpi eq, %get3A_1091, %eq3A_1093 : vector<16xi32>
      %all_reduce_population_count3A_1095 = tpu.all_reduce %eq3A_1094 {dim = 0 : i64, kind = #tpu.reduction_kind<sum>} : vector<16xi1> -> vector<16xi32>
      %add3A_1096 = arith.addi %add3A_1083, %all_reduce_population_count3A_1095 : vector<16xi32>
      %eq3A_1097 = arith.constant 1 : i32
      %eq3A_1098 = vector.broadcast %eq3A_1097 : i32 to vector<16xi32>
      %eq3A_1099 = arith.cmpi eq, %get3A_1091, %eq3A_1098 : vector<16xi32>
      %all_reduce_population_count3A_1100 = tpu.all_reduce %eq3A_1099 {dim = 0 : i64, kind = #tpu.reduction_kind<sum>} : vector<16xi1> -> vector<16xi32>
      %add3A_1101 = arith.addi %add3A_1088, %all_reduce_population_count3A_1100 : vector<16xi32>
      %get3A_1102 = arith.index_cast %add3A_990 : i32 to index
      %get3A_1103 = arith.constant 112 : index
      %get3A_1104 = tpu.vector_load %arg5[%get3A_1102, %get3A_1103] {strides = array<i32>} : memref<128x200xi32, #tpu.memory_space<vmem>>, vector<16xi32>,
      %eq3A_1105 = arith.constant 0 : i32
      %eq3A_1106 = vector.broadcast %eq3A_1105 : i32 to vector<16xi32>
      %eq3A_1107 = arith.cmpi eq, %get3A_1104, %eq3A_1106 : vector<16xi32>
      %all_reduce_population_count3A_1108 = tpu.all_reduce %eq3A_1107 {dim = 0 : i64, kind = #tpu.reduction_kind<sum>} : vector<16xi1> -> vector<16xi32>
      %add3A_1109 = arith.addi %add3A_1096, %all_reduce_population_count3A_1108 : vector<16xi32>
      %eq3A_1110 = arith.constant 1 : i32
      %eq3A_1111 = vector.broadcast %eq3A_1110 : i32 to vector<16xi32>
      %eq3A_1112 = arith.cmpi eq, %get3A_1104, %eq3A_1111 : vector<16xi32>
      %all_reduce_population_count3A_1113 = tpu.all_reduce %eq3A_1112 {dim = 0 : i64, kind = #tpu.reduction_kind<sum>} : vector<16xi1> -> vector<16xi32>
      %add3A_1114 = arith.addi %add3A_1101, %all_reduce_population_count3A_1113 : vector<16xi32>
      %get3A_1115 = arith.index_cast %add3A_990 : i32 to index
      %get3A_1116 = arith.constant 128 : index
      %get3A_1117 = tpu.vector_load %arg5[%get3A_1115, %get3A_1116] {strides = array<i32>} : memref<128x200xi32, #tpu.memory_space<vmem>>, vector<16xi32>,
      %eq3A_1118 = arith.constant 0 : i32
      %eq3A_1119 = vector.broadcast %eq3A_1118 : i32 to vector<16xi32>
      %eq3A_1120 = arith.cmpi eq, %get3A_1117, %eq3A_1119 : vector<16xi32>
      %all_reduce_population_count3A_1121 = tpu.all_reduce %eq3A_1120 {dim = 0 : i64, kind = #tpu.reduction_kind<sum>} : vector<16xi1> -> vector<16xi32>
      %add3A_1122 = arith.addi %add3A_1109, %all_reduce_population_count3A_1121 : vector<16xi32>
      %eq3A_1123 = arith.constant 1 : i32
      %eq3A_1124 = vector.broadcast %eq3A_1123 : i32 to vector<16xi32>
      %eq3A_1125 = arith.cmpi eq, %get3A_1117, %eq3A_1124 : vector<16xi32>
      %all_reduce_population_count3A_1126 = tpu.all_reduce %eq3A_1125 {dim = 0 : i64, kind = #tpu.reduction_kind<sum>} : vector<16xi1> -> vector<16xi32>
      %add3A_1127 = arith.addi %add3A_1114, %all_reduce_population_count3A_1126 : vector<16xi32>
      %get3A_1128 = arith.index_cast %add3A_990 : i32 to index
      %get3A_1129 = arith.constant 144 : index
      %get3A_1130 = tpu.vector_load %arg5[%get3A_1128, %get3A_1129] {strides = array<i32>} : memref<128x200xi32, #tpu.memory_space<vmem>>, vector<16xi32>,
      %eq3A_1131 = arith.constant 0 : i32
      %eq3A_1132 = vector.broadcast %eq3A_1131 : i32 to vector<16xi32>
      %eq3A_1133 = arith.cmpi eq, %get3A_1130, %eq3A_1132 : vector<16xi32>
      %all_reduce_population_count3A_1134 = tpu.all_reduce %eq3A_1133 {dim = 0 : i64, kind = #tpu.reduction_kind<sum>} : vector<16xi1> -> vector<16xi32>
      %add3A_1135 = arith.addi %add3A_1122, %all_reduce_population_count3A_1134 : vector<16xi32>
      %eq3A_1136 = arith.constant 1 : i32
      %eq3A_1137 = vector.broadcast %eq3A_1136 : i32 to vector<16xi32>
      %eq3A_1138 = arith.cmpi eq, %get3A_1130, %eq3A_1137 : vector<16xi32>
      %all_reduce_population_count3A_1139 = tpu.all_reduce %eq3A_1138 {dim = 0 : i64, kind = #tpu.reduction_kind<sum>} : vector<16xi1> -> vector<16xi32>
      %add3A_1140 = arith.addi %add3A_1127, %all_reduce_population_count3A_1139 : vector<16xi32>
      %get3A_1141 = arith.index_cast %add3A_990 : i32 to index
      %get3A_1142 = arith.constant 160 : index
      %get3A_1143 = tpu.vector_load %arg5[%get3A_1141, %get3A_1142] {strides = array<i32>} : memref<128x200xi32, #tpu.memory_space<vmem>>, vector<16xi32>,
      %eq3A_1144 = arith.constant 0 : i32
      %eq3A_1145 = vector.broadcast %eq3A_1144 : i32 to vector<16xi32>
      %eq3A_1146 = arith.cmpi eq, %get3A_1143, %eq3A_1145 : vector<16xi32>
      %all_reduce_population_count3A_1147 = tpu.all_reduce %eq3A_1146 {dim = 0 : i64, kind = #tpu.reduction_kind<sum>} : vector<16xi1> -> vector<16xi32>
      %add3A_1148 = arith.addi %add3A_1135, %all_reduce_population_count3A_1147 : vector<16xi32>
      %eq3A_1149 = arith.constant 1 : i32
      %eq3A_1150 = vector.broadcast %eq3A_1149 : i32 to vector<16xi32>
      %eq3A_1151 = arith.cmpi eq, %get3A_1143, %eq3A_1150 : vector<16xi32>
      %all_reduce_population_count3A_1152 = tpu.all_reduce %eq3A_1151 {dim = 0 : i64, kind = #tpu.reduction_kind<sum>} : vector<16xi1> -> vector<16xi32>
      %add3A_1153 = arith.addi %add3A_1140, %all_reduce_population_count3A_1152 : vector<16xi32>
      %get3A_1154 = arith.index_cast %add3A_990 : i32 to index
      %get3A_1155 = arith.constant 176 : index
      %get3A_1156 = tpu.vector_load %arg5[%get3A_1154, %get3A_1155] {strides = array<i32>} : memref<128x200xi32, #tpu.memory_space<vmem>>, vector<16xi32>,
      %eq3A_1157 = arith.constant 0 : i32
      %eq3A_1158 = vector.broadcast %eq3A_1157 : i32 to vector<16xi32>
      %eq3A_1159 = arith.cmpi eq, %get3A_1156, %eq3A_1158 : vector<16xi32>
      %all_reduce_population_count3A_1160 = tpu.all_reduce %eq3A_1159 {dim = 0 : i64, kind = #tpu.reduction_kind<sum>} : vector<16xi1> -> vector<16xi32>
      %add3A_1161 = arith.addi %add3A_1148, %all_reduce_population_count3A_1160 : vector<16xi32>
      %eq3A_1162 = arith.constant 1 : i32
      %eq3A_1163 = vector.broadcast %eq3A_1162 : i32 to vector<16xi32>
      %eq3A_1164 = arith.cmpi eq, %get3A_1156, %eq3A_1163 : vector<16xi32>
      %all_reduce_population_count3A_1165 = tpu.all_reduce %eq3A_1164 {dim = 0 : i64, kind = #tpu.reduction_kind<sum>} : vector<16xi1> -> vector<16xi32>
      %add3A_1166 = arith.addi %add3A_1153, %all_reduce_population_count3A_1165 : vector<16xi32>
      %get3A_1167 = arith.index_cast %add3A_990 : i32 to index
      %get3A_1168 = arith.constant 184 : index
      %get3A_1169 = tpu.vector_load %arg5[%get3A_1167, %get3A_1168] {strides = array<i32>} : memref<128x200xi32, #tpu.memory_space<vmem>>, vector<16xi32>,
      %eq3A_1170 = arith.constant 0 : i32
      %eq3A_1171 = vector.broadcast %eq3A_1170 : i32 to vector<16xi32>
      %eq3A_1172 = arith.cmpi eq, %get3A_1169, %eq3A_1171 : vector<16xi32>
      %and3A_1173 = arith.andi %eq3A_1172, %ge3A_706 : vector<16xi1>
      %all_reduce_population_count3A_1174 = tpu.all_reduce %and3A_1173 {dim = 0 : i64, kind = #tpu.reduction_kind<sum>} : vector<16xi1> -> vector<16xi32>
      %add3A_1175 = arith.addi %add3A_1161, %all_reduce_population_count3A_1174 : vector<16xi32>
      %eq3A_1176 = arith.constant 1 : i32
      %eq3A_1177 = vector.broadcast %eq3A_1176 : i32 to vector<16xi32>
      %eq3A_1178 = arith.cmpi eq, %get3A_1169, %eq3A_1177 : vector<16xi32>
      %and3A_1179 = arith.andi %eq3A_1178, %ge3A_706 : vector<16xi1>
      %all_reduce_population_count3A_1180 = tpu.all_reduce %and3A_1179 {dim = 0 : i64, kind = #tpu.reduction_kind<sum>} : vector<16xi1> -> vector<16xi32>
      %add3A_1181 = arith.addi %add3A_1166, %all_reduce_population_count3A_1180 : vector<16xi32>
      %broadcast_in_dim3A_1182 = arith.constant 0.000000e+00 : f32
      %broadcast_in_dim3A_1183 = vector.broadcast %broadcast_in_dim3A_1182 : f32 to vector<16xf32>
      %scan3A_1184 = arith.constant 0 : i32
      %scan3A_1185 = arith.constant 200 : i32
      %scan3A_1186 = arith.addi %scan3A_1184, %scan3A_1185 : i32
      %scan3A_1187 = arith.constant 1 : i32
      %scan3A_1188:4 = scf.for %scan3A_1270 = %scan3A_1184 to %scan3A_1186 step %scan3A_1187 iter_args(%scan3A_1271 = %broadcast_in_dim3A_1183, %scan3A_1272 = %broadcast_in_dim3A_1183, %scan3A_1273 = %broadcast_in_dim3A_1183, %scan3A_1274 = %broadcast_in_dim3A_1183) -> (vector<16xf32>, vector<16xf32>, vector<16xf32>, vector<16xf32>)  : i32 {
        %get3A_1275 = arith.index_cast %scan3A_1270 : i32 to index
        %get3A_1276 = arith.constant 0 : index
        %get3A_1277 = tpu.vector_load %arg7[%get3A_1275, %get3A_1276] {strides = array<i32>} : memref<200x64xf32, #tpu.memory_space<vmem>>, vector<16xf32>,
        %add3A_1278 = arith.addf %scan3A_1271, %get3A_1277 : vector<16xf32>
        %get3A_1279 = arith.index_cast %scan3A_1270 : i32 to index
        %get3A_1280 = arith.constant 16 : index
        %get3A_1281 = tpu.vector_load %arg7[%get3A_1279, %get3A_1280] {strides = array<i32>} : memref<200x64xf32, #tpu.memory_space<vmem>>, vector<16xf32>,
        %add3A_1282 = arith.addf %scan3A_1272, %get3A_1281 : vector<16xf32>
        %get3A_1283 = arith.index_cast %scan3A_1270 : i32 to index
        %get3A_1284 = arith.constant 32 : index
        %get3A_1285 = tpu.vector_load %arg7[%get3A_1283, %get3A_1284] {strides = array<i32>} : memref<200x64xf32, #tpu.memory_space<vmem>>, vector<16xf32>,
        %add3A_1286 = arith.addf %scan3A_1273, %get3A_1285 : vector<16xf32>
        %get3A_1287 = arith.index_cast %scan3A_1270 : i32 to index
        %get3A_1288 = arith.constant 48 : index
        %get3A_1289 = tpu.vector_load %arg7[%get3A_1287, %get3A_1288] {strides = array<i32>} : memref<200x64xf32, #tpu.memory_space<vmem>>, vector<16xf32>,
        %add3A_1290 = arith.addf %scan3A_1274, %get3A_1289 : vector<16xf32>
        scf.yield %add3A_1278, %add3A_1282, %add3A_1286, %add3A_1290 : vector<16xf32>, vector<16xf32>, vector<16xf32>, vector<16xf32>
      }
      %scan3A_1189 = arith.constant 200 : i32
      %convert_element_type3A_1190 = arith.sitofp %add3A_1175 : vector<16xi32> to vector<16xf32>
      %convert_element_type3A_1191 = arith.sitofp %add3A_1181 : vector<16xi32> to vector<16xf32>
      %sub3A_1192 = arith.constant 2.000000e+02 : f32
      %sub3A_1193 = vector.broadcast %sub3A_1192 : f32 to vector<16xf32>
      %sub3A_1194 = arith.subf %sub3A_1193, %convert_element_type3A_1190 : vector<16xf32>
      %sub3A_1195 = arith.subf %sub3A_1194, %convert_element_type3A_1191 : vector<16xf32>
      %div3A_1196 = arith.constant 1.000000e+00 : f32
      %div3A_1197 = vector.broadcast %div3A_1196 : f32 to vector<16xf32>
      %div3A_1198 = arith.divf %div3A_1197, %sub3A_1195 : vector<16xf32>
      %get3A_1199 = arith.constant 0 : i32
      %get3A_1200 = arith.index_cast %get3A_1199 : i32 to index
      %get3A_1201 = arith.constant 0 : index
      %get3A_1202 = tpu.vector_load %arg11[%get3A_1200, %get3A_1201] {strides = array<i32>} : memref<2x64xf32, #tpu.memory_space<vmem>>, vector<16xf32>,
      %get3A_1203 = arith.constant 1 : i32
      %get3A_1204 = arith.index_cast %get3A_1203 : i32 to index
      %get3A_1205 = arith.constant 0 : index
      %get3A_1206 = tpu.vector_load %arg11[%get3A_1204, %get3A_1205] {strides = array<i32>} : memref<2x64xf32, #tpu.memory_space<vmem>>, vector<16xf32>,
      %mul3A_1207 = arith.mulf %convert_element_type3A_1190, %get3A_1202 : vector<16xf32>
      %sub3A_1208 = arith.subf %scan3A_1188#0, %mul3A_1207 : vector<16xf32>
      %mul3A_1209 = arith.mulf %convert_element_type3A_1191, %get3A_1206 : vector<16xf32>
      %sub3A_1210 = arith.subf %sub3A_1208, %mul3A_1209 : vector<16xf32>
      %mul3A_1211 = arith.mulf %sub3A_1210, %div3A_1198 : vector<16xf32>
      %swap3A_1212 = arith.index_cast %add3A_990 : i32 to index
      %swap3A_1213 = arith.constant 0 : index
      %swap3A_1214 = tpu.vector_load %arg10[%swap3A_1212, %swap3A_1213] {strides = array<i32>} : memref<128x64xf32, #tpu.memory_space<vmem>>, vector<16xf32>,
      tpu.vector_store %arg10[%swap3A_1212, %swap3A_1213], %mul3A_1211 {strides = array<i32>} : memref<128x64xf32, #tpu.memory_space<vmem>>, vector<16xf32>,
      %get3A_1215 = arith.constant 0 : i32
      %get3A_1216 = arith.index_cast %get3A_1215 : i32 to index
      %get3A_1217 = arith.constant 16 : index
      %get3A_1218 = tpu.vector_load %arg11[%get3A_1216, %get3A_1217] {strides = array<i32>} : memref<2x64xf32, #tpu.memory_space<vmem>>, vector<16xf32>,
      %get3A_1219 = arith.constant 1 : i32
      %get3A_1220 = arith.index_cast %get3A_1219 : i32 to index
      %get3A_1221 = arith.constant 16 : index
      %get3A_1222 = tpu.vector_load %arg11[%get3A_1220, %get3A_1221] {strides = array<i32>} : memref<2x64xf32, #tpu.memory_space<vmem>>, vector<16xf32>,
      %mul3A_1223 = arith.mulf %convert_element_type3A_1190, %get3A_1218 : vector<16xf32>
      %sub3A_1224 = arith.subf %scan3A_1188#1, %mul3A_1223 : vector<16xf32>
      %mul3A_1225 = arith.mulf %convert_element_type3A_1191, %get3A_1222 : vector<16xf32>
      %sub3A_1226 = arith.subf %sub3A_1224, %mul3A_1225 : vector<16xf32>
      %mul3A_1227 = arith.mulf %sub3A_1226, %div3A_1198 : vector<16xf32>
      %swap3A_1228 = arith.index_cast %add3A_990 : i32 to index
      %swap3A_1229 = arith.constant 16 : index
      %swap3A_1230 = tpu.vector_load %arg10[%swap3A_1228, %swap3A_1229] {strides = array<i32>} : memref<128x64xf32, #tpu.memory_space<vmem>>, vector<16xf32>,
      tpu.vector_store %arg10[%swap3A_1228, %swap3A_1229], %mul3A_1227 {strides = array<i32>} : memref<128x64xf32, #tpu.memory_space<vmem>>, vector<16xf32>,
      %get3A_1231 = arith.constant 0 : i32
      %get3A_1232 = arith.index_cast %get3A_1231 : i32 to index
      %get3A_1233 = arith.constant 32 : index
      %get3A_1234 = tpu.vector_load %arg11[%get3A_1232, %get3A_1233] {strides = array<i32>} : memref<2x64xf32, #tpu.memory_space<vmem>>, vector<16xf32>,
      %get3A_1235 = arith.constant 1 : i32
      %get3A_1236 = arith.index_cast %get3A_1235 : i32 to index
      %get3A_1237 = arith.constant 32 : index
      %get3A_1238 = tpu.vector_load %arg11[%get3A_1236, %get3A_1237] {strides = array<i32>} : memref<2x64xf32, #tpu.memory_space<vmem>>, vector<16xf32>,
      %mul3A_1239 = arith.mulf %convert_element_type3A_1190, %get3A_1234 : vector<16xf32>
      %sub3A_1240 = arith.subf %scan3A_1188#2, %mul3A_1239 : vector<16xf32>
      %mul3A_1241 = arith.mulf %convert_element_type3A_1191, %get3A_1238 : vector<16xf32>
      %sub3A_1242 = arith.subf %sub3A_1240, %mul3A_1241 : vector<16xf32>
      %mul3A_1243 = arith.mulf %sub3A_1242, %div3A_1198 : vector<16xf32>
      %swap3A_1244 = arith.index_cast %add3A_990 : i32 to index
      %swap3A_1245 = arith.constant 32 : index
      %swap3A_1246 = tpu.vector_load %arg10[%swap3A_1244, %swap3A_1245] {strides = array<i32>} : memref<128x64xf32, #tpu.memory_space<vmem>>, vector<16xf32>,
      tpu.vector_store %arg10[%swap3A_1244, %swap3A_1245], %mul3A_1243 {strides = array<i32>} : memref<128x64xf32, #tpu.memory_space<vmem>>, vector<16xf32>,
      %get3A_1247 = arith.constant 0 : i32
      %get3A_1248 = arith.index_cast %get3A_1247 : i32 to index
      %get3A_1249 = arith.constant 48 : index
      %get3A_1250 = tpu.vector_load %arg11[%get3A_1248, %get3A_1249] {strides = array<i32>} : memref<2x64xf32, #tpu.memory_space<vmem>>, vector<16xf32>,
      %get3A_1251 = arith.constant 1 : i32
      %get3A_1252 = arith.index_cast %get3A_1251 : i32 to index
      %get3A_1253 = arith.constant 48 : index
      %get3A_1254 = tpu.vector_load %arg11[%get3A_1252, %get3A_1253] {strides = array<i32>} : memref<2x64xf32, #tpu.memory_space<vmem>>, vector<16xf32>,
      %mul3A_1255 = arith.mulf %convert_element_type3A_1190, %get3A_1250 : vector<16xf32>
      %sub3A_1256 = arith.subf %scan3A_1188#3, %mul3A_1255 : vector<16xf32>
      %mul3A_1257 = arith.mulf %convert_element_type3A_1191, %get3A_1254 : vector<16xf32>
      %sub3A_1258 = arith.subf %sub3A_1256, %mul3A_1257 : vector<16xf32>
      %mul3A_1259 = arith.mulf %sub3A_1258, %div3A_1198 : vector<16xf32>
      %swap3A_1260 = arith.index_cast %add3A_990 : i32 to index
      %swap3A_1261 = arith.constant 48 : index
      %swap3A_1262 = tpu.vector_load %arg10[%swap3A_1260, %swap3A_1261] {strides = array<i32>} : memref<128x64xf32, #tpu.memory_space<vmem>>, vector<16xf32>,
      tpu.vector_store %arg10[%swap3A_1260, %swap3A_1261], %mul3A_1259 {strides = array<i32>} : memref<128x64xf32, #tpu.memory_space<vmem>>, vector<16xf32>,
      %add3A_1263 = arith.constant 2 : i32
      %add3A_1264 = arith.addi %add3A_990, %add3A_1263 : i32
      %lt3A_1265 = arith.constant 128 : i32
      %lt3A_1266 = arith.cmpi slt, %add3A_1264, %lt3A_1265 : i32
      %convert_element_type3A_1267 = arith.extui %lt3A_1266 : i1 to i32
      %cond3A_1268 = arith.constant 0 : i32
      %cond3A_1269 = arith.cmpi ne, %convert_element_type3A_1267, %cond3A_1268 : i32
      scf.if %cond3A_1269 {
        %add3A_1270 = arith.constant 2 : i32
        %add3A_1271 = arith.addi %add3A_990, %add3A_1270 : i32
        %get3A_1272 = arith.index_cast %add3A_1271 : i32 to index
        %get3A_1273 = arith.constant 0 : index
        %get3A_1274 = tpu.vector_load %arg5[%get3A_1272, %get3A_1273] {strides = array<i32>} : memref<128x200xi32, #tpu.memory_space<vmem>>, vector<16xi32>,
        %shift_right_arithmetic3A_1275 = arith.constant 11 : i32
        %shift_right_arithmetic3A_1276 = vector.broadcast %shift_right_arithmetic3A_1275 : i32 to vector<16xi32>
        %shift_right_arithmetic3A_1277 = arith.shrsi %get3A_1274, %shift_right_arithmetic3A_1276 : vector<16xi32>
        %shift_left3A_1278 = arith.constant 11 : i32
        %shift_left3A_1279 = vector.broadcast %shift_left3A_1278 : i32 to vector<16xi32>
        %shift_left3A_1280 = arith.shli %shift_right_arithmetic3A_1277, %shift_left3A_1279 : vector<16xi32>
        %and3A_1281 = arith.constant 1023 : i32
        %and3A_1282 = vector.broadcast %and3A_1281 : i32 to vector<16xi32>
        %and3A_1283 = arith.andi %get3A_1274, %and3A_1282 : vector<16xi32>
        %shift_left3A_1284 = arith.constant 1 : i32
        %shift_left3A_1285 = vector.broadcast %shift_left3A_1284 : i32 to vector<16xi32>
        %shift_left3A_1286 = arith.shli %and3A_1283, %shift_left3A_1285 : vector<16xi32>
        %add3A_1287 = arith.addi %shift_left3A_1280, %shift_left3A_1286 : vector<16xi32>
        %shift_right_arithmetic3A_1288 = arith.constant 10 : i32
        %shift_right_arithmetic3A_1289 = vector.broadcast %shift_right_arithmetic3A_1288 : i32 to vector<16xi32>
        %shift_right_arithmetic3A_1290 = arith.shrsi %get3A_1274, %shift_right_arithmetic3A_1289 : vector<16xi32>
        %and3A_1291 = arith.constant 1 : i32
        %and3A_1292 = vector.broadcast %and3A_1291 : i32 to vector<16xi32>
        %and3A_1293 = arith.andi %shift_right_arithmetic3A_1290, %and3A_1292 : vector<16xi32>
        %add3A_1294 = arith.addi %add3A_1287, %and3A_1293 : vector<16xi32>
        %swap3A_1295 = arith.constant 0 : index
        %swap3A_1296 = tpu.vector_load %arg9[%swap3A_1295] {strides = array<i32>} : memref<200xi32, #tpu.memory_space<vmem>>, vector<16xi32>,
        tpu.vector_store %arg9[%swap3A_1295], %add3A_1294 {strides = array<i32>} : memref<200xi32, #tpu.memory_space<vmem>>, vector<16xi32>,
        %get3A_1297 = arith.index_cast %add3A_1271 : i32 to index
        %get3A_1298 = arith.constant 16 : index
        %get3A_1299 = tpu.vector_load %arg5[%get3A_1297, %get3A_1298] {strides = array<i32>} : memref<128x200xi32, #tpu.memory_space<vmem>>, vector<16xi32>,
        %shift_right_arithmetic3A_1300 = arith.constant 11 : i32
        %shift_right_arithmetic3A_1301 = vector.broadcast %shift_right_arithmetic3A_1300 : i32 to vector<16xi32>
        %shift_right_arithmetic3A_1302 = arith.shrsi %get3A_1299, %shift_right_arithmetic3A_1301 : vector<16xi32>
        %shift_left3A_1303 = arith.constant 11 : i32
        %shift_left3A_1304 = vector.broadcast %shift_left3A_1303 : i32 to vector<16xi32>
        %shift_left3A_1305 = arith.shli %shift_right_arithmetic3A_1302, %shift_left3A_1304 : vector<16xi32>
        %and3A_1306 = arith.constant 1023 : i32
        %and3A_1307 = vector.broadcast %and3A_1306 : i32 to vector<16xi32>
        %and3A_1308 = arith.andi %get3A_1299, %and3A_1307 : vector<16xi32>
        %shift_left3A_1309 = arith.constant 1 : i32
        %shift_left3A_1310 = vector.broadcast %shift_left3A_1309 : i32 to vector<16xi32>
        %shift_left3A_1311 = arith.shli %and3A_1308, %shift_left3A_1310 : vector<16xi32>
        %add3A_1312 = arith.addi %shift_left3A_1305, %shift_left3A_1311 : vector<16xi32>
        %shift_right_arithmetic3A_1313 = arith.constant 10 : i32
        %shift_right_arithmetic3A_1314 = vector.broadcast %shift_right_arithmetic3A_1313 : i32 to vector<16xi32>
        %shift_right_arithmetic3A_1315 = arith.shrsi %get3A_1299, %shift_right_arithmetic3A_1314 : vector<16xi32>
        %and3A_1316 = arith.constant 1 : i32
        %and3A_1317 = vector.broadcast %and3A_1316 : i32 to vector<16xi32>
        %and3A_1318 = arith.andi %shift_right_arithmetic3A_1315, %and3A_1317 : vector<16xi32>
        %add3A_1319 = arith.addi %add3A_1312, %and3A_1318 : vector<16xi32>
        %swap3A_1320 = arith.constant 16 : index
        %swap3A_1321 = tpu.vector_load %arg9[%swap3A_1320] {strides = array<i32>} : memref<200xi32, #tpu.memory_space<vmem>>, vector<16xi32>,
        tpu.vector_store %arg9[%swap3A_1320], %add3A_1319 {strides = array<i32>} : memref<200xi32, #tpu.memory_space<vmem>>, vector<16xi32>,
        %get3A_1322 = arith.index_cast %add3A_1271 : i32 to index
        %get3A_1323 = arith.constant 32 : index
        %get3A_1324 = tpu.vector_load %arg5[%get3A_1322, %get3A_1323] {strides = array<i32>} : memref<128x200xi32, #tpu.memory_space<vmem>>, vector<16xi32>,
        %shift_right_arithmetic3A_1325 = arith.constant 11 : i32
        %shift_right_arithmetic3A_1326 = vector.broadcast %shift_right_arithmetic3A_1325 : i32 to vector<16xi32>
        %shift_right_arithmetic3A_1327 = arith.shrsi %get3A_1324, %shift_right_arithmetic3A_1326 : vector<16xi32>
        %shift_left3A_1328 = arith.constant 11 : i32
        %shift_left3A_1329 = vector.broadcast %shift_left3A_1328 : i32 to vector<16xi32>
        %shift_left3A_1330 = arith.shli %shift_right_arithmetic3A_1327, %shift_left3A_1329 : vector<16xi32>
        %and3A_1331 = arith.constant 1023 : i32
        %and3A_1332 = vector.broadcast %and3A_1331 : i32 to vector<16xi32>
        %and3A_1333 = arith.andi %get3A_1324, %and3A_1332 : vector<16xi32>
        %shift_left3A_1334 = arith.constant 1 : i32
        %shift_left3A_1335 = vector.broadcast %shift_left3A_1334 : i32 to vector<16xi32>
        %shift_left3A_1336 = arith.shli %and3A_1333, %shift_left3A_1335 : vector<16xi32>
        %add3A_1337 = arith.addi %shift_left3A_1330, %shift_left3A_1336 : vector<16xi32>
        %shift_right_arithmetic3A_1338 = arith.constant 10 : i32
        %shift_right_arithmetic3A_1339 = vector.broadcast %shift_right_arithmetic3A_1338 : i32 to vector<16xi32>
        %shift_right_arithmetic3A_1340 = arith.shrsi %get3A_1324, %shift_right_arithmetic3A_1339 : vector<16xi32>
        %and3A_1341 = arith.constant 1 : i32
        %and3A_1342 = vector.broadcast %and3A_1341 : i32 to vector<16xi32>
        %and3A_1343 = arith.andi %shift_right_arithmetic3A_1340, %and3A_1342 : vector<16xi32>
        %add3A_1344 = arith.addi %add3A_1337, %and3A_1343 : vector<16xi32>
        %swap3A_1345 = arith.constant 32 : index
        %swap3A_1346 = tpu.vector_load %arg9[%swap3A_1345] {strides = array<i32>} : memref<200xi32, #tpu.memory_space<vmem>>, vector<16xi32>,
        tpu.vector_store %arg9[%swap3A_1345], %add3A_1344 {strides = array<i32>} : memref<200xi32, #tpu.memory_space<vmem>>, vector<16xi32>,
        %get3A_1347 = arith.index_cast %add3A_1271 : i32 to index
        %get3A_1348 = arith.constant 48 : index
        %get3A_1349 = tpu.vector_load %arg5[%get3A_1347, %get3A_1348] {strides = array<i32>} : memref<128x200xi32, #tpu.memory_space<vmem>>, vector<16xi32>,
        %shift_right_arithmetic3A_1350 = arith.constant 11 : i32
        %shift_right_arithmetic3A_1351 = vector.broadcast %shift_right_arithmetic3A_1350 : i32 to vector<16xi32>
        %shift_right_arithmetic3A_1352 = arith.shrsi %get3A_1349, %shift_right_arithmetic3A_1351 : vector<16xi32>
        %shift_left3A_1353 = arith.constant 11 : i32
        %shift_left3A_1354 = vector.broadcast %shift_left3A_1353 : i32 to vector<16xi32>
        %shift_left3A_1355 = arith.shli %shift_right_arithmetic3A_1352, %shift_left3A_1354 : vector<16xi32>
        %and3A_1356 = arith.constant 1023 : i32
        %and3A_1357 = vector.broadcast %and3A_1356 : i32 to vector<16xi32>
        %and3A_1358 = arith.andi %get3A_1349, %and3A_1357 : vector<16xi32>
        %shift_left3A_1359 = arith.constant 1 : i32
        %shift_left3A_1360 = vector.broadcast %shift_left3A_1359 : i32 to vector<16xi32>
        %shift_left3A_1361 = arith.shli %and3A_1358, %shift_left3A_1360 : vector<16xi32>
        %add3A_1362 = arith.addi %shift_left3A_1355, %shift_left3A_1361 : vector<16xi32>
        %shift_right_arithmetic3A_1363 = arith.constant 10 : i32
        %shift_right_arithmetic3A_1364 = vector.broadcast %shift_right_arithmetic3A_1363 : i32 to vector<16xi32>
        %shift_right_arithmetic3A_1365 = arith.shrsi %get3A_1349, %shift_right_arithmetic3A_1364 : vector<16xi32>
        %and3A_1366 = arith.constant 1 : i32
        %and3A_1367 = vector.broadcast %and3A_1366 : i32 to vector<16xi32>
        %and3A_1368 = arith.andi %shift_right_arithmetic3A_1365, %and3A_1367 : vector<16xi32>
        %add3A_1369 = arith.addi %add3A_1362, %and3A_1368 : vector<16xi32>
        %swap3A_1370 = arith.constant 48 : index
        %swap3A_1371 = tpu.vector_load %arg9[%swap3A_1370] {strides = array<i32>} : memref<200xi32, #tpu.memory_space<vmem>>, vector<16xi32>,
        tpu.vector_store %arg9[%swap3A_1370], %add3A_1369 {strides = array<i32>} : memref<200xi32, #tpu.memory_space<vmem>>, vector<16xi32>,
        %get3A_1372 = arith.index_cast %add3A_1271 : i32 to index
        %get3A_1373 = arith.constant 64 : index
        %get3A_1374 = tpu.vector_load %arg5[%get3A_1372, %get3A_1373] {strides = array<i32>} : memref<128x200xi32, #tpu.memory_space<vmem>>, vector<16xi32>,
        %shift_right_arithmetic3A_1375 = arith.constant 11 : i32
        %shift_right_arithmetic3A_1376 = vector.broadcast %shift_right_arithmetic3A_1375 : i32 to vector<16xi32>
        %shift_right_arithmetic3A_1377 = arith.shrsi %get3A_1374, %shift_right_arithmetic3A_1376 : vector<16xi32>
        %shift_left3A_1378 = arith.constant 11 : i32
        %shift_left3A_1379 = vector.broadcast %shift_left3A_1378 : i32 to vector<16xi32>
        %shift_left3A_1380 = arith.shli %shift_right_arithmetic3A_1377, %shift_left3A_1379 : vector<16xi32>
        %and3A_1381 = arith.constant 1023 : i32
        %and3A_1382 = vector.broadcast %and3A_1381 : i32 to vector<16xi32>
        %and3A_1383 = arith.andi %get3A_1374, %and3A_1382 : vector<16xi32>
        %shift_left3A_1384 = arith.constant 1 : i32
        %shift_left3A_1385 = vector.broadcast %shift_left3A_1384 : i32 to vector<16xi32>
        %shift_left3A_1386 = arith.shli %and3A_1383, %shift_left3A_1385 : vector<16xi32>
        %add3A_1387 = arith.addi %shift_left3A_1380, %shift_left3A_1386 : vector<16xi32>
        %shift_right_arithmetic3A_1388 = arith.constant 10 : i32
        %shift_right_arithmetic3A_1389 = vector.broadcast %shift_right_arithmetic3A_1388 : i32 to vector<16xi32>
        %shift_right_arithmetic3A_1390 = arith.shrsi %get3A_1374, %shift_right_arithmetic3A_1389 : vector<16xi32>
        %and3A_1391 = arith.constant 1 : i32
        %and3A_1392 = vector.broadcast %and3A_1391 : i32 to vector<16xi32>
        %and3A_1393 = arith.andi %shift_right_arithmetic3A_1390, %and3A_1392 : vector<16xi32>
        %add3A_1394 = arith.addi %add3A_1387, %and3A_1393 : vector<16xi32>
        %swap3A_1395 = arith.constant 64 : index
        %swap3A_1396 = tpu.vector_load %arg9[%swap3A_1395] {strides = array<i32>} : memref<200xi32, #tpu.memory_space<vmem>>, vector<16xi32>,
        tpu.vector_store %arg9[%swap3A_1395], %add3A_1394 {strides = array<i32>} : memref<200xi32, #tpu.memory_space<vmem>>, vector<16xi32>,
        %get3A_1397 = arith.index_cast %add3A_1271 : i32 to index
        %get3A_1398 = arith.constant 80 : index
        %get3A_1399 = tpu.vector_load %arg5[%get3A_1397, %get3A_1398] {strides = array<i32>} : memref<128x200xi32, #tpu.memory_space<vmem>>, vector<16xi32>,
        %shift_right_arithmetic3A_1400 = arith.constant 11 : i32
        %shift_right_arithmetic3A_1401 = vector.broadcast %shift_right_arithmetic3A_1400 : i32 to vector<16xi32>
        %shift_right_arithmetic3A_1402 = arith.shrsi %get3A_1399, %shift_right_arithmetic3A_1401 : vector<16xi32>
        %shift_left3A_1403 = arith.constant 11 : i32
        %shift_left3A_1404 = vector.broadcast %shift_left3A_1403 : i32 to vector<16xi32>
        %shift_left3A_1405 = arith.shli %shift_right_arithmetic3A_1402, %shift_left3A_1404 : vector<16xi32>
        %and3A_1406 = arith.constant 1023 : i32
        %and3A_1407 = vector.broadcast %and3A_1406 : i32 to vector<16xi32>
        %and3A_1408 = arith.andi %get3A_1399, %and3A_1407 : vector<16xi32>
        %shift_left3A_1409 = arith.constant 1 : i32
        %shift_left3A_1410 = vector.broadcast %shift_left3A_1409 : i32 to vector<16xi32>
        %shift_left3A_1411 = arith.shli %and3A_1408, %shift_left3A_1410 : vector<16xi32>
        %add3A_1412 = arith.addi %shift_left3A_1405, %shift_left3A_1411 : vector<16xi32>
        %shift_right_arithmetic3A_1413 = arith.constant 10 : i32
        %shift_right_arithmetic3A_1414 = vector.broadcast %shift_right_arithmetic3A_1413 : i32 to vector<16xi32>
        %shift_right_arithmetic3A_1415 = arith.shrsi %get3A_1399, %shift_right_arithmetic3A_1414 : vector<16xi32>
        %and3A_1416 = arith.constant 1 : i32
        %and3A_1417 = vector.broadcast %and3A_1416 : i32 to vector<16xi32>
        %and3A_1418 = arith.andi %shift_right_arithmetic3A_1415, %and3A_1417 : vector<16xi32>
        %add3A_1419 = arith.addi %add3A_1412, %and3A_1418 : vector<16xi32>
        %swap3A_1420 = arith.constant 80 : index
        %swap3A_1421 = tpu.vector_load %arg9[%swap3A_1420] {strides = array<i32>} : memref<200xi32, #tpu.memory_space<vmem>>, vector<16xi32>,
        tpu.vector_store %arg9[%swap3A_1420], %add3A_1419 {strides = array<i32>} : memref<200xi32, #tpu.memory_space<vmem>>, vector<16xi32>,
        %get3A_1422 = arith.index_cast %add3A_1271 : i32 to index
        %get3A_1423 = arith.constant 96 : index
        %get3A_1424 = tpu.vector_load %arg5[%get3A_1422, %get3A_1423] {strides = array<i32>} : memref<128x200xi32, #tpu.memory_space<vmem>>, vector<16xi32>,
        %shift_right_arithmetic3A_1425 = arith.constant 11 : i32
        %shift_right_arithmetic3A_1426 = vector.broadcast %shift_right_arithmetic3A_1425 : i32 to vector<16xi32>
        %shift_right_arithmetic3A_1427 = arith.shrsi %get3A_1424, %shift_right_arithmetic3A_1426 : vector<16xi32>
        %shift_left3A_1428 = arith.constant 11 : i32
        %shift_left3A_1429 = vector.broadcast %shift_left3A_1428 : i32 to vector<16xi32>
        %shift_left3A_1430 = arith.shli %shift_right_arithmetic3A_1427, %shift_left3A_1429 : vector<16xi32>
        %and3A_1431 = arith.constant 1023 : i32
        %and3A_1432 = vector.broadcast %and3A_1431 : i32 to vector<16xi32>
        %and3A_1433 = arith.andi %get3A_1424, %and3A_1432 : vector<16xi32>
        %shift_left3A_1434 = arith.constant 1 : i32
        %shift_left3A_1435 = vector.broadcast %shift_left3A_1434 : i32 to vector<16xi32>
        %shift_left3A_1436 = arith.shli %and3A_1433, %shift_left3A_1435 : vector<16xi32>
        %add3A_1437 = arith.addi %shift_left3A_1430, %shift_left3A_1436 : vector<16xi32>
        %shift_right_arithmetic3A_1438 = arith.constant 10 : i32
        %shift_right_arithmetic3A_1439 = vector.broadcast %shift_right_arithmetic3A_1438 : i32 to vector<16xi32>
        %shift_right_arithmetic3A_1440 = arith.shrsi %get3A_1424, %shift_right_arithmetic3A_1439 : vector<16xi32>
        %and3A_1441 = arith.constant 1 : i32
        %and3A_1442 = vector.broadcast %and3A_1441 : i32 to vector<16xi32>
        %and3A_1443 = arith.andi %shift_right_arithmetic3A_1440, %and3A_1442 : vector<16xi32>
        %add3A_1444 = arith.addi %add3A_1437, %and3A_1443 : vector<16xi32>
        %swap3A_1445 = arith.constant 96 : index
        %swap3A_1446 = tpu.vector_load %arg9[%swap3A_1445] {strides = array<i32>} : memref<200xi32, #tpu.memory_space<vmem>>, vector<16xi32>,
        tpu.vector_store %arg9[%swap3A_1445], %add3A_1444 {strides = array<i32>} : memref<200xi32, #tpu.memory_space<vmem>>, vector<16xi32>,
        %get3A_1447 = arith.index_cast %add3A_1271 : i32 to index
        %get3A_1448 = arith.constant 112 : index
        %get3A_1449 = tpu.vector_load %arg5[%get3A_1447, %get3A_1448] {strides = array<i32>} : memref<128x200xi32, #tpu.memory_space<vmem>>, vector<16xi32>,
        %shift_right_arithmetic3A_1450 = arith.constant 11 : i32
        %shift_right_arithmetic3A_1451 = vector.broadcast %shift_right_arithmetic3A_1450 : i32 to vector<16xi32>
        %shift_right_arithmetic3A_1452 = arith.shrsi %get3A_1449, %shift_right_arithmetic3A_1451 : vector<16xi32>
        %shift_left3A_1453 = arith.constant 11 : i32
        %shift_left3A_1454 = vector.broadcast %shift_left3A_1453 : i32 to vector<16xi32>
        %shift_left3A_1455 = arith.shli %shift_right_arithmetic3A_1452, %shift_left3A_1454 : vector<16xi32>
        %and3A_1456 = arith.constant 1023 : i32
        %and3A_1457 = vector.broadcast %and3A_1456 : i32 to vector<16xi32>
        %and3A_1458 = arith.andi %get3A_1449, %and3A_1457 : vector<16xi32>
        %shift_left3A_1459 = arith.constant 1 : i32
        %shift_left3A_1460 = vector.broadcast %shift_left3A_1459 : i32 to vector<16xi32>
        %shift_left3A_1461 = arith.shli %and3A_1458, %shift_left3A_1460 : vector<16xi32>
        %add3A_1462 = arith.addi %shift_left3A_1455, %shift_left3A_1461 : vector<16xi32>
        %shift_right_arithmetic3A_1463 = arith.constant 10 : i32
        %shift_right_arithmetic3A_1464 = vector.broadcast %shift_right_arithmetic3A_1463 : i32 to vector<16xi32>
        %shift_right_arithmetic3A_1465 = arith.shrsi %get3A_1449, %shift_right_arithmetic3A_1464 : vector<16xi32>
        %and3A_1466 = arith.constant 1 : i32
        %and3A_1467 = vector.broadcast %and3A_1466 : i32 to vector<16xi32>
        %and3A_1468 = arith.andi %shift_right_arithmetic3A_1465, %and3A_1467 : vector<16xi32>
        %add3A_1469 = arith.addi %add3A_1462, %and3A_1468 : vector<16xi32>
        %swap3A_1470 = arith.constant 112 : index
        %swap3A_1471 = tpu.vector_load %arg9[%swap3A_1470] {strides = array<i32>} : memref<200xi32, #tpu.memory_space<vmem>>, vector<16xi32>,
        tpu.vector_store %arg9[%swap3A_1470], %add3A_1469 {strides = array<i32>} : memref<200xi32, #tpu.memory_space<vmem>>, vector<16xi32>,
        %get3A_1472 = arith.index_cast %add3A_1271 : i32 to index
        %get3A_1473 = arith.constant 128 : index
        %get3A_1474 = tpu.vector_load %arg5[%get3A_1472, %get3A_1473] {strides = array<i32>} : memref<128x200xi32, #tpu.memory_space<vmem>>, vector<16xi32>,
        %shift_right_arithmetic3A_1475 = arith.constant 11 : i32
        %shift_right_arithmetic3A_1476 = vector.broadcast %shift_right_arithmetic3A_1475 : i32 to vector<16xi32>
        %shift_right_arithmetic3A_1477 = arith.shrsi %get3A_1474, %shift_right_arithmetic3A_1476 : vector<16xi32>
        %shift_left3A_1478 = arith.constant 11 : i32
        %shift_left3A_1479 = vector.broadcast %shift_left3A_1478 : i32 to vector<16xi32>
        %shift_left3A_1480 = arith.shli %shift_right_arithmetic3A_1477, %shift_left3A_1479 : vector<16xi32>
        %and3A_1481 = arith.constant 1023 : i32
        %and3A_1482 = vector.broadcast %and3A_1481 : i32 to vector<16xi32>
        %and3A_1483 = arith.andi %get3A_1474, %and3A_1482 : vector<16xi32>
        %shift_left3A_1484 = arith.constant 1 : i32
        %shift_left3A_1485 = vector.broadcast %shift_left3A_1484 : i32 to vector<16xi32>
        %shift_left3A_1486 = arith.shli %and3A_1483, %shift_left3A_1485 : vector<16xi32>
        %add3A_1487 = arith.addi %shift_left3A_1480, %shift_left3A_1486 : vector<16xi32>
        %shift_right_arithmetic3A_1488 = arith.constant 10 : i32
        %shift_right_arithmetic3A_1489 = vector.broadcast %shift_right_arithmetic3A_1488 : i32 to vector<16xi32>
        %shift_right_arithmetic3A_1490 = arith.shrsi %get3A_1474, %shift_right_arithmetic3A_1489 : vector<16xi32>
        %and3A_1491 = arith.constant 1 : i32
        %and3A_1492 = vector.broadcast %and3A_1491 : i32 to vector<16xi32>
        %and3A_1493 = arith.andi %shift_right_arithmetic3A_1490, %and3A_1492 : vector<16xi32>
        %add3A_1494 = arith.addi %add3A_1487, %and3A_1493 : vector<16xi32>
        %swap3A_1495 = arith.constant 128 : index
        %swap3A_1496 = tpu.vector_load %arg9[%swap3A_1495] {strides = array<i32>} : memref<200xi32, #tpu.memory_space<vmem>>, vector<16xi32>,
        tpu.vector_store %arg9[%swap3A_1495], %add3A_1494 {strides = array<i32>} : memref<200xi32, #tpu.memory_space<vmem>>, vector<16xi32>,
        %get3A_1497 = arith.index_cast %add3A_1271 : i32 to index
        %get3A_1498 = arith.constant 144 : index
        %get3A_1499 = tpu.vector_load %arg5[%get3A_1497, %get3A_1498] {strides = array<i32>} : memref<128x200xi32, #tpu.memory_space<vmem>>, vector<16xi32>,
        %shift_right_arithmetic3A_1500 = arith.constant 11 : i32
        %shift_right_arithmetic3A_1501 = vector.broadcast %shift_right_arithmetic3A_1500 : i32 to vector<16xi32>
        %shift_right_arithmetic3A_1502 = arith.shrsi %get3A_1499, %shift_right_arithmetic3A_1501 : vector<16xi32>
        %shift_left3A_1503 = arith.constant 11 : i32
        %shift_left3A_1504 = vector.broadcast %shift_left3A_1503 : i32 to vector<16xi32>
        %shift_left3A_1505 = arith.shli %shift_right_arithmetic3A_1502, %shift_left3A_1504 : vector<16xi32>
        %and3A_1506 = arith.constant 1023 : i32
        %and3A_1507 = vector.broadcast %and3A_1506 : i32 to vector<16xi32>
        %and3A_1508 = arith.andi %get3A_1499, %and3A_1507 : vector<16xi32>
        %shift_left3A_1509 = arith.constant 1 : i32
        %shift_left3A_1510 = vector.broadcast %shift_left3A_1509 : i32 to vector<16xi32>
        %shift_left3A_1511 = arith.shli %and3A_1508, %shift_left3A_1510 : vector<16xi32>
        %add3A_1512 = arith.addi %shift_left3A_1505, %shift_left3A_1511 : vector<16xi32>
        %shift_right_arithmetic3A_1513 = arith.constant 10 : i32
        %shift_right_arithmetic3A_1514 = vector.broadcast %shift_right_arithmetic3A_1513 : i32 to vector<16xi32>
        %shift_right_arithmetic3A_1515 = arith.shrsi %get3A_1499, %shift_right_arithmetic3A_1514 : vector<16xi32>
        %and3A_1516 = arith.constant 1 : i32
        %and3A_1517 = vector.broadcast %and3A_1516 : i32 to vector<16xi32>
        %and3A_1518 = arith.andi %shift_right_arithmetic3A_1515, %and3A_1517 : vector<16xi32>
        %add3A_1519 = arith.addi %add3A_1512, %and3A_1518 : vector<16xi32>
        %swap3A_1520 = arith.constant 144 : index
        %swap3A_1521 = tpu.vector_load %arg9[%swap3A_1520] {strides = array<i32>} : memref<200xi32, #tpu.memory_space<vmem>>, vector<16xi32>,
        tpu.vector_store %arg9[%swap3A_1520], %add3A_1519 {strides = array<i32>} : memref<200xi32, #tpu.memory_space<vmem>>, vector<16xi32>,
        %get3A_1522 = arith.index_cast %add3A_1271 : i32 to index
        %get3A_1523 = arith.constant 160 : index
        %get3A_1524 = tpu.vector_load %arg5[%get3A_1522, %get3A_1523] {strides = array<i32>} : memref<128x200xi32, #tpu.memory_space<vmem>>, vector<16xi32>,
        %shift_right_arithmetic3A_1525 = arith.constant 11 : i32
        %shift_right_arithmetic3A_1526 = vector.broadcast %shift_right_arithmetic3A_1525 : i32 to vector<16xi32>
        %shift_right_arithmetic3A_1527 = arith.shrsi %get3A_1524, %shift_right_arithmetic3A_1526 : vector<16xi32>
        %shift_left3A_1528 = arith.constant 11 : i32
        %shift_left3A_1529 = vector.broadcast %shift_left3A_1528 : i32 to vector<16xi32>
        %shift_left3A_1530 = arith.shli %shift_right_arithmetic3A_1527, %shift_left3A_1529 : vector<16xi32>
        %and3A_1531 = arith.constant 1023 : i32
        %and3A_1532 = vector.broadcast %and3A_1531 : i32 to vector<16xi32>
        %and3A_1533 = arith.andi %get3A_1524, %and3A_1532 : vector<16xi32>
        %shift_left3A_1534 = arith.constant 1 : i32
        %shift_left3A_1535 = vector.broadcast %shift_left3A_1534 : i32 to vector<16xi32>
        %shift_left3A_1536 = arith.shli %and3A_1533, %shift_left3A_1535 : vector<16xi32>
        %add3A_1537 = arith.addi %shift_left3A_1530, %shift_left3A_1536 : vector<16xi32>
        %shift_right_arithmetic3A_1538 = arith.constant 10 : i32
        %shift_right_arithmetic3A_1539 = vector.broadcast %shift_right_arithmetic3A_1538 : i32 to vector<16xi32>
        %shift_right_arithmetic3A_1540 = arith.shrsi %get3A_1524, %shift_right_arithmetic3A_1539 : vector<16xi32>
        %and3A_1541 = arith.constant 1 : i32
        %and3A_1542 = vector.broadcast %and3A_1541 : i32 to vector<16xi32>
        %and3A_1543 = arith.andi %shift_right_arithmetic3A_1540, %and3A_1542 : vector<16xi32>
        %add3A_1544 = arith.addi %add3A_1537, %and3A_1543 : vector<16xi32>
        %swap3A_1545 = arith.constant 160 : index
        %swap3A_1546 = tpu.vector_load %arg9[%swap3A_1545] {strides = array<i32>} : memref<200xi32, #tpu.memory_space<vmem>>, vector<16xi32>,
        tpu.vector_store %arg9[%swap3A_1545], %add3A_1544 {strides = array<i32>} : memref<200xi32, #tpu.memory_space<vmem>>, vector<16xi32>,
        %get3A_1547 = arith.index_cast %add3A_1271 : i32 to index
        %get3A_1548 = arith.constant 176 : index
        %get3A_1549 = tpu.vector_load %arg5[%get3A_1547, %get3A_1548] {strides = array<i32>} : memref<128x200xi32, #tpu.memory_space<vmem>>, vector<16xi32>,
        %shift_right_arithmetic3A_1550 = arith.constant 11 : i32
        %shift_right_arithmetic3A_1551 = vector.broadcast %shift_right_arithmetic3A_1550 : i32 to vector<16xi32>
        %shift_right_arithmetic3A_1552 = arith.shrsi %get3A_1549, %shift_right_arithmetic3A_1551 : vector<16xi32>
        %shift_left3A_1553 = arith.constant 11 : i32
        %shift_left3A_1554 = vector.broadcast %shift_left3A_1553 : i32 to vector<16xi32>
        %shift_left3A_1555 = arith.shli %shift_right_arithmetic3A_1552, %shift_left3A_1554 : vector<16xi32>
        %and3A_1556 = arith.constant 1023 : i32
        %and3A_1557 = vector.broadcast %and3A_1556 : i32 to vector<16xi32>
        %and3A_1558 = arith.andi %get3A_1549, %and3A_1557 : vector<16xi32>
        %shift_left3A_1559 = arith.constant 1 : i32
        %shift_left3A_1560 = vector.broadcast %shift_left3A_1559 : i32 to vector<16xi32>
        %shift_left3A_1561 = arith.shli %and3A_1558, %shift_left3A_1560 : vector<16xi32>
        %add3A_1562 = arith.addi %shift_left3A_1555, %shift_left3A_1561 : vector<16xi32>
        %shift_right_arithmetic3A_1563 = arith.constant 10 : i32
        %shift_right_arithmetic3A_1564 = vector.broadcast %shift_right_arithmetic3A_1563 : i32 to vector<16xi32>
        %shift_right_arithmetic3A_1565 = arith.shrsi %get3A_1549, %shift_right_arithmetic3A_1564 : vector<16xi32>
        %and3A_1566 = arith.constant 1 : i32
        %and3A_1567 = vector.broadcast %and3A_1566 : i32 to vector<16xi32>
        %and3A_1568 = arith.andi %shift_right_arithmetic3A_1565, %and3A_1567 : vector<16xi32>
        %add3A_1569 = arith.addi %add3A_1562, %and3A_1568 : vector<16xi32>
        %swap3A_1570 = arith.constant 176 : index
        %swap3A_1571 = tpu.vector_load %arg9[%swap3A_1570] {strides = array<i32>} : memref<200xi32, #tpu.memory_space<vmem>>, vector<16xi32>,
        tpu.vector_store %arg9[%swap3A_1570], %add3A_1569 {strides = array<i32>} : memref<200xi32, #tpu.memory_space<vmem>>, vector<16xi32>,
        %get3A_1572 = arith.index_cast %add3A_1271 : i32 to index
        %get3A_1573 = arith.constant 184 : index
        %get3A_1574 = tpu.vector_load %arg5[%get3A_1572, %get3A_1573] {strides = array<i32>} : memref<128x200xi32, #tpu.memory_space<vmem>>, vector<16xi32>,
        %shift_right_arithmetic3A_1575 = arith.constant 11 : i32
        %shift_right_arithmetic3A_1576 = vector.broadcast %shift_right_arithmetic3A_1575 : i32 to vector<16xi32>
        %shift_right_arithmetic3A_1577 = arith.shrsi %get3A_1574, %shift_right_arithmetic3A_1576 : vector<16xi32>
        %shift_left3A_1578 = arith.constant 11 : i32
        %shift_left3A_1579 = vector.broadcast %shift_left3A_1578 : i32 to vector<16xi32>
        %shift_left3A_1580 = arith.shli %shift_right_arithmetic3A_1577, %shift_left3A_1579 : vector<16xi32>
        %and3A_1581 = arith.constant 1023 : i32
        %and3A_1582 = vector.broadcast %and3A_1581 : i32 to vector<16xi32>
        %and3A_1583 = arith.andi %get3A_1574, %and3A_1582 : vector<16xi32>
        %shift_left3A_1584 = arith.constant 1 : i32
        %shift_left3A_1585 = vector.broadcast %shift_left3A_1584 : i32 to vector<16xi32>
        %shift_left3A_1586 = arith.shli %and3A_1583, %shift_left3A_1585 : vector<16xi32>
        %add3A_1587 = arith.addi %shift_left3A_1580, %shift_left3A_1586 : vector<16xi32>
        %shift_right_arithmetic3A_1588 = arith.constant 10 : i32
        %shift_right_arithmetic3A_1589 = vector.broadcast %shift_right_arithmetic3A_1588 : i32 to vector<16xi32>
        %shift_right_arithmetic3A_1590 = arith.shrsi %get3A_1574, %shift_right_arithmetic3A_1589 : vector<16xi32>
        %and3A_1591 = arith.constant 1 : i32
        %and3A_1592 = vector.broadcast %and3A_1591 : i32 to vector<16xi32>
        %and3A_1593 = arith.andi %shift_right_arithmetic3A_1590, %and3A_1592 : vector<16xi32>
        %add3A_1594 = arith.addi %add3A_1587, %and3A_1593 : vector<16xi32>
        %swap3A_1595 = arith.constant 184 : index
        %swap3A_1596 = tpu.vector_load %arg9[%swap3A_1595] {strides = array<i32>} : memref<200xi32, #tpu.memory_space<vmem>>, vector<16xi32>,
        tpu.vector_store %arg9[%swap3A_1595], %add3A_1594 {strides = array<i32>} : memref<200xi32, #tpu.memory_space<vmem>>, vector<16xi32>,
        %dma_start3A_1597 = arith.constant 0 : i32
        %dma_start3A_1598 = arith.constant 0 : i32
        %dma_start3A_1599 = tpu.memref_slice %arg7[%dma_start3A_1597, %dma_start3A_1598] : memref<200x64xf32, #tpu.memory_space<vmem>> -> memref<104x64xf32, #tpu.memory_space<vmem>>
        %dma_start3A_1600 = arith.constant 0 : i32
        %dma_start3A_1601 = tpu.memref_slice %arg9[%dma_start3A_1600] : memref<200xi32, #tpu.memory_space<vmem>> -> memref<104xi32, #tpu.memory_space<vmem>>
        %dma_start3A_1602 = arith.constant 0 : i32
        %dma_start3A_1603 = arith.constant 0 : i32
        %dma_start3A_1604 = tpu.memref_slice %arg3[%dma_start3A_1602, %dma_start3A_1603] : memref<1001472x64xf32, #tpu.memory_space<hbm>> -> memref<1001472x64xf32, #tpu.memory_space<hbm>>
        tpu.enqueue_indirect_dma source(%dma_start3A_1604 : memref<1001472x64xf32, #tpu.memory_space<hbm>>) target(%dma_start3A_1599 : memref<104x64xf32, #tpu.memory_space<vmem>>) offsets(%dma_start3A_1601 : memref<104xi32, #tpu.memory_space<vmem>>) semaphore(%arg13 : memref<!tpu.dma_semaphore, #tpu.memory_space<semaphore_mem>>)
        %dma_start3A_1605 = arith.constant 104 : i32
        %dma_start3A_1606 = arith.constant 0 : i32
        %dma_start3A_1607 = tpu.memref_slice %arg7[%dma_start3A_1605, %dma_start3A_1606] : memref<200x64xf32, #tpu.memory_space<vmem>> -> memref<96x64xf32, #tpu.memory_space<vmem>>
        %dma_start3A_1608 = arith.constant 104 : i32
        %dma_start3A_1609 = tpu.memref_slice %arg9[%dma_start3A_1608] : memref<200xi32, #tpu.memory_space<vmem>> -> memref<96xi32, #tpu.memory_space<vmem>>
        %dma_start3A_1610 = arith.constant 0 : i32
        %dma_start3A_1611 = arith.constant 0 : i32
        %dma_start3A_1612 = tpu.memref_slice %arg3[%dma_start3A_1610, %dma_start3A_1611] : memref<1001472x64xf32, #tpu.memory_space<hbm>> -> memref<1001472x64xf32, #tpu.memory_space<hbm>>
        tpu.enqueue_indirect_dma source(%dma_start3A_1612 : memref<1001472x64xf32, #tpu.memory_space<hbm>>) target(%dma_start3A_1607 : memref<96x64xf32, #tpu.memory_space<vmem>>) offsets(%dma_start3A_1609 : memref<96xi32, #tpu.memory_space<vmem>>) semaphore(%arg13 : memref<!tpu.dma_semaphore, #tpu.memory_space<semaphore_mem>>)
      } else {
      }
    }
    %scan3A_711 = arith.constant 64 : i32
    "tpu.region"() ({
      %run_scoped3A = tpu.sem_alloc : memref<!tpu.dma_semaphore, #tpu.memory_space<semaphore_mem>>
      %dma_start3A_712 = arith.constant 0 : i32
      %dma_start3A_713 = tpu.memref_slice %arg4[%mul3A_2, %dma_start3A_712] : memref<4096x64xf32, #tpu.memory_space<hbm>> -> memref<128x64xf32, #tpu.memory_space<hbm>>
      %dma_start3A_714 = arith.constant 0 : i32
      %dma_start3A_715 = tpu.memref_slice %arg4[%mul3A_2, %dma_start3A_714] : memref<4096x64xf32, #tpu.memory_space<hbm>> -> memref<128x64xf32, #tpu.memory_space<hbm>>
      tpu.enqueue_dma source(%arg10 : memref<128x64xf32, #tpu.memory_space<vmem>>) target(%dma_start3A_715 : memref<128x64xf32, #tpu.memory_space<hbm>>) target_semaphore(%run_scoped3A : memref<!tpu.dma_semaphore, #tpu.memory_space<semaphore_mem>>)
      %dma_wait3A = arith.constant 0 : i32
      %dma_wait3A_716 = tpu.memref_slice %arg4[%mul3A_2, %dma_wait3A] : memref<4096x64xf32, #tpu.memory_space<hbm>> -> memref<128x64xf32, #tpu.memory_space<hbm>>
      %dma_wait3A_717 = arith.constant 0 : i32
      %dma_wait3A_718 = tpu.memref_slice %arg4[%mul3A_2, %dma_wait3A_717] : memref<4096x64xf32, #tpu.memory_space<hbm>> -> memref<128x64xf32, #tpu.memory_space<hbm>>
      tpu.wait_dma2 semaphore(%run_scoped3A : memref<!tpu.dma_semaphore, #tpu.memory_space<semaphore_mem>>) src(%arg10 : memref<128x64xf32, #tpu.memory_space<vmem>>) dst(%dma_wait3A_718 : memref<128x64xf32, #tpu.memory_space<hbm>>)
      tpu.yield
    }) : () -> ()
    return
  }
}

module attributes {stable_mosaic.version = 14 : i64} {
  func.func @_detile_body(%arg0: i32, %arg1: memref<64x2048xf32, #tpu.memory_space<vmem>>, %arg2: memref<1024x128xf32, #tpu.memory_space<vmem>>) attributes {dimension_semantics = [#tpu.dimension_semantics<arbitrary>], iteration_bounds = array<i64: 489>, scalar_prefetch = 0 : i64, scratch_operands = 0 : i64, tpu.core_type = #tpu.core_type<tc>, window_params = [{transform_indices = @transform_0, window_bounds = array<i64: 64, 2048>}, {transform_indices = @transform_1, window_bounds = array<i64: 1024, 128>}]} {
    %get3A = arith.constant 0 : index
    %get3A_0 = arith.constant 0 : index
    %get3A_1 = vector.load %arg1[%get3A, %get3A_0] : memref<64x2048xf32, #tpu.memory_space<vmem>>, vector<64x2048xf32>
    %transpose3A = tpu.transpose %get3A_1, [1, 0] : vector<64x2048xf32> -> vector<2048x64xf32>
    %slice3A = vector.extract_strided_slice %transpose3A {offsets = [0, 0], sizes = [1024, 64], strides = [1, 1]} : vector<2048x64xf32> to vector<1024x64xf32>
    %slice3A_2 = vector.extract_strided_slice %transpose3A {offsets = [1024, 0], sizes = [1024, 64], strides = [1, 1]} : vector<2048x64xf32> to vector<1024x64xf32>
    %concatenate3A = tpu.concatenate %slice3A, %slice3A_2 in 1 : vector<1024x64xf32>, vector<1024x64xf32> -> vector<1024x128xf32>
    %swap3A = arith.constant 0 : index
    %swap3A_3 = arith.constant 0 : index
    %swap3A_4 = vector.load %arg2[%swap3A, %swap3A_3] : memref<1024x128xf32, #tpu.memory_space<vmem>>, vector<1024x128xf32>
    tpu.vector_store %arg2[%swap3A, %swap3A_3], %concatenate3A {strides = array<i32>} : memref<1024x128xf32, #tpu.memory_space<vmem>>, vector<1024x128xf32>,
    return
  }
  func.func @transform_0(%arg0: i32) -> (i32, i32) {
    %c0_i32 = arith.constant 0 : i32
    %c0_i32_0 = arith.constant 0 : i32
    return %c0_i32, %arg0 : i32, i32
  }
  func.func @transform_1(%arg0: i32) -> (i32, i32) {
    %c0_i32 = arith.constant 0 : i32
    %c0_i32_0 = arith.constant 0 : i32
    return %arg0, %c0_i32 : i32, i32
  }
}

module attributes {stable_mosaic.version = 14 : i64} {
  func.func @_mm_body(%arg0: memref<4096x64xf32, #tpu.memory_space<vmem>>, %arg1: memref<200x64xf32, #tpu.memory_space<vmem>>, %arg2: memref<1x200xf32, #tpu.memory_space<vmem>>, %arg3: memref<4096x200xf32, #tpu.memory_space<vmem>>) attributes {dimension_semantics = [], scalar_prefetch = 0 : i64, scratch_operands = 0 : i64, tpu.core_type = #tpu.core_type<tc>} {
    %get3A = arith.constant 0 : index
    %get3A_0 = arith.constant 0 : index
    %get3A_1 = vector.load %arg0[%get3A, %get3A_0] : memref<4096x64xf32, #tpu.memory_space<vmem>>, vector<4096x64xf32>
    %get3A_2 = arith.constant 0 : index
    %get3A_3 = arith.constant 0 : index
    %get3A_4 = vector.load %arg1[%get3A_2, %get3A_3] : memref<200x64xf32, #tpu.memory_space<vmem>>, vector<200x64xf32>
    %dot_general3A = arith.constant dense<0.000000e+00> : vector<4096x200xf32>
    %dot_general3A_5 = tpu.matmul %get3A_1, %get3A_4, %dot_general3A {dimension_numbers = #tpu.dot_dimension_numbers<[1], [1], [0], [0], [0, 0, 1, 0], [], []>, transpose_lhs_hint = false} : vector<4096x64xf32>, vector<200x64xf32>, vector<4096x200xf32> -> vector<4096x200xf32>
    %get3A_6 = arith.constant 0 : index
    %get3A_7 = arith.constant 0 : index
    %get3A_8 = vector.load %arg2[%get3A_6, %get3A_7] : memref<1x200xf32, #tpu.memory_space<vmem>>, vector<1x200xf32>
    %add3A = vector.broadcast %get3A_8 : vector<1x200xf32> to vector<4096x200xf32>
    %add3A_9 = arith.addf %dot_general3A_5, %add3A : vector<4096x200xf32>
    %swap3A = arith.constant 0 : index
    %swap3A_10 = arith.constant 0 : index
    %swap3A_11 = vector.load %arg3[%swap3A, %swap3A_10] : memref<4096x200xf32, #tpu.memory_space<vmem>>, vector<4096x200xf32>
    tpu.vector_store %arg3[%swap3A, %swap3A_10], %add3A_9 {strides = array<i32>} : memref<4096x200xf32, #tpu.memory_space<vmem>>, vector<4096x200xf32>,
    return
  }
}

</mosaic_0001>

<sc_bundles>
// kernel: kernel.5.cloned.1.call-start
scs
__scs_entry_jumppad:
0x0: {  	(pc) =	sbr.rel $0x88, $3  }
0x1: {  	(tag) =	ssettag $0x0;
	lr =	simm.s32 $0x1  }
0x2: {  	[smem:$0x3F9D] =	sst lr;
	_ =	strace $0xD0000000  }
0x3: {  	_ = 	snop  }
0x4: {  	_ = 	snop  }
0x5: {  	_ = 	snop  }
0x6: {  	_ = 	snop  }
0x7: {  	_ = 	snop  }
__scs_overlays_trampoline_lowered:
0x8: {  	[smem:$0x3FAC] =	sst s0  }
0x9: {  	[smem:$0x3FAD] =	sst s1  }
0xa: {  	[smem:$0x3FAE] =	sst s2  }
0xb: {  	[smem:$0x3FAF] =	sst s3  }
0xc: {  	[smem:$0x3FB0] =	sst s4  }
0xd: {  	[smem:$0x3FB1] =	sst s5  }
0xe: {  	[smem:$0x3FB2] =	sst s6  }
0xf: {  	[smem:$0x3FB3] =	sst s7  }
0x10: {  	[smem:$0x3FB4] =	sst s8  }
0x11: {  	[smem:$0x3FB5] =	sst s9;
	s0 =	simm.s32 @!p0 $0x0  }
0x12: {  	s1 =	sld [smem:$0x3F9B];
	s0 =	simm.s32 @p0 $0x1  }
0x13: {  	[smem:$0x3FB6] =	sst s0;
	s0 =	simm.s32 @!p1 $0x0  }
0x14: {  	s2 =	sld [smem:$0x3F9A];
	s0 =	simm.s32 @p1 $0x1  }
0x15: {  	[smem:$0x3FB7] =	sst s0;
	s0 =	simm.s32 @!p2 $0x0  }
0x16: {  	s3 =	sld [smem:$0x3FDB];
	s0 =	simm.s32 @p2 $0x1  }
0x17: {  	s4 =	simm.s32 $0x1BF5;
	[smem:$0x3FB9] =	sst s0  }
0x18: {  	s0 =	sld [smem:$0x3F9C];
	_ =	swait.ge [sflag:s4], $0x0  }
0x19: {  	s7 =	sld [smem:$0x3F9D]  }
0x1a: {  	s8 =	sadd.s32 $0xFFFFE003, lr  }
0x1b: {  	s9 =	sadd.s32 $0xFFFFFEF7, lr;
	s5 =	simm.s32 $0xFFFFFFFF;
	p2 =	slt.u32 s8, $0xFFFFF086  }
0x1c: {  	p1 =	slt.u32 s9, $0xF7A;
	s5 =	simm.s32 @!p2 $0x0  }
0x1d: {  	s5 =	simm.s32 @p1 $0x1;
	p0 =	seq.s32 s7, s2  }
0x1e: {  	s7 =	smul.u32 @!p0 $0xF7A, s2;
	p2 =	seq.s32 @!p0 s5, $0x0  }
0x1f: {  	s9 =	smul.u32 $0xF7A, s1;
	s8 =	simm.s32 @!p0 $0x1BF5;
	p2 =	por !p2, p0  }
0x20: {  	[sflag:s8] =	ssyncset.s32 @!p0 $0xFFFFF086;
	s6 =	sadd.s32 @!p0 s3, s7;
	s7 =	simm.s32 @!p0 $0x108  }
0x21: {  	s3 =	sadd.s32 s3, s9;
	s6 =	sadd.s32 @!p0 $0x88, s6;
	s7 =	simm.s32 @p2 $0x1082  }
0x22: {  	[simem:s7], [sflag:s8] =	dma.local @!p0 [hbm:s6], $0xF7A  }
0x23: {  	s9 =	sor.u32 $0xD0000000, s2;
	s6 =	simm.s32 $0x108;
	_ =	swait.ge @!p0 [sflag:s8], $0x0  }
0x24: {  	s3 =	sadd.s32 $0x88, s3;
	s6 =	simm.s32 @!p1 $0x1082;
	[sflag:s4] =	ssyncset.s32 $0xFFFFF086  }
0x25: {  	[simem:s6], [sflag:s4] =	dma.local [hbm:s3], $0xF7A  }
0x26: {  	[smem:$0x3F9D] =	sst s1;
	(tag) =	ssettag s2;
	_ =	strace s9  }
0x27: {  	s1 =	sld [smem:$0x3FAD]  }
0x28: {  	s2 =	sld [smem:$0x3FAE]  }
0x29: {  	s4 =	sld [smem:$0x3FB0]  }
0x2a: {  	p0 =	seq.s32 s5, $0x0;
	s5 =	sld [smem:$0x3FB1]  }
0x2b: {  	s6 =	sld [smem:$0x3FB2]  }
0x2c: {  	s7 =	sld [smem:$0x3FB3]  }
0x2d: {  	s3 =	simm.s32 $0x108;
	s8 =	sld [smem:$0x3FB4]  }
0x2e: {  	s3 =	simm.s32 @!p0 $0x1082;
	s9 =	sld [smem:$0x3FB5]  }
0x2f: {  	lr =	sadd.s32 s0, s3;
	s0 =	sld [smem:$0x3FAC]  }
0x30: {  	s3 =	sld [smem:$0x3FAF]  }
0x31: {  	[smem:$0x3FB8] =	sst s10  }
0x32: {  	s10 =	sld [smem:$0x3FB6];
	_ =	sdelay $0x3  }
0x33: {  	p0 =	seq.s32 s10, $0x1;
	s10 =	sld [smem:$0x3FB8];
	_ =	sdelay $0x3  }
0x34: {  	[smem:$0x3FB8] =	sst s10  }
0x35: {  	s10 =	sld [smem:$0x3FB7];
	_ =	sdelay $0x3  }
0x36: {  	p1 =	seq.s32 s10, $0x1;
	s10 =	sld [smem:$0x3FB8];
	_ =	sdelay $0x3  }
0x37: {  	[smem:$0x3FB8] =	sst s10  }
0x38: {  	s10 =	sld [smem:$0x3FB9]  }
0x39: {  	_ = 	snop;
	(pc) =	sbr.ind lr, $3  }
0x3a: {  	_ = 	snop  }
0x3b: {  	_ = 	snop  }
0x3c: {  	p2 =	seq.s32 s10, $0x1;
	s10 =	sld [smem:$0x3FB8]  }
0x3d: {  	_ =	shalt  }
0x3e: {  	_ =	shalt  }
0x3f: {  	_ =	shalt  }
0x40: {  	_ =	shalt  }
0x41: {  	_ =	shalt  }
0x42: {  	_ =	shalt  }
0x43: {  	_ =	shalt  }
0x44: {  	_ =	shalt  }
0x45: {  	_ =	shalt  }
0x46: {  	_ =	shalt  }
0x47: {  	_ =	shalt  }
0x48: {  	_ =	shalt  }
0x49: {  	_ =	shalt  }
0x4a: {  	_ =	shalt  }
0x4b: {  	_ =	shalt  }
0x4c: {  	_ =	shalt  }
0x4d: {  	_ =	shalt  }
0x4e: {  	_ =	shalt  }
0x4f: {  	_ =	shalt  }
0x50: {  	_ =	shalt  }
0x51: {  	_ =	shalt  }
0x52: {  	_ =	shalt  }
0x53: {  	_ =	shalt  }
0x54: {  	_ =	shalt  }
0x55: {  	_ =	shalt  }
0x56: {  	_ =	shalt  }
0x57: {  	_ =	shalt  }
0x58: {  	_ =	shalt  }
0x59: {  	_ =	shalt  }
0x5a: {  	_ =	shalt  }
0x5b: {  	_ =	shalt  }
0x5c: {  	_ =	shalt  }
0x5d: {  	_ =	shalt  }
0x5e: {  	_ =	shalt  }
0x5f: {  	_ =	shalt  }
0x60: {  	_ =	shalt  }
0x61: {  	_ =	shalt  }
0x62: {  	_ =	shalt  }
0x63: {  	_ =	shalt  }
0x64: {  	_ =	shalt  }
0x65: {  	_ =	shalt  }
0x66: {  	_ =	shalt  }
0x67: {  	_ =	shalt  }
0x68: {  	_ =	shalt  }
0x69: {  	_ =	shalt  }
0x6a: {  	_ =	shalt  }
0x6b: {  	_ =	shalt  }
0x6c: {  	_ =	shalt  }
0x6d: {  	_ =	shalt  }
0x6e: {  	_ =	shalt  }
0x6f: {  	_ =	shalt  }
0x70: {  	_ =	shalt  }
0x71: {  	_ =	shalt  }
0x72: {  	_ =	shalt  }
0x73: {  	_ =	shalt  }
0x74: {  	_ =	shalt  }
0x75: {  	_ =	shalt  }
0x76: {  	_ =	shalt  }
0x77: {  	_ =	shalt  }
0x78: {  	_ =	shalt  }
0x79: {  	_ =	shalt  }
0x7a: {  	_ =	shalt  }
0x7b: {  	_ =	shalt  }
0x7c: {  	_ =	shalt  }
0x7d: {  	_ =	shalt  }
0x7e: {  	_ =	shalt  }
0x7f: {  	_ =	shalt  }
0x80: {  	_ =	shalt  }
0x81: {  	_ =	shalt  }
0x82: {  	_ =	shalt  }
0x83: {  	_ =	shalt  }
0x84: {  	_ =	shalt  }
0x85: {  	_ =	shalt  }
0x86: {  	_ =	shalt  }
0x87: {  	_ =	shalt  }
.Lfunc_end0:
.L_simem_size_0:
called_computation_lowered:
.L_overlay_start_0:
0x88: {  	s2 =	sld [smem:$0x3FD9]  }
0x89: {  	s3 =	sld [smem:$0x3FFE];
	_ =	sdelay $0x1  }
0x8a: {  	s1 =	srdreg.scid  }
0x8b: {  	s0 =	sand.u32 $0x1, s1  }
0x8c: {  	s17 =	sshll.u32 s0, $0xA;
	s2 =	sadd.s32 s3, s2  }
0x8d: {  	s2 =	sadd.s32 s2, s17  }
0x8e: {  	[smem:$0x3FC4] =	sst s2  }
0x8f: {  	_ = 	snop  }
0x90: {  	s2 =	sld [smem:$0x3FD0];
	(tm) =	ssettm $0x1  }
0x91: {  	s18 =	sld [smem:$0x3FFB];
	_ =	sdelay $0x3  }
0x92: {  	_ =	strace s18  }
0x93: {  	s3 =	sld [smem:$0x3FFC];
	_ =	sdelay $0x3  }
0x94: {  	_ =	strace s3  }
0x95: {  	s3 =	sld [smem:$0x3FFD];
	_ =	sdelay $0x3  }
0x96: {  	_ =	strace s3  }
0x97: {  	_ =	strace $0x8FFFFFFF  }
0x98: {  	s19 =	sld [smem:$0x3FDB];
	_ =	sdelay $0x1  }
0x99: {  	s4 =	simm.s32 $_scs_section_size  }
0x9a: {  	s5 =	simm.s32 $_size__tile_overlayer_lowered;
	s6 =	simm.s32 $_tile_overlayer_lowered  }
0x9b: {  	s22 =	simm.s32 $0x1BFF;
	s21 =	sshll.u32 s6, $0x1;
	s3 =	sadd.s32 s4, s19  }
0x9c: {  	s7 =	simm.s32 $0x0;
	s20 =	sshll.u32 s5, $0x1;
	s5 =	sadd.s32 s21, s3  }
0x9d: {  	[timem:s7], [sflag:s22] =	dma.local [hbm:s5], s20  }
0x9e: {  	_ =	swait.ge [sflag:s22], s20  }
0x9f: {  	s4 =	ssub.s32 $0x0, s20;
	[sflag:s22] =	ssyncset.done $0x0  }
0xa0: {  	[sflag:s22] =	ssyncadd.s32 s4;
	_ =	sdelay $0x1  }
0xa1: {  	s23 =	simm.s32 $0x1B8B  }
0xa2: {  	_ =	swait.ge [sflag:s23], $0x1  }
0xa3: {  	[sflag:s23] =	ssyncset.done $0x0  }
0xa4: {  	s25 =	simm.s32 $0x1B8E;
	s24 =	sld [smem:$0x3FFE];
	[sflag:s23] =	ssyncadd.s32 $0xFFFFFFFF  }
0xa5: {  	s26 =	simm.s32 $execute0_lowered;
	[smem:$0x3FD2] =	sst s25  }
0xa6: {  	s5 =	sshll.u32 s26, $0x1;
	_ =	strace $0x80000046;
	[dreg:$0x1] =	wrdreg $0xFFFFFFFF  }
0xa7: {  	s28 =	simm.s32 $_size_execute0_lowered;
	s3 =	sadd.s32 s3, s5;
	[dreg:$0x0] =	wrdreg $0x0  }
0xa8: {  	s5 =	sshll.u32 s28, $0x1;
	[dreg:$0x2] =	wrdreg s3  }
0xa9: {  	[dreg:$0x3] =	wrdreg s5  }
0xaa: {  	[dreg:$0x4] =	wrdreg $0xC0  }
0xab: {  	_ =	task [dreg:s7], $0x5FFFF  }
0xac: {  	[dreg:$0x1] =	wrdreg $0xFFFFFFFF  }
0xad: {  	[dreg:$0x0] =	wrdreg $0x60  }
0xae: {  	[dreg:$0x2] =	wrdreg s2  }
0xaf: {  	[dreg:$0x3] =	wrdreg s24  }
0xb0: {  	[dreg:$0x4] =	wrdreg $0x9  }
0xb1: {  	_ =	task.clear_ibuf [dreg:s7], $0x5FFFF;
	_ =	strace $0x90000046  }
0xb2: {  	s29 =	simm.s32 $0x9;
	_ =	strace $0x80000048  }
0xb3: {  	_ =	swait.ge [sflag:s29], $0x1  }
0xb4: {  	[sflag:s29] =	ssyncadd.s32 $0xFFFFFFFF  }
0xb5: {  	_ =	strace $0x90000048  }
0xb6: {  	_ =	sfence  }
0xb7: {  	s30 =	sld [smem:$0x0];
	_ =	sdelay $0x2  }
0xb8: {  	s31 =	sshll.u32 s1, $0xD;
	s1 =	sshrl.u32 s1, $0x2  }
0xb9: {  	s3 =	sand.u32 $0x4000, s31;
	s1 =	sadd.s32 s1, s30  }
0xba: {  	s0 =	sor.u32 s3, s0;
	s1 =	sshll.u32 s1, $0x11  }
0xbb: {  	s0 =	sor.u32 s1, s0  }
0xbc: {  	s0 =	sadd.s32 $0x8F2B, s0  }
0xbd: {  	[sflag:s0] =	ssyncadd.remote.s32 $0x1  }
0xbe: {  	_ =	sfence.sel $0xFFFF  }
0xbf: {  	[dreg:$0x0] =	wrdreg $0xFFFFFFFF;
	(pc) =	sbr.abs _section_cstart, $3  }
0xc0: {  	[dreg:$0x1] =	wrdreg $0xFFFFFFFF  }
0xc1: {  	_ =	task.clear_ibuf [dreg:s7], $0x2FFFF;
	_ =	strace $0x9FFFFFFF  }
0xc2: {  	(tm) =	ssettm $0x7FFFFFFF  }
0xc3: {  	_ =	shalt  }
tec
execute0_lowered:
.L_overlay_start_1:
0x0: {  	(tag) =	ssettag $0x1  }
0x1: {  	s4 =	rddreg [dreg:$0x0]  }
0x2: {  	s5 =	rddreg [dreg:$0x1]  }
0x3: {  	s0 =	rddreg [dreg:$0x2];
	s3 =	srdreg.scid;
	s2 =	simm.s32 $0x0  }
0x4: {  	s1 =	stileid.u32;
	s10 =	simm.s32 $0xE9D0;
	s11 =	simm.s32 $0x68  }
0x5: {  	s12 =	simm.s32 $0xC800;
	s13 =	simm.s32 $0x6400;
	s14 =	simm.s32 $0x60  }
0x6: {  	s15 =	simm.s32 $0xC868;
	s16 =	simm.s32 $0x7E00;
	s17 =	simm.s32 $0xC8C8  }
0x7: {  	s18 =	simm.s32 $0x9600;
	s19 =	simm.s32 $0xC930;
	s20 =	simm.s32 $0xB000  }
0x8: {  	s21 =	simm.s32 $0x1;
	s22 =	simm.s32 $0x2;
	s23 =	simm.s32 $0xC990  }
0x9: {  	s24 =	simm.s32 $0x0;
	s3 =	sand.u32 $0x1, s3;
	[smem:$0x7FF] =	sst s2  }
0xa: {  	s6 =	sshll.u32 s1, $0x8;
	s7 =	sshll.u32 s3, $0x7;
	_ =	strace $0x80000047  }
.Ltmp0:
0xb: {  	s31 =	ssub.s32 $0x2, s3;
	s6 =	sor.u32 s7, s6;
	(pc) =	sbr.rel .LBB2_1-.Ltmp0, $4  }
0xc: {  	s3 =	sadd.s32 $0x800, s5;
	s9 =	sshrl.u32 s31, $0x1;
	s8 =	sshll.u32 s6, $0x3  }
0xd: {  	s6 =	smul.u32 $0x19, s6;
	s7 =	ssub.s32 s31, s9;
	s9 =	simm.s32 $0xE990  }
0xe: {  	s8 =	sadd.s32 s8, s5;
	s5 =	sadd.s32 $0x810, s5;
	s7 =	smax.u32 s7, $0x1  }
0xf: {  	vm0 =	vcmask $0x3F20;
	s4 =	sadd.s32 s4, s6;
	s6 =	sadd.s32 $0x7A4800, s8;
	s8 =	simm.s32 $0x3  }
.LBB2_10:
0x10: {  	s24 =	sadd.s32 $0x1, s24  }
0x11: {  	p0 =	sne.s32 s24, s7  }
.Ltmp1:
0x12: {  	_ = 	snop;
	(pc) =	sbr.rel @!p0 .LBB2_11-.Ltmp1, $4  }
0x13: {  	[hbm4b:s6+s2] =	stream.linear.scatter [tilespmem:s23], [sflag:$0x3], $0x2000, $0x38;
	[tilespmem:$0xEA10] =	vst v63  }
0x14: {  	_ =	swait.ge [sflag:s8], $0x2000  }
0x15: {  	[sflag:s8] =	ssyncset.done $0x0  }
0x16: {  	[sflag:s8] =	ssyncadd.s32 $0xFFFFE000  }
.LBB2_1:
0x17: {  	[tilespmem:s2], [sflag:$0x3] =	stream.linear.gather [hbm4b:s4+s2], $0x6400, $0x38;
	[tilespmem:$0xEA10] =	vst v63  }
0x18: {  	_ =	swait.ge [sflag:s8], $0x6400  }
0x19: {  	[sflag:s8] =	ssyncset.done $0x0  }
0x1a: {  	[sflag:s8] =	ssyncadd.s32 $0xFFFF9C00  }
0x1b: {  	[tilespmem:s9], [sflag:$0x3] =	stream.linear.gather [hbm4b:s3+s2], $0x40, $0x38;
	[tilespmem:$0xEA10] =	vst v63  }
0x1c: {  	_ =	swait.ge [sflag:s8], $0x40  }
0x1d: {  	[sflag:s8] =	ssyncset.done $0x0  }
0x1e: {  	[sflag:s8] =	ssyncadd.s32 $0xFFFFFFC0  }
0x1f: {  	[tilespmem:s10], [sflag:$0x3] =	stream.linear.gather [hbm4b:s5+s2], $0x40, $0x38;
	[tilespmem:$0xEA10] =	vst v63  }
0x20: {  	_ =	swait.ge [sflag:s8], $0x40  }
0x21: {  	[sflag:s8] =	ssyncset.done $0x0  }
0x22: {  	[sflag:s8] =	ssyncadd.s32 $0xFFFFFFC0  }
0x23: {  	v0 =	vld [tilespmem:$0x0]  }
0x24: {  	v1 =	vld [tilespmem:$0x10]  }
0x25: {  	v3 =	vld [tilespmem:$0x20]  }
0x26: {  	v5 =	vld [tilespmem:$0x30]  }
0x27: {  	v19 =	vld [tilespmem:$0x40]  }
0x28: {  	v7 =	vld [tilespmem:$0x50]  }
0x29: {  	v8 =	vld [tilespmem:$0x60];
	v2 =	vshll.u32 v0, $0x1;
	v4 =	vand.u32 $0xFFFFF800, v0;
	v0 =	vshrl.u32 v0, $0xA  }
0x2a: {  	v26 =	vld [tilespmem:$0x70];
	v18 =	vshll.u32 v1, $0x1;
	v6 =	vand.u32 $0xFFFFF800, v1;
	v1 =	vshrl.u32 v1, $0xA  }
0x2b: {  	v10 =	vld [tilespmem:$0x80];
	v20 =	vshll.u32 v3, $0x1;
	v21 =	vand.u32 $0xFFFFF800, v3;
	v3 =	vshrl.u32 v3, $0xA  }
0x2c: {  	v11 =	vld [tilespmem:$0x90];
	v22 =	vshll.u32 v5, $0x1;
	v23 =	vand.u32 $0xFFFFF800, v5;
	v24 =	vshrl.u32 v5, $0xA  }
0x2d: {  	v35 =	vld [tilespmem:$0xA0];
	v25 =	vshll.u32 v19, $0x1;
	v9 =	vand.u32 $0xFFFFF800, v19;
	v28 =	vshll.u32 v7, $0x1  }
0x2e: {  	v42 =	vld [tilespmem:$0xB0];
	v29 =	vand.u32 $0xFFFFF800, v7;
	v7 =	vshrl.u32 v7, $0xA;
	v31 =	vshll.u32 v8, $0x1  }
0x2f: {  	v47 =	vld [tilespmem:$0xB8];
	v32 =	vand.u32 $0xFFFFF800, v8;
	v33 =	vshrl.u32 v8, $0xA;
	v34 =	vshll.u32 v26, $0x1  }
0x30: {  	v12 =	vand.u32 $0xFFFFF800, v26;
	v37 =	vshll.u32 v10, $0x1;
	v38 =	vand.u32 $0xFFFFF800, v10  }
0x31: {  	v39 =	vshrl.u32 v10, $0xA;
	v41 =	vshll.u32 v11, $0x1;
	v43 =	vand.u32 $0xFFFFF800, v11  }
0x32: {  	v45 =	vshrl.u32 v11, $0xA;
	v46 =	vshll.u32 v35, $0x1;
	v48 =	vand.u32 $0xFFFFF800, v35  }
0x33: {  	v49 =	vshrl.u32 v35, $0xA;
	v52 =	vshll.u32 v42, $0x1;
	v53 =	vand.u32 $0xFFFFF800, v42  }
0x34: {  	v54 =	vshrl.u32 v42, $0xA;
	v57 =	vshll.u32 v47, $0x1;
	v58 =	vand.u32 $0xFFFFF800, v47  }
0x35: {  	v59 =	vshrl.u32 v47, $0xA;
	v2 =	vand.u32 $0x7FE, v2;
	v0 =	vand.u32 $0x1, v0  }
0x36: {  	v1 =	vand.u32 $0x1, v1;
	v3 =	vand.u32 $0x1, v3;
	v5 =	vand.u32 $0x7FE, v25  }
0x37: {  	v30 =	vand.u32 $0x1, v7;
	v7 =	vand.u32 $0x7FE, v31;
	v8 =	vand.u32 $0x7FE, v34  }
0x38: {  	v40 =	vand.u32 $0x1, v39;
	v44 =	vand.u32 $0x7FE, v41;
	v50 =	vand.u32 $0x1, v49  }
0x39: {  	v2 =	vor.u32 v4, v2;
	v4 =	vand.u32 $0x7FE, v18;
	v5 =	vor.u32 v9, v5  }
0x3a: {  	v9 =	vshrl.u32 v26, $0xA;
	v8 =	vor.u32 v12, v8;
	v4 =	vor.u32 v6, v4  }
0x3b: {  	v0 =	vor.u32 v0, v2;
	v2 =	vand.u32 $0x7FE, v20;
	v6 =	vshrl.u32 v19, $0xA  }
0x3c: {  	v9 =	vand.u32 $0x1, v9;
	v1 =	vor.u32 v1, v4;
	v2 =	vor.u32 v21, v2;
	[tilespmem:$0xC800] =	vst v0  }
0x3d: {  	v4 =	vand.u32 $0x7FE, v22;
	v6 =	vand.u32 $0x1, v6;
	v36 =	vor.u32 v9, v8;
	[tilespmem:$0xC810] =	vst v1  }
0x3e: {  	v8 =	vand.u32 $0x7FE, v37;
	v2 =	vor.u32 v3, v2;
	v3 =	vor.u32 v23, v4;
	[tilespmem:$0xC870] =	vst v36  }
0x3f: {  	v4 =	vand.u32 $0x1, v24;
	v27 =	vor.u32 v6, v5;
	v5 =	vand.u32 $0x7FE, v28;
	[tilespmem:$0xC820] =	vst v2  }
0x40: {  	v6 =	vor.u32 v32, v7;
	v7 =	vand.u32 $0x1, v33;
	v3 =	vor.u32 v4, v3;
	[tilespmem:$0xC840] =	vst v27  }
0x41: {  	v0 =	vor.u32 v38, v8;
	v1 =	vor.u32 v43, v44;
	v6 =	vor.u32 v7, v6;
	[tilespmem:$0xC830] =	vst v3  }
0x42: {  	v5 =	vor.u32 v29, v5;
	v0 =	vor.u32 v40, v0;
	v3 =	vand.u32 $0x7FE, v46;
	[tilespmem:$0xC860] =	vst v6  }
0x43: {  	v2 =	vand.u32 $0x1, v45;
	v5 =	vor.u32 v30, v5;
	[tilespmem:$0xC880] =	vst v0;
	v3 =	vor.u32 v48, v3  }
0x44: {  	v1 =	vor.u32 v2, v1;
	[tilespmem:$0xC850] =	vst v5;
	v51 =	vor.u32 v50, v3;
	v3 =	vand.u32 $0x7FE, v52  }
0x45: {  	v56 =	vand.u32 $0x1, v54;
	v4 =	vand.u32 $0x7FE, v57;
	[tilespmem:$0xC890] =	vst v1;
	v55 =	vor.u32 v53, v3  }
0x46: {  	v60 =	vand.u32 $0x1, v59;
	v1 =	vor.u32 v58, v4;
	[tilespmem:$0xC8A0] =	vst v51;
	v0 =	vor.u32 v56, v55  }
0x47: {  	v61 =	vor.u32 v60, v1;
	[tilespmem:$0xC8B0] =	vst v0  }
0x48: {  	[tilespmem:$0xC8B8] =	vst v61  }
0x49: {  	[tilespmem:s13], [sflag:$0x1] =	stream.indirect.gather [hbm4b:s3+s11], $0x40, s12, s11, $0xb8;
	[tilespmem:$0xEA10] =	vst v63  }
0x4a: {  	_ = 	snop  }
0x4b: {  	[tilespmem:s16], [sflag:$0x1] =	stream.indirect.gather [hbm4b:s3+s14], $0x40, s15, s14, $0xb8;
	[tilespmem:$0xEA10] =	vst v63  }
0x4c: {  	v62 =	vld [tilespmem:$0xC8]  }
0x4d: {  	v63 =	vld [tilespmem:$0xD8]  }
0x4e: {  	v10 =	vld [tilespmem:$0xE8]  }
0x4f: {  	v13 =	vld [tilespmem:$0xF8]  }
0x50: {  	v15 =	vld [tilespmem:$0x108]  }
0x51: {  	v19 =	vld [tilespmem:$0x118]  }
0x52: {  	v23 =	vld [tilespmem:$0x128];
	v9 =	vshll.u32 v62, $0x1;
	v11 =	vand.u32 $0xFFFFF800, v62;
	v0 =	vshrl.u32 v62, $0xA  }
0x53: {  	v25 =	vld [tilespmem:$0x138];
	v12 =	vshll.u32 v63, $0x1;
	v14 =	vand.u32 $0xFFFFF800, v63;
	v1 =	vshrl.u32 v63, $0xA  }
0x54: {  	v31 =	vld [tilespmem:$0x148];
	v16 =	vshll.u32 v10, $0x1;
	v17 =	vand.u32 $0xFFFFF800, v10;
	v3 =	vshrl.u32 v10, $0xA  }
0x55: {  	v35 =	vld [tilespmem:$0x158];
	v18 =	vshll.u32 v13, $0x1;
	v20 =	vand.u32 $0xFFFFF800, v13;
	v21 =	vshrl.u32 v13, $0xA  }
0x56: {  	v37 =	vld [tilespmem:$0x168];
	v22 =	vshll.u32 v15, $0x1;
	v24 =	vand.u32 $0xFFFFF800, v15;
	v6 =	vshrl.u32 v15, $0xA  }
0x57: {  	v44 =	vld [tilespmem:$0x178];
	v27 =	vshll.u32 v19, $0x1;
	v28 =	vand.u32 $0xFFFFF800, v19;
	v7 =	vshrl.u32 v19, $0xA  }
0x58: {  	v49 =	vld [tilespmem:$0x180];
	v30 =	vshll.u32 v23, $0x1;
	v32 =	vand.u32 $0xFFFFF800, v23;
	v33 =	vshrl.u32 v23, $0xA  }
0x59: {  	v34 =	vshll.u32 v25, $0x1;
	v36 =	vand.u32 $0xFFFFF800, v25;
	v39 =	vshll.u32 v31, $0x1  }
0x5a: {  	v40 =	vand.u32 $0xFFFFF800, v31;
	v41 =	vshrl.u32 v31, $0xA;
	v43 =	vshll.u32 v35, $0x1  }
0x5b: {  	v45 =	vand.u32 $0xFFFFF800, v35;
	v47 =	vshrl.u32 v35, $0xA;
	v48 =	vshll.u32 v37, $0x1  }
0x5c: {  	v50 =	vand.u32 $0xFFFFF800, v37;
	v51 =	vshrl.u32 v37, $0xA;
	v54 =	vshll.u32 v44, $0x1  }
0x5d: {  	v55 =	vand.u32 $0xFFFFF800, v44;
	v56 =	vshrl.u32 v44, $0xA;
	v59 =	vshll.u32 v49, $0x1  }
0x5e: {  	v60 =	vand.u32 $0xFFFFF800, v49;
	v61 =	vshrl.u32 v49, $0xA;
	v2 =	vand.u32 $0x7FE, v9  }
0x5f: {  	v4 =	vand.u32 $0x7FE, v12;
	v0 =	vand.u32 $0x1, v0;
	v1 =	vand.u32 $0x1, v1  }
0x60: {  	v3 =	vand.u32 $0x1, v3;
	v5 =	vand.u32 $0x7FE, v22;
	v6 =	vand.u32 $0x1, v6  }
0x61: {  	v29 =	vand.u32 $0x1, v7;
	v7 =	vand.u32 $0x7FE, v30;
	v8 =	vand.u32 $0x7FE, v34  }
0x62: {  	v9 =	vshrl.u32 v25, $0xA;
	v42 =	vand.u32 $0x1, v41;
	v46 =	vand.u32 $0x7FE, v43  }
0x63: {  	v52 =	vand.u32 $0x1, v51;
	v2 =	vor.u32 v11, v2;
	v4 =	vor.u32 v14, v4  }
0x64: {  	v5 =	vor.u32 v24, v5;
	v8 =	vor.u32 v36, v8;
	v0 =	vor.u32 v0, v2  }
0x65: {  	v9 =	vand.u32 $0x1, v9;
	v1 =	vor.u32 v1, v4;
	v2 =	vand.u32 $0x7FE, v16;
	[tilespmem:$0xC8C8] =	vst v0  }
0x66: {  	v4 =	vand.u32 $0x7FE, v18;
	v26 =	vor.u32 v6, v5;
	v5 =	vand.u32 $0x7FE, v27;
	[tilespmem:$0xC8D8] =	vst v1  }
0x67: {  	v6 =	vor.u32 v32, v7;
	v7 =	vand.u32 $0x1, v33;
	v38 =	vor.u32 v9, v8;
	[tilespmem:$0xC908] =	vst v26  }
0x68: {  	v8 =	vand.u32 $0x7FE, v39;
	v2 =	vor.u32 v17, v2;
	v6 =	vor.u32 v7, v6;
	[tilespmem:$0xC938] =	vst v38  }
0x69: {  	v2 =	vor.u32 v3, v2;
	v3 =	vor.u32 v20, v4;
	v4 =	vand.u32 $0x1, v21;
	[tilespmem:$0xC928] =	vst v6  }
0x6a: {  	v5 =	vor.u32 v28, v5;
	v0 =	vor.u32 v40, v8;
	v3 =	vor.u32 v4, v3;
	[tilespmem:$0xC8E8] =	vst v2  }
0x6b: {  	v1 =	vor.u32 v45, v46;
	v5 =	vor.u32 v29, v5;
	[tilespmem:$0xC8F8] =	vst v3;
	v3 =	vand.u32 $0x7FE, v48  }
0x6c: {  	v0 =	vor.u32 v42, v0;
	[tilespmem:$0xC918] =	vst v5;
	v2 =	vand.u32 $0x1, v47;
	v3 =	vor.u32 v50, v3  }
0x6d: {  	[tilespmem:$0xC948] =	vst v0;
	v1 =	vor.u32 v2, v1;
	v53 =	vor.u32 v52, v3;
	v3 =	vand.u32 $0x7FE, v54  }
0x6e: {  	v58 =	vand.u32 $0x1, v56;
	v4 =	vand.u32 $0x7FE, v59;
	[tilespmem:$0xC958] =	vst v1;
	v57 =	vor.u32 v55, v3  }
0x6f: {  	v62 =	vand.u32 $0x1, v61;
	v1 =	vor.u32 v60, v4;
	[tilespmem:$0xC968] =	vst v53;
	v0 =	vor.u32 v58, v57  }
0x70: {  	v63 =	vor.u32 v62, v1;
	[tilespmem:$0xC978] =	vst v0  }
0x71: {  	[tilespmem:$0xC980] =	vst v63  }
0x72: {  	[tilespmem:s18], [sflag:$0x2] =	stream.indirect.gather [hbm4b:s3+s11], $0x40, s17, s11, $0xb8;
	[tilespmem:$0xEA10] =	vst v63  }
0x73: {  	s25 =	simm.s32 $0x0  }
0x74: {  	[tilespmem:s20], [sflag:$0x2] =	stream.indirect.gather [hbm4b:s3+s14], $0x40, s19, s14, $0xb8;
	[tilespmem:$0xEA10] =	vst v63  }
.LBB2_2:
0x75: {  	_ =	swait.ge [sflag:s21], $0x1A00  }
0x76: {  	[sflag:s21] =	ssyncset.done $0x0  }
0x77: {  	[sflag:s21] =	ssyncadd.s32 $0xFFFFE600  }
0x78: {  	s26 =	smul.u32 $0x640, s25;
	_ =	swait.ge [sflag:s21], $0x1800  }
0x79: {  	[sflag:s21] =	ssyncset.done $0x0  }
0x7a: {  	s26 =	sshra.s32 s26, $0x2;
	[sflag:s21] =	ssyncadd.s32 $0xFFFFE800  }
0x7b: {  	v0 =	vld [tilespmem:s26+$0x0]  }
0x7c: {  	v3 =	vld [tilespmem:s26+$0x10]  }
0x7d: {  	v7 =	vld [tilespmem:s26+$0x20];
	_ =	sdelay $0x1  }
0x7e: {  	v31 =	vimm.f32 $0.0e+00;
	v8 =	vld [tilespmem:s26+$0x30]  }
0x7f: {  	v23 =	vimm.f32 $0.0e+00;
	vm1 =	veq.s32 v0, $0x0;
	vm2 =	veq.s32 v0, $0x1;
	v0 =	vld [tilespmem:s26+$0x40]  }
0x80: {  	v13 =	vld [tilespmem:s26+$0x50];
	v2 =	vmpcnt.ones.xlane vm1;
	v1 =	vmpcnt.ones.xlane vm2;
	vm1 =	veq.s32 v3, $0x0  }
0x81: {  	vm2 =	veq.s32 v7, $0x0;
	v4 =	vmpcnt.ones.xlane vm1;
	vm1 =	veq.s32 v3, $0x1  }
0x82: {  	v6 =	vmpcnt.ones.xlane vm2;
	v3 =	vld [tilespmem:s26+$0x60];
	v5 =	vmpcnt.ones.xlane vm1;
	vm1 =	veq.s32 v7, $0x1  }
0x83: {  	v14 =	vld [tilespmem:s26+$0x70];
	vm2 =	veq.s32 v8, $0x1;
	v7 =	vmpcnt.ones.xlane vm1;
	vm1 =	veq.s32 v8, $0x0  }
0x84: {  	v15 =	vld [tilespmem:s26+$0x80];
	v8 =	vmpcnt.ones.xlane vm2;
	v9 =	vmpcnt.ones.xlane vm1;
	vm1 =	veq.s32 v0, $0x0  }
0x85: {  	vm2 =	veq.s32 v13, $0x0;
	v10 =	vmpcnt.ones.xlane vm1;
	vm1 =	veq.s32 v0, $0x1  }
0x86: {  	v12 =	vmpcnt.ones.xlane vm2;
	v0 =	vld [tilespmem:s26+$0x90];
	v11 =	vmpcnt.ones.xlane vm1;
	vm1 =	veq.s32 v13, $0x1  }
0x87: {  	vm2 =	veq.s32 v3, $0x1;
	v13 =	vmpcnt.ones.xlane vm1;
	vm1 =	veq.s32 v3, $0x0;
	v3 =	vld [tilespmem:s26+$0xA0]  }
0x88: {  	v20 =	vld [tilespmem:s26+$0xB0];
	v16 =	vmpcnt.ones.xlane vm2;
	v17 =	vmpcnt.ones.xlane vm1;
	vm1 =	veq.s32 v14, $0x0  }
0x89: {  	vm2 =	veq.s32 v15, $0x0;
	v18 =	vmpcnt.ones.xlane vm1;
	vm1 =	veq.s32 v14, $0x1  }
0x8a: {  	v21 =	vmpcnt.ones.xlane vm2;
	v14 =	vld [tilespmem:s26+$0xB8];
	v19 =	vmpcnt.ones.xlane vm1;
	vm1 =	veq.s32 v15, $0x1  }
0x8b: {  	vm2 =	veq.s32 v0, $0x1;
	v22 =	vmpcnt.ones.xlane vm1;
	vm1 =	veq.s32 v0, $0x0  }
0x8c: {  	v24 =	vmpcnt.ones.xlane vm2;
	v25 =	vmpcnt.ones.xlane vm1;
	vm1 =	veq.s32 v3, $0x0  }
0x8d: {  	s29 =	simm.s32 $0x0;
	vm2 =	veq.s32 v20, $0x0;
	v26 =	vmpcnt.ones.xlane vm1;
	vm1 =	veq.s32 v3, $0x1  }
0x8e: {  	v15 =	vimm.f32 $0.0e+00;
	v0 =	vld [tilespmem:s29+$0x6430];
	v29 =	vmpcnt.ones.xlane vm2;
	v27 =	vmpcnt.ones.xlane vm1  }
0x8f: {  	v28 =	vld [tilespmem:s29+$0x6400];
	vm1 =	veq.s32 v20, $0x1;
	vm2 =	veq.s32 v14, $0x0;
	vm3 =	veq.s32 v14, $0x1  }
0x90: {  	v20 =	vld [tilespmem:s29+$0x6410];
	v30 =	vmpcnt.ones.xlane vm1;
	vm1 =	vmand vm2, vm0;
	vm2 =	vmand vm3, vm0  }
0x91: {  	s28 =	simm.s32 $0x100;
	v3 =	vimm.f32 $0.0e+00;
	v14 =	vld [tilespmem:s29+$0x6420];
	v33 =	vmpcnt.ones.xlane vm1;
	v32 =	vmpcnt.ones.xlane vm2  }
.LBB2_3:
0x92: {  	p0 =	sne.s32 s28, $0xC700  }
.Ltmp2:
0x93: {  	s29 =	sshra.s32 s28, $0x2;
	s28 =	sadd.s32 $0x100, s28;
	v3 =	vadd.f32 v0, v3;
	(pc) =	sbr.rel @p0 .LBB2_3-.Ltmp2, $4  }
0x94: {  	v0 =	vld [tilespmem:s29+$0x6430];
	v31 =	vadd.f32 v28, v31  }
0x95: {  	v28 =	vld [tilespmem:s29+$0x6400];
	v23 =	vadd.f32 v20, v23  }
0x96: {  	v20 =	vld [tilespmem:s29+$0x6410];
	v15 =	vadd.f32 v14, v15  }
0x97: {  	v14 =	vld [tilespmem:s29+$0x6420]  }
0x98: {  	v2 =	vadd.s32 v2, v4  }
0x99: {  	v2 =	vadd.s32 v6, v2  }
0x9a: {  	v1 =	vadd.s32 v1, v5;
	v2 =	vadd.s32 v9, v2  }
0x9b: {  	v1 =	vadd.s32 v7, v1;
	v2 =	vadd.s32 v10, v2  }
0x9c: {  	v1 =	vadd.s32 v8, v1;
	v2 =	vadd.s32 v12, v2  }
0x9d: {  	v1 =	vadd.s32 v11, v1;
	v2 =	vadd.s32 v17, v2  }
0x9e: {  	v1 =	vadd.s32 v13, v1;
	v2 =	vadd.s32 v18, v2  }
0x9f: {  	v1 =	vadd.s32 v16, v1;
	v2 =	vadd.s32 v21, v2  }
0xa0: {  	v1 =	vadd.s32 v19, v1;
	v2 =	vadd.s32 v25, v2  }
0xa1: {  	v1 =	vadd.s32 v22, v1;
	v2 =	vadd.s32 v26, v2  }
0xa2: {  	v1 =	vadd.s32 v24, v1;
	v2 =	vadd.s32 v29, v2  }
0xa3: {  	v1 =	vadd.s32 v27, v1;
	v2 =	vadd.s32 v33, v2  }
0xa4: {  	v1 =	vadd.s32 v30, v1;
	v2 =	vcvt.s32.f32 v2  }
0xa5: {  	v1 =	vadd.s32 v32, v1  }
0xa6: {  	v1 =	vcvt.s32.f32 v1;
	v54 =	vsub.f32 $2.000000000e+02, v2;
	_ =	sdelay $0x1  }
0xa7: {  	v4 =	vsub.f32 v54, v1  }
0xa8: {  	v55 =	vld [tilespmem:$0xE990]  }
0xa9: {  	(erf) = vrcp.f32 v4  }
0xaa: {  	v56 =	vld [tilespmem:$0xE9D0];
	_ =	sdelay $0x2  }
0xab: {  	v57 =	vadd.f32 v28, v31;
	v5 =	vmul.f32 v2, v55;
	_ =	sdelay $0x1  }
0xac: {  	v5 =	vsub.f32 v57, v5;
	v4 =	vmul.f32 v1, v56;
	_ =	sdelay $0x1  }
0xad: {  	v4 =	vsub.f32 v5, v4  }
0xae: {  	v58 =	vpop (erf)  }
0xaf: {  	s28 =	sshll.u32 s25, $0x7;
	v4 =	vmul.f32 v4, v58  }
0xb0: {  	s28 =	sand.u32 $0x3FFFFF80, s28  }
0xb1: {  	[tilespmem:s28+$0xC990] =	vst v4  }
0xb2: {  	v4 =	vld [tilespmem:$0xE9A0];
	_ =	sdelay $0x1  }
0xb3: {  	v59 =	vld [tilespmem:$0xE9E0];
	_ =	sdelay $0x2  }
0xb4: {  	v60 =	vadd.f32 v20, v23;
	v4 =	vmul.f32 v2, v4;
	_ =	sdelay $0x1  }
0xb5: {  	v6 =	vmul.f32 v1, v59;
	v4 =	vsub.f32 v60, v4;
	_ =	sdelay $0x1  }
0xb6: {  	v4 =	vsub.f32 v4, v6;
	_ =	sdelay $0x1  }
0xb7: {  	v4 =	vmul.f32 v4, v58;
	_ =	sdelay $0x1  }
0xb8: {  	[tilespmem:s28+$0xC9A0] =	vst v4  }
0xb9: {  	v4 =	vld [tilespmem:$0xE9B0];
	_ =	sdelay $0x1  }
0xba: {  	v61 =	vld [tilespmem:$0xE9F0];
	_ =	sdelay $0x2  }
0xbb: {  	v62 =	vadd.f32 v14, v15;
	v4 =	vmul.f32 v2, v4;
	_ =	sdelay $0x1  }
0xbc: {  	v6 =	vmul.f32 v1, v61;
	v4 =	vsub.f32 v62, v4;
	_ =	sdelay $0x1  }
0xbd: {  	v4 =	vsub.f32 v4, v6;
	_ =	sdelay $0x1  }
0xbe: {  	v4 =	vmul.f32 v4, v58;
	_ =	sdelay $0x1  }
0xbf: {  	[tilespmem:s28+$0xC9B0] =	vst v4  }
0xc0: {  	v4 =	vld [tilespmem:$0xE9C0];
	_ =	sdelay $0x1  }
0xc1: {  	v63 =	vld [tilespmem:$0xEA00];
	_ =	sdelay $0x2  }
0xc2: {  	v0 =	vadd.f32 v0, v3;
	v2 =	vmul.f32 v2, v4;
	_ =	sdelay $0x1  }
0xc3: {  	v1 =	vmul.f32 v1, v63;
	v0 =	vsub.f32 v0, v2  }
0xc4: {  	p0 =	seq.s32 s25, $0x3F  }
.Ltmp3:
0xc5: {  	v0 =	vsub.f32 v0, v1;
	(pc) =	sbr.rel @p0 .LBB2_6-.Ltmp3, $3  }
0xc6: {  	_ = 	snop  }
0xc7: {  	v0 =	vmul.f32 v0, v58;
	_ =	sdelay $0x1  }
0xc8: {  	[tilespmem:s28+$0xC9C0] =	vst v0  }
0xc9: {  	v0 =	vld [tilespmem:s26+$0x190];
	_ =	sdelay $0x4  }
0xca: {  	v1 =	vshll.u32 v0, $0x1  }
0xcb: {  	v2 =	vand.u32 $0xFFFFF800, v0;
	v0 =	vshrl.u32 v0, $0xA;
	v1 =	vand.u32 $0x7FE, v1  }
0xcc: {  	v0 =	vand.u32 $0x1, v0;
	v1 =	vor.u32 v2, v1  }
0xcd: {  	v0 =	vor.u32 v0, v1  }
0xce: {  	[tilespmem:$0xC800] =	vst v0  }
0xcf: {  	v0 =	vld [tilespmem:s26+$0x1A0];
	_ =	sdelay $0x4  }
0xd0: {  	v40 =	vshll.u32 v0, $0x1  }
0xd1: {  	v41 =	vand.u32 $0xFFFFF800, v0;
	v0 =	vshrl.u32 v0, $0xA;
	v1 =	vand.u32 $0x7FE, v40  }
0xd2: {  	v0 =	vand.u32 $0x1, v0;
	v1 =	vor.u32 v41, v1  }
0xd3: {  	v0 =	vor.u32 v0, v1  }
0xd4: {  	[tilespmem:$0xC810] =	vst v0  }
0xd5: {  	v0 =	vld [tilespmem:s26+$0x1B0];
	_ =	sdelay $0x4  }
0xd6: {  	v42 =	vshll.u32 v0, $0x1  }
0xd7: {  	v43 =	vand.u32 $0xFFFFF800, v0;
	v0 =	vshrl.u32 v0, $0xA;
	v1 =	vand.u32 $0x7FE, v42  }
0xd8: {  	v0 =	vand.u32 $0x1, v0;
	v1 =	vor.u32 v43, v1  }
0xd9: {  	v0 =	vor.u32 v0, v1  }
0xda: {  	[tilespmem:$0xC820] =	vst v0  }
0xdb: {  	v0 =	vld [tilespmem:s26+$0x1C0];
	_ =	sdelay $0x4  }
0xdc: {  	v44 =	vshll.u32 v0, $0x1  }
0xdd: {  	v45 =	vand.u32 $0xFFFFF800, v0;
	v0 =	vshrl.u32 v0, $0xA;
	v1 =	vand.u32 $0x7FE, v44  }
0xde: {  	v0 =	vand.u32 $0x1, v0;
	v1 =	vor.u32 v45, v1  }
0xdf: {  	v0 =	vor.u32 v0, v1  }
0xe0: {  	[tilespmem:$0xC830] =	vst v0  }
0xe1: {  	v0 =	vld [tilespmem:s26+$0x1D0];
	_ =	sdelay $0x4  }
0xe2: {  	v46 =	vshll.u32 v0, $0x1  }
0xe3: {  	v47 =	vand.u32 $0xFFFFF800, v0;
	v0 =	vshrl.u32 v0, $0xA;
	v1 =	vand.u32 $0x7FE, v46  }
0xe4: {  	v0 =	vand.u32 $0x1, v0;
	v1 =	vor.u32 v47, v1  }
0xe5: {  	v0 =	vor.u32 v0, v1  }
0xe6: {  	[tilespmem:$0xC840] =	vst v0  }
0xe7: {  	v0 =	vld [tilespmem:s26+$0x1E0];
	_ =	sdelay $0x4  }
0xe8: {  	v48 =	vshll.u32 v0, $0x1  }
0xe9: {  	v49 =	vand.u32 $0xFFFFF800, v0;
	v0 =	vshrl.u32 v0, $0xA;
	v1 =	vand.u32 $0x7FE, v48  }
0xea: {  	v0 =	vand.u32 $0x1, v0;
	v1 =	vor.u32 v49, v1  }
0xeb: {  	v0 =	vor.u32 v0, v1  }
0xec: {  	[tilespmem:$0xC850] =	vst v0  }
0xed: {  	v0 =	vld [tilespmem:s26+$0x1F0];
	_ =	sdelay $0x4  }
0xee: {  	v50 =	vshll.u32 v0, $0x1  }
0xef: {  	v51 =	vand.u32 $0xFFFFF800, v0;
	v0 =	vshrl.u32 v0, $0xA;
	v1 =	vand.u32 $0x7FE, v50  }
0xf0: {  	v0 =	vand.u32 $0x1, v0;
	v1 =	vor.u32 v51, v1  }
0xf1: {  	v0 =	vor.u32 v0, v1  }
0xf2: {  	[tilespmem:$0xC860] =	vst v0  }
0xf3: {  	v0 =	vld [tilespmem:s26+$0x200];
	_ =	sdelay $0x4  }
0xf4: {  	v52 =	vshll.u32 v0, $0x1  }
0xf5: {  	v53 =	vand.u32 $0xFFFFF800, v0;
	v0 =	vshrl.u32 v0, $0xA;
	v1 =	vand.u32 $0x7FE, v52  }
0xf6: {  	v0 =	vand.u32 $0x1, v0;
	v1 =	vor.u32 v53, v1  }
0xf7: {  	v0 =	vor.u32 v0, v1  }
0xf8: {  	[tilespmem:$0xC870] =	vst v0  }
0xf9: {  	v0 =	vld [tilespmem:s26+$0x210];
	_ =	sdelay $0x4  }
0xfa: {  	v54 =	vshll.u32 v0, $0x1  }
0xfb: {  	v55 =	vand.u32 $0xFFFFF800, v0;
	v0 =	vshrl.u32 v0, $0xA;
	v1 =	vand.u32 $0x7FE, v54  }
0xfc: {  	v0 =	vand.u32 $0x1, v0;
	v1 =	vor.u32 v55, v1  }
0xfd: {  	v0 =	vor.u32 v0, v1  }
0xfe: {  	[tilespmem:$0xC880] =	vst v0  }
0xff: {  	v0 =	vld [tilespmem:s26+$0x220];
	_ =	sdelay $0x4  }
0x100: {  	v56 =	vshll.u32 v0, $0x1  }
0x101: {  	v57 =	vand.u32 $0xFFFFF800, v0;
	v0 =	vshrl.u32 v0, $0xA;
	v1 =	vand.u32 $0x7FE, v56  }
0x102: {  	v0 =	vand.u32 $0x1, v0;
	v1 =	vor.u32 v57, v1  }
0x103: {  	v0 =	vor.u32 v0, v1  }
0x104: {  	[tilespmem:$0xC890] =	vst v0  }
0x105: {  	v0 =	vld [tilespmem:s26+$0x230];
	_ =	sdelay $0x4  }
0x106: {  	v58 =	vshll.u32 v0, $0x1  }
0x107: {  	v59 =	vand.u32 $0xFFFFF800, v0;
	v0 =	vshrl.u32 v0, $0xA;
	v1 =	vand.u32 $0x7FE, v58  }
0x108: {  	v0 =	vand.u32 $0x1, v0;
	v1 =	vor.u32 v59, v1  }
0x109: {  	v0 =	vor.u32 v0, v1  }
0x10a: {  	[tilespmem:$0xC8A0] =	vst v0  }
0x10b: {  	v0 =	vld [tilespmem:s26+$0x240];
	_ =	sdelay $0x4  }
0x10c: {  	v60 =	vshll.u32 v0, $0x1  }
0x10d: {  	v61 =	vand.u32 $0xFFFFF800, v0;
	v0 =	vshrl.u32 v0, $0xA;
	v1 =	vand.u32 $0x7FE, v60  }
0x10e: {  	v0 =	vand.u32 $0x1, v0;
	v1 =	vor.u32 v61, v1  }
0x10f: {  	v0 =	vor.u32 v0, v1  }
0x110: {  	[tilespmem:$0xC8B0] =	vst v0  }
0x111: {  	v0 =	vld [tilespmem:s26+$0x248];
	_ =	sdelay $0x4  }
0x112: {  	v62 =	vshll.u32 v0, $0x1  }
0x113: {  	v63 =	vand.u32 $0xFFFFF800, v0;
	v0 =	vshrl.u32 v0, $0xA;
	v1 =	vand.u32 $0x7FE, v62  }
0x114: {  	v0 =	vand.u32 $0x1, v0;
	v1 =	vor.u32 v63, v1  }
0x115: {  	v0 =	vor.u32 v0, v1  }
0x116: {  	[tilespmem:$0xC8B8] =	vst v0  }
0x117: {  	[tilespmem:s13], [sflag:$0x1] =	stream.indirect.gather [hbm4b:s3+s11], $0x40, s12, s11, $0xb8;
	[tilespmem:$0xEA10] =	vst v63  }
0x118: {  	_ = 	snop  }
0x119: {  	[tilespmem:s16], [sflag:$0x1] =	stream.indirect.gather [hbm4b:s3+s14], $0x40, s15, s14, $0xb8;
	[tilespmem:$0xEA10] =	vst v63  }
.LBB2_6:
0x11a: {  	_ =	swait.ge [sflag:s22], $0x1A00  }
0x11b: {  	s28 =	sshll.u32 s25, $0x1;
	[sflag:s22] =	ssyncset.done $0x0  }
0x11c: {  	s28 =	sor.u32 $0x1, s28;
	[sflag:s22] =	ssyncadd.s32 $0xFFFFE600  }
0x11d: {  	s29 =	smul.u32 $0x320, s28;
	_ =	swait.ge [sflag:s22], $0x1800  }
0x11e: {  	[sflag:s22] =	ssyncset.done $0x0  }
0x11f: {  	s29 =	sshra.s32 s29, $0x2;
	[sflag:s22] =	ssyncadd.s32 $0xFFFFE800  }
0x120: {  	v0 =	vld [tilespmem:s29+$0x0]  }
0x121: {  	v3 =	vld [tilespmem:s29+$0x10]  }
0x122: {  	v7 =	vld [tilespmem:s29+$0x20];
	_ =	sdelay $0x1  }
0x123: {  	v31 =	vimm.f32 $0.0e+00;
	v8 =	vld [tilespmem:s29+$0x30]  }
0x124: {  	v23 =	vimm.f32 $0.0e+00;
	vm1 =	veq.s32 v0, $0x0;
	vm2 =	veq.s32 v0, $0x1;
	v0 =	vld [tilespmem:s29+$0x40]  }
0x125: {  	v13 =	vld [tilespmem:s29+$0x50];
	v2 =	vmpcnt.ones.xlane vm1;
	v1 =	vmpcnt.ones.xlane vm2;
	vm1 =	veq.s32 v3, $0x0  }
0x126: {  	vm2 =	veq.s32 v7, $0x0;
	v4 =	vmpcnt.ones.xlane vm1;
	vm1 =	veq.s32 v3, $0x1  }
0x127: {  	v6 =	vmpcnt.ones.xlane vm2;
	v3 =	vld [tilespmem:s29+$0x60];
	v5 =	vmpcnt.ones.xlane vm1;
	vm1 =	veq.s32 v7, $0x1  }
0x128: {  	v14 =	vld [tilespmem:s29+$0x70];
	vm2 =	veq.s32 v8, $0x1;
	v7 =	vmpcnt.ones.xlane vm1;
	vm1 =	veq.s32 v8, $0x0  }
0x129: {  	v15 =	vld [tilespmem:s29+$0x80];
	v8 =	vmpcnt.ones.xlane vm2;
	v9 =	vmpcnt.ones.xlane vm1;
	vm1 =	veq.s32 v0, $0x0  }
0x12a: {  	vm2 =	veq.s32 v13, $0x0;
	v10 =	vmpcnt.ones.xlane vm1;
	vm1 =	veq.s32 v0, $0x1  }
0x12b: {  	v12 =	vmpcnt.ones.xlane vm2;
	v0 =	vld [tilespmem:s29+$0x90];
	v11 =	vmpcnt.ones.xlane vm1;
	vm1 =	veq.s32 v13, $0x1  }
0x12c: {  	vm2 =	veq.s32 v3, $0x1;
	v13 =	vmpcnt.ones.xlane vm1;
	vm1 =	veq.s32 v3, $0x0;
	v3 =	vld [tilespmem:s29+$0xA0]  }
0x12d: {  	v20 =	vld [tilespmem:s29+$0xB0];
	v16 =	vmpcnt.ones.xlane vm2;
	v17 =	vmpcnt.ones.xlane vm1;
	vm1 =	veq.s32 v14, $0x0  }
0x12e: {  	vm2 =	veq.s32 v15, $0x0;
	v18 =	vmpcnt.ones.xlane vm1;
	vm1 =	veq.s32 v14, $0x1  }
0x12f: {  	v21 =	vmpcnt.ones.xlane vm2;
	v14 =	vld [tilespmem:s29+$0xB8];
	v19 =	vmpcnt.ones.xlane vm1;
	vm1 =	veq.s32 v15, $0x1  }
0x130: {  	vm2 =	veq.s32 v0, $0x1;
	v22 =	vmpcnt.ones.xlane vm1;
	vm1 =	veq.s32 v0, $0x0  }
0x131: {  	v24 =	vmpcnt.ones.xlane vm2;
	v25 =	vmpcnt.ones.xlane vm1;
	vm1 =	veq.s32 v3, $0x0  }
0x132: {  	s30 =	simm.s32 $0x0;
	vm2 =	veq.s32 v20, $0x0;
	v26 =	vmpcnt.ones.xlane vm1;
	vm1 =	veq.s32 v3, $0x1  }
0x133: {  	v15 =	vimm.f32 $0.0e+00;
	v0 =	vld [tilespmem:s30+$0x9630];
	v29 =	vmpcnt.ones.xlane vm2;
	v27 =	vmpcnt.ones.xlane vm1  }
0x134: {  	v28 =	vld [tilespmem:s30+$0x9600];
	vm1 =	veq.s32 v20, $0x1;
	vm2 =	veq.s32 v14, $0x0;
	vm3 =	veq.s32 v14, $0x1  }
0x135: {  	v20 =	vld [tilespmem:s30+$0x9610];
	v30 =	vmpcnt.ones.xlane vm1;
	vm1 =	vmand vm2, vm0;
	vm2 =	vmand vm3, vm0  }
0x136: {  	s29 =	simm.s32 $0x100;
	v3 =	vimm.f32 $0.0e+00;
	v14 =	vld [tilespmem:s30+$0x9620];
	v33 =	vmpcnt.ones.xlane vm1;
	v32 =	vmpcnt.ones.xlane vm2  }
.LBB2_7:
0x137: {  	p1 =	sne.s32 s29, $0xC700  }
.Ltmp4:
0x138: {  	s30 =	sshra.s32 s29, $0x2;
	s29 =	sadd.s32 $0x100, s29;
	v3 =	vadd.f32 v0, v3;
	(pc) =	sbr.rel @p1 .LBB2_7-.Ltmp4, $4  }
0x139: {  	v0 =	vld [tilespmem:s30+$0x9630];
	v31 =	vadd.f32 v28, v31  }
0x13a: {  	v28 =	vld [tilespmem:s30+$0x9600];
	v23 =	vadd.f32 v20, v23  }
0x13b: {  	v20 =	vld [tilespmem:s30+$0x9610];
	v15 =	vadd.f32 v14, v15  }
0x13c: {  	v14 =	vld [tilespmem:s30+$0x9620]  }
0x13d: {  	v2 =	vadd.s32 v2, v4  }
0x13e: {  	v2 =	vadd.s32 v6, v2  }
0x13f: {  	v1 =	vadd.s32 v1, v5;
	v2 =	vadd.s32 v9, v2  }
0x140: {  	v1 =	vadd.s32 v7, v1;
	v2 =	vadd.s32 v10, v2  }
0x141: {  	v1 =	vadd.s32 v8, v1;
	v2 =	vadd.s32 v12, v2  }
0x142: {  	v1 =	vadd.s32 v11, v1;
	v2 =	vadd.s32 v17, v2  }
0x143: {  	v1 =	vadd.s32 v13, v1;
	v2 =	vadd.s32 v18, v2  }
0x144: {  	v1 =	vadd.s32 v16, v1;
	v2 =	vadd.s32 v21, v2  }
0x145: {  	v1 =	vadd.s32 v19, v1;
	v2 =	vadd.s32 v25, v2  }
0x146: {  	v1 =	vadd.s32 v22, v1;
	v2 =	vadd.s32 v26, v2  }
0x147: {  	v1 =	vadd.s32 v24, v1;
	v2 =	vadd.s32 v29, v2  }
0x148: {  	v1 =	vadd.s32 v27, v1;
	v2 =	vadd.s32 v33, v2  }
0x149: {  	v1 =	vadd.s32 v30, v1;
	v2 =	vcvt.s32.f32 v2  }
0x14a: {  	v1 =	vadd.s32 v32, v1  }
0x14b: {  	v1 =	vcvt.s32.f32 v1;
	v54 =	vsub.f32 $2.000000000e+02, v2;
	_ =	sdelay $0x1  }
0x14c: {  	v4 =	vsub.f32 v54, v1  }
0x14d: {  	v55 =	vld [tilespmem:$0xE990]  }
0x14e: {  	(erf) = vrcp.f32 v4  }
0x14f: {  	v56 =	vld [tilespmem:$0xE9D0];
	_ =	sdelay $0x2  }
0x150: {  	v57 =	vadd.f32 v28, v31;
	v5 =	vmul.f32 v2, v55;
	_ =	sdelay $0x1  }
0x151: {  	v5 =	vsub.f32 v57, v5;
	v4 =	vmul.f32 v1, v56;
	_ =	sdelay $0x1  }
0x152: {  	v4 =	vsub.f32 v5, v4  }
0x153: {  	v58 =	vpop (erf)  }
0x154: {  	s28 =	sshll.u32 s28, $0x6;
	v4 =	vmul.f32 v4, v58  }
0x155: {  	s28 =	sand.u32 $0x3FFFFFC0, s28  }
0x156: {  	[tilespmem:s28+$0xC990] =	vst v4  }
0x157: {  	v4 =	vld [tilespmem:$0xE9A0];
	_ =	sdelay $0x1  }
0x158: {  	v59 =	vld [tilespmem:$0xE9E0];
	_ =	sdelay $0x2  }
0x159: {  	v60 =	vadd.f32 v20, v23;
	v4 =	vmul.f32 v2, v4;
	_ =	sdelay $0x1  }
0x15a: {  	v6 =	vmul.f32 v1, v59;
	v4 =	vsub.f32 v60, v4;
	_ =	sdelay $0x1  }
0x15b: {  	v4 =	vsub.f32 v4, v6;
	_ =	sdelay $0x1  }
0x15c: {  	v4 =	vmul.f32 v4, v58;
	_ =	sdelay $0x1  }
0x15d: {  	[tilespmem:s28+$0xC9A0] =	vst v4  }
0x15e: {  	v4 =	vld [tilespmem:$0xE9B0];
	_ =	sdelay $0x1  }
0x15f: {  	v61 =	vld [tilespmem:$0xE9F0];
	_ =	sdelay $0x2  }
0x160: {  	v62 =	vadd.f32 v14, v15;
	v4 =	vmul.f32 v2, v4;
	_ =	sdelay $0x1  }
0x161: {  	v6 =	vmul.f32 v1, v61;
	v4 =	vsub.f32 v62, v4;
	_ =	sdelay $0x1  }
0x162: {  	v4 =	vsub.f32 v4, v6;
	_ =	sdelay $0x1  }
0x163: {  	v4 =	vmul.f32 v4, v58;
	_ =	sdelay $0x1  }
0x164: {  	[tilespmem:s28+$0xC9B0] =	vst v4  }
0x165: {  	v4 =	vld [tilespmem:$0xE9C0];
	_ =	sdelay $0x1  }
0x166: {  	v63 =	vld [tilespmem:$0xEA00];
	_ =	sdelay $0x2  }
0x167: {  	v0 =	vadd.f32 v0, v3;
	v2 =	vmul.f32 v2, v4;
	_ =	sdelay $0x1  }
0x168: {  	v1 =	vmul.f32 v1, v63;
	v0 =	vsub.f32 v0, v2;
	_ =	sdelay $0x1  }
.Ltmp5:
0x169: {  	v0 =	vsub.f32 v0, v1;
	(pc) =	sbr.rel @p0 .LBB2_10-.Ltmp5, $3  }
0x16a: {  	_ = 	snop  }
0x16b: {  	v0 =	vmul.f32 v0, v58;
	_ =	sdelay $0x1  }
0x16c: {  	[tilespmem:s28+$0xC9C0] =	vst v0  }
0x16d: {  	v0 =	vld [tilespmem:s26+$0x258];
	_ =	sdelay $0x4  }
0x16e: {  	v1 =	vshll.u32 v0, $0x1  }
0x16f: {  	v2 =	vand.u32 $0xFFFFF800, v0;
	v0 =	vshrl.u32 v0, $0xA;
	v1 =	vand.u32 $0x7FE, v1  }
0x170: {  	v0 =	vand.u32 $0x1, v0;
	v1 =	vor.u32 v2, v1  }
0x171: {  	v0 =	vor.u32 v0, v1  }
0x172: {  	[tilespmem:$0xC8C8] =	vst v0  }
0x173: {  	v0 =	vld [tilespmem:s26+$0x268];
	_ =	sdelay $0x4  }
0x174: {  	v40 =	vshll.u32 v0, $0x1  }
0x175: {  	v41 =	vand.u32 $0xFFFFF800, v0;
	v0 =	vshrl.u32 v0, $0xA;
	v1 =	vand.u32 $0x7FE, v40  }
0x176: {  	v0 =	vand.u32 $0x1, v0;
	v1 =	vor.u32 v41, v1  }
0x177: {  	v0 =	vor.u32 v0, v1  }
0x178: {  	[tilespmem:$0xC8D8] =	vst v0  }
0x179: {  	v0 =	vld [tilespmem:s26+$0x278];
	_ =	sdelay $0x4  }
0x17a: {  	v42 =	vshll.u32 v0, $0x1  }
0x17b: {  	v43 =	vand.u32 $0xFFFFF800, v0;
	v0 =	vshrl.u32 v0, $0xA;
	v1 =	vand.u32 $0x7FE, v42  }
0x17c: {  	v0 =	vand.u32 $0x1, v0;
	v1 =	vor.u32 v43, v1  }
0x17d: {  	v0 =	vor.u32 v0, v1  }
0x17e: {  	[tilespmem:$0xC8E8] =	vst v0  }
0x17f: {  	v0 =	vld [tilespmem:s26+$0x288];
	_ =	sdelay $0x4  }
0x180: {  	v44 =	vshll.u32 v0, $0x1  }
0x181: {  	v45 =	vand.u32 $0xFFFFF800, v0;
	v0 =	vshrl.u32 v0, $0xA;
	v1 =	vand.u32 $0x7FE, v44  }
0x182: {  	v0 =	vand.u32 $0x1, v0;
	v1 =	vor.u32 v45, v1  }
0x183: {  	v0 =	vor.u32 v0, v1  }
0x184: {  	[tilespmem:$0xC8F8] =	vst v0  }
0x185: {  	v0 =	vld [tilespmem:s26+$0x298];
	_ =	sdelay $0x4  }
0x186: {  	v46 =	vshll.u32 v0, $0x1  }
0x187: {  	v47 =	vand.u32 $0xFFFFF800, v0;
	v0 =	vshrl.u32 v0, $0xA;
	v1 =	vand.u32 $0x7FE, v46  }
0x188: {  	v0 =	vand.u32 $0x1, v0;
	v1 =	vor.u32 v47, v1  }
0x189: {  	v0 =	vor.u32 v0, v1  }
0x18a: {  	[tilespmem:$0xC908] =	vst v0  }
0x18b: {  	v0 =	vld [tilespmem:s26+$0x2A8];
	_ =	sdelay $0x4  }
0x18c: {  	v48 =	vshll.u32 v0, $0x1  }
0x18d: {  	v49 =	vand.u32 $0xFFFFF800, v0;
	v0 =	vshrl.u32 v0, $0xA;
	v1 =	vand.u32 $0x7FE, v48  }
0x18e: {  	v0 =	vand.u32 $0x1, v0;
	v1 =	vor.u32 v49, v1  }
0x18f: {  	v0 =	vor.u32 v0, v1  }
0x190: {  	[tilespmem:$0xC918] =	vst v0  }
0x191: {  	v0 =	vld [tilespmem:s26+$0x2B8];
	_ =	sdelay $0x4  }
0x192: {  	v50 =	vshll.u32 v0, $0x1  }
0x193: {  	v51 =	vand.u32 $0xFFFFF800, v0;
	v0 =	vshrl.u32 v0, $0xA;
	v1 =	vand.u32 $0x7FE, v50  }
0x194: {  	v0 =	vand.u32 $0x1, v0;
	v1 =	vor.u32 v51, v1  }
0x195: {  	v0 =	vor.u32 v0, v1  }
0x196: {  	[tilespmem:$0xC928] =	vst v0  }
0x197: {  	v0 =	vld [tilespmem:s26+$0x2C8];
	_ =	sdelay $0x4  }
0x198: {  	v52 =	vshll.u32 v0, $0x1  }
0x199: {  	v53 =	vand.u32 $0xFFFFF800, v0;
	v0 =	vshrl.u32 v0, $0xA;
	v1 =	vand.u32 $0x7FE, v52  }
0x19a: {  	v0 =	vand.u32 $0x1, v0;
	v1 =	vor.u32 v53, v1  }
0x19b: {  	v0 =	vor.u32 v0, v1  }
0x19c: {  	[tilespmem:$0xC938] =	vst v0  }
0x19d: {  	v0 =	vld [tilespmem:s26+$0x2D8];
	_ =	sdelay $0x4  }
0x19e: {  	v54 =	vshll.u32 v0, $0x1  }
0x19f: {  	v55 =	vand.u32 $0xFFFFF800, v0;
	v0 =	vshrl.u32 v0, $0xA;
	v1 =	vand.u32 $0x7FE, v54  }
0x1a0: {  	v0 =	vand.u32 $0x1, v0;
	v1 =	vor.u32 v55, v1  }
0x1a1: {  	v0 =	vor.u32 v0, v1  }
0x1a2: {  	[tilespmem:$0xC948] =	vst v0  }
0x1a3: {  	v0 =	vld [tilespmem:s26+$0x2E8];
	_ =	sdelay $0x4  }
0x1a4: {  	v56 =	vshll.u32 v0, $0x1  }
0x1a5: {  	v57 =	vand.u32 $0xFFFFF800, v0;
	v0 =	vshrl.u32 v0, $0xA;
	v1 =	vand.u32 $0x7FE, v56  }
0x1a6: {  	v0 =	vand.u32 $0x1, v0;
	v1 =	vor.u32 v57, v1  }
0x1a7: {  	v0 =	vor.u32 v0, v1  }
0x1a8: {  	[tilespmem:$0xC958] =	vst v0  }
0x1a9: {  	v0 =	vld [tilespmem:s26+$0x2F8];
	_ =	sdelay $0x4  }
0x1aa: {  	v58 =	vshll.u32 v0, $0x1  }
0x1ab: {  	v59 =	vand.u32 $0xFFFFF800, v0;
	v0 =	vshrl.u32 v0, $0xA;
	v1 =	vand.u32 $0x7FE, v58  }
0x1ac: {  	v0 =	vand.u32 $0x1, v0;
	v1 =	vor.u32 v59, v1  }
0x1ad: {  	v0 =	vor.u32 v0, v1  }
0x1ae: {  	[tilespmem:$0xC968] =	vst v0  }
0x1af: {  	v0 =	vld [tilespmem:s26+$0x308];
	_ =	sdelay $0x4  }
0x1b0: {  	v60 =	vshll.u32 v0, $0x1  }
0x1b1: {  	v61 =	vand.u32 $0xFFFFF800, v0;
	v0 =	vshrl.u32 v0, $0xA;
	v1 =	vand.u32 $0x7FE, v60  }
0x1b2: {  	v0 =	vand.u32 $0x1, v0;
	v1 =	vor.u32 v61, v1  }
0x1b3: {  	v0 =	vor.u32 v0, v1  }
0x1b4: {  	[tilespmem:$0xC978] =	vst v0  }
0x1b5: {  	v0 =	vld [tilespmem:s26+$0x310];
	_ =	sdelay $0x4  }
0x1b6: {  	v62 =	vshll.u32 v0, $0x1  }
0x1b7: {  	v63 =	vand.u32 $0xFFFFF800, v0;
	v0 =	vshrl.u32 v0, $0xA;
	v1 =	vand.u32 $0x7FE, v62  }
0x1b8: {  	v0 =	vand.u32 $0x1, v0;
	v1 =	vor.u32 v63, v1  }
.Ltmp6:
0x1b9: {  	v0 =	vor.u32 v0, v1;
	(pc) =	sbr.rel .LBB2_2-.Ltmp6, $4  }
0x1ba: {  	[tilespmem:$0xC980] =	vst v0  }
0x1bb: {  	[tilespmem:s18], [sflag:$0x2] =	stream.indirect.gather [hbm4b:s3+s11], $0x40, s17, s11, $0xb8;
	[tilespmem:$0xEA10] =	vst v63  }
0x1bc: {  	s25 =	sadd.s32 $0x1, s25  }
0x1bd: {  	[tilespmem:s20], [sflag:$0x2] =	stream.indirect.gather [hbm4b:s3+s14], $0x40, s19, s14, $0xb8;
	[tilespmem:$0xEA10] =	vst v63  }
.LBB2_11:
0x1be: {  	_ =	sfence.sel $0x180000  }
0x1bf: {  	[bflag:$0x0] =	sbarrier.arrive $0xFFFF  }
0x1c0: {  	p0 =	sne.s32 s1, $0x0;
	_ =	strace $0x90000047  }
0x1c1: {  	s0 =	sadd.s32 @!p0 $0x100000, s0;
	[bflag:$0x2] =	sbarrier.arrive $0xFFFF  }
0x1c2: {  	[sflag:s0] =	ssyncadd.tile.s32 @!p0 $0x1;
	_ =	shalt  }
.Lfunc_end2:
_tile_overlayer_lowered:
.L_overlay_start_2:
0x1c3: {  	(tag) =	ssettag $0x2  }
0x1c4: {  	s0 =	rddreg [dreg:$0x0];
	s2 =	stileid.u32  }
0x1c5: {  	s1 =	rddreg [dreg:$0x1];
	p0 =	sne.s32 s2, $0x0  }
0x1c6: {  	s3 =	rddreg [dreg:$0x2];
	[bflag:$0x3] =	sbarrier.arrive $0xFFFF;
	s2 =	simm.s32 @!p0 $0x1C03  }
0x1c7: {  	[timem:s3], [sflag:s2] =	dma.local @!p0 [hbm:s0], s1  }
0x1c8: {  	s0 =	simm.s32 @!p0 $0x3  }
0x1c9: {  	_ =	swait.ge @!p0 [sflag:s0], s1  }
0x1ca: {  	s1 =	ssub.s32 @!p0 $0x0, s1;
	[sflag:s0] =	ssyncset.done @!p0 $0x0  }
0x1cb: {  	[sflag:s0] =	ssyncadd.s32 @!p0 s1  }
0x1cc: {  	[bflag:$0x3] =	sbarrier.arrive $0xFFFF  }
0x1cd: {  	_ =	shalt  }

</sc_bundles>
